<compile_context>
chip_gen: v7x
topology: tpu7x:2x2x1
jax: 0.10.2.dev20260603
libtpu: 0.0.44.dev20260713+nightly
codegen_flags: <defaults>
</compile_context>

<pallas_src>
import functools

import jax
import jax.numpy as jnp
from jax import lax
from jax.experimental import pallas as pl
from jax.experimental.pallas import tpu as pltpu
from jax.experimental.pallas import tpu_sc as plsc

H = 4
HD = 32
F = H * HD
NC = 2
NS = 16
L = 16
NW = NC * NS
SB = 2000
B = 80


def _proj_body(x_ref, wn_ref, b_ref, a_ref, s_ref, node_ref, ascal_ref, sl_ref):
    x = x_ref[...]
    node = jnp.dot(x, wn_ref[...], preferred_element_type=jnp.float32) + b_ref[...]
    node_ref[...] = node
    ascal_ref[...] = jnp.dot(node, a_ref[...], preferred_element_type=jnp.float32)
    sl_ref[...] = jnp.dot(node, s_ref[...], preferred_element_type=jnp.float32)


def _edge_body(ef_ref, we_ref, be_ref, ae_ref, ba_ref, edge_ref, aedge_ref):
    ef = ef_ref[...]
    edge = jnp.einsum("rd,rdc->rc", ef, we_ref[...],
                      preferred_element_type=jnp.float32) + be_ref[...]
    edge_ref[...] = edge
    aedge_ref[...] = (jnp.dot(edge, ae_ref[...], preferred_element_type=jnp.float32)
                      + ba_ref[...])


def _final_body(acc_ref, den_ref, m4_ref, sl_ref, out_ref):
    acc = jnp.sum(acc_ref[...], axis=0)
    den = jnp.dot(den_ref[...], m4_ref[...],
                  preferred_element_type=jnp.float32)
    inv = (1.0 / jnp.where(den > 0, den, 1.0))[:, :, None]
    v = (acc.reshape(-1, H, HD) * inv).reshape(-1, F) + sl_ref[...]
    out_ref[...] = jnp.where(v > 0, v, 0.01 * v)


def _att_p(ascal_t, aedge_t, sv, dv, tv):
    sv8 = sv * 8
    dv8 = dv * 8
    tv4 = tv * 4
    out = []
    for h in range(H):
        a = (plsc.load_gather(ascal_t, [sv8 + h])
             + plsc.load_gather(ascal_t, [dv8 + (H + h)])
             + plsc.load_gather(aedge_t, [tv4 + h]))
        a = jnp.maximum(a, a * 0.01)
        out.append(jnp.exp(a))
    return out


def _make_sc_den(n, e):
    epw = e // NW
    nsb = epw // SB

    def body(src_hbm, dst_hbm, typ_hbm, ascal_hbm, aedge_hbm, zden_hbm,
             den_out, p_out, src_f, dst_f, typ_f, p_v, ascal_t, aedge_t, den_t):
        c = lax.axis_index("c")
        s = lax.axis_index("s")
        wid = c * NS + s
        pltpu.sync_copy(ascal_hbm, ascal_t)
        pltpu.sync_copy(aedge_hbm, aedge_t)
        pltpu.sync_copy(zden_hbm, den_t)

        iota = lax.iota(jnp.int32, L)
        lane_h = jnp.bitwise_and(iota, 3)
        lane_m = iota < H

        def super_body(sb, carry):
            base = wid * epw + sb * SB
            pltpu.sync_copy(src_hbm.at[pl.ds(base, SB)], src_f)
            pltpu.sync_copy(dst_hbm.at[pl.ds(base, SB)], dst_f)
            pltpu.sync_copy(typ_hbm.at[pl.ds(base, SB)], typ_f)

            def batch_body(b, carry2):
                @plsc.parallel_loop(0, B // L, unroll=2)
                def att_g(g):
                    le = b * B + g * L
                    rows = g * L + iota
                    sv = plsc.load_gather(src_f, [le + iota])
                    dv = plsc.load_gather(dst_f, [le + iota])
                    tv = plsc.load_gather(typ_f, [le + iota])
                    ps = _att_p(ascal_t, aedge_t, sv, dv, tv)
                    for h in range(H):
                        plsc.store_scatter(p_v, [rows * 4 + h], ps[h])

                @plsc.parallel_loop(0, B, unroll=4)
                def den_e(ei):
                    ge = jnp.full((L,), ei, jnp.int32)
                    dvs = plsc.load_gather(dst_f, [ge + b * B])
                    p4 = plsc.load_gather(p_v, [jnp.full((L,), ei * 4, jnp.int32)
                                                + lane_h])
                    plsc.addupdate_scatter(den_t, [dvs * 4 + lane_h], p4,
                                           mask=lane_m)
                pltpu.sync_copy(
                    p_v, p_out.at[pl.ds((base + b * B) * H, B * H)])
                return carry2
            lax.fori_loop(0, SB // B, batch_body, 0)
            return carry
        lax.fori_loop(0, nsb, super_body, 0)

        pltpu.sync_copy(den_t, den_out.at[pl.ds(wid * n * H, n * H)])

    return pl.kernel(
        body,
        out_type=[
            jax.ShapeDtypeStruct((NW * n * H,), jnp.float32),
            jax.ShapeDtypeStruct((e * H,), jnp.float32),
        ],
        compiler_params=pltpu.CompilerParams(needs_layout_passes=False),
        mesh=plsc.VectorSubcoreMesh(core_axis_name="c", subcore_axis_name="s"),
        scratch_types=[
            pltpu.VMEM((SB,), jnp.int32),
            pltpu.VMEM((SB,), jnp.int32),
            pltpu.VMEM((SB,), jnp.int32),
            pltpu.VMEM((B * H,), jnp.float32),
            pltpu.VMEM((n * 8,), jnp.float32),
            pltpu.VMEM((16 * H,), jnp.float32),
            pltpu.VMEM((n * H,), jnp.float32),
        ],
    )


def _make_sc_msg(n, e, r):
    epw = e // NW
    nsb = epw // SB
    npc = n // NS

    def body(src_hbm, dst_hbm, typ_hbm, p_hbm, node_hbm,
             edge_hbm, z128_hbm, acc_out,
             src_f, dst_f, typ_f, p_f, node_v, dst_ba, dst_bb, edge_t,
             acc_sh, gsa, gsb, ssa, ssb):
        c = lax.axis_index("c")
        s = lax.axis_index("s")
        wid = c * NS + s
        pltpu.sync_copy(edge_hbm, edge_t)
        pltpu.sync_copy(z128_hbm, acc_sh.at[pl.ds(s * npc, npc)])
        plsc.subcore_barrier()

        iota = lax.iota(jnp.int32, L)

        def super_body(sb, carry):
            base = wid * epw + sb * SB
            pltpu.sync_copy(src_hbm.at[pl.ds(base, SB)], src_f)
            pltpu.sync_copy(dst_hbm.at[pl.ds(base, SB)], dst_f)
            pltpu.sync_copy(typ_hbm.at[pl.ds(base, SB)], typ_f)
            pltpu.sync_copy(p_hbm.at[pl.ds(base * H, SB * H)], p_f)

            def batch_body(b, carry2):
                HA = 48
                ga = pltpu.async_copy(
                    node_hbm.at[src_f.at[pl.ds(b * B, HA)]],
                    node_v.at[pl.ds(0, HA)], gsa)
                gb = pltpu.async_copy(
                    node_hbm.at[src_f.at[pl.ds(b * B + HA, B - HA)]],
                    node_v.at[pl.ds(HA, B - HA)], gsb)
                for g in range(HA // L):
                    dst_ba[pl.ds(g * L, L)] = plsc.load_gather(
                        dst_f, [b * B + g * L + iota])
                for g in range(HA // L, B // L):
                    dst_bb[pl.ds(g * L - HA, L)] = plsc.load_gather(
                        dst_f, [b * B + g * L + iota])

                def msg_e(ei):
                    fe = jnp.full((L,), ei, jnp.int32)
                    ge = jnp.full((L,), b * B + ei, jnp.int32)
                    tv = plsc.load_gather(typ_f, [ge])
                    ps = [plsc.load_gather(p_f, [jnp.full((L,), (b * B + ei) * H + h,
                                                          jnp.int32)])
                          for h in range(H)]
                    for j in range(F // L):
                        cols = j * L + iota
                        nv = plsc.load_gather(node_v, [fe, cols])
                        ev = plsc.load_gather(edge_t, [tv, cols])
                        plsc.store_scatter(node_v, [fe, cols],
                                           nv * ev * ps[j // (HD // L)])

                ga.wait()
                plsc.parallel_loop(0, HA, unroll=8)(msg_e)
                sa = pltpu.async_copy(node_v.at[pl.ds(0, HA)],
                                      acc_sh.at[dst_ba], ssa, add=True)
                gb.wait()
                plsc.parallel_loop(HA, B, unroll=8)(msg_e)
                sb = pltpu.async_copy(node_v.at[pl.ds(HA, B - HA)],
                                      acc_sh.at[dst_bb], ssb, add=True)
                sa.wait()
                sb.wait()
                return carry2
            lax.fori_loop(0, SB // B, batch_body, 0)
            return carry
        lax.fori_loop(0, nsb, super_body, 0)

        plsc.subcore_barrier()

        @pl.when(s == 0)
        def _():
            pltpu.sync_copy(acc_sh, acc_out.at[c])

    return pl.kernel(
        body,
        out_type=jax.ShapeDtypeStruct((NC, n, F), jnp.float32),
        compiler_params=pltpu.CompilerParams(needs_layout_passes=False),
        mesh=plsc.VectorSubcoreMesh(core_axis_name="c", subcore_axis_name="s"),
        scratch_types=[
            pltpu.VMEM((SB,), jnp.int32),
            pltpu.VMEM((SB,), jnp.int32),
            pltpu.VMEM((SB,), jnp.int32),
            pltpu.VMEM((SB * H,), jnp.float32),
            pltpu.VMEM((B, F), jnp.float32),
            pltpu.VMEM((48,), jnp.int32),
            pltpu.VMEM((B - 48,), jnp.int32),
            pltpu.VMEM((r, F), jnp.float32),
            pltpu.VMEM_SHARED((n, F), jnp.float32),
            pltpu.SemaphoreType.DMA,
            pltpu.SemaphoreType.DMA,
            pltpu.SemaphoreType.DMA,
            pltpu.SemaphoreType.DMA,
        ],
    )


def kernel(node_feat, edge_feat, edge_index, edge_type, W_node, b_node,
           W_edge, b_edge, W_attn, b_attn, W_self):
    n = node_feat.shape[0]
    nd = node_feat.shape[1]
    r = edge_feat.shape[0]
    ed = edge_feat.shape[1]
    e = edge_type.shape[0]

    wn_flat = W_node.transpose(2, 0, 1).reshape(nd, F)
    b_flat = b_node.reshape(F)
    wa = W_attn[:, 0, :]
    eye_h = jnp.eye(H, dtype=jnp.float32)
    A = jnp.concatenate([
        (wa[:, :HD][:, :, None] * eye_h[:, None, :]).reshape(F, H),
        (wa[:, 2 * HD:][:, :, None] * eye_h[:, None, :]).reshape(F, H),
    ], axis=1)
    S = (W_self.transpose(0, 2, 1)[:, None, :, :] *
         eye_h[:, :, None, None]).transpose(0, 2, 1, 3).reshape(F, F)
    we = W_edge.transpose(1, 3, 0, 2).reshape(r, ed, F)
    be_flat = b_edge.transpose(1, 0, 2).reshape(r, F)
    a_edge_w = (wa[:, HD:2 * HD][:, :, None] * eye_h[:, None, :]).reshape(F, H)
    ba_row = b_attn[:, 0][None, :]

    BN = 2000
    grid = (n // BN,)
    node_flat, ascal, sl = pl.pallas_call(
        _proj_body,
        grid=grid,
        in_specs=[
            pl.BlockSpec((BN, nd), lambda i: (i, 0)),
            pl.BlockSpec((nd, F), lambda i: (0, 0)),
            pl.BlockSpec((F,), lambda i: (0,)),
            pl.BlockSpec((F, 2 * H), lambda i: (0, 0)),
            pl.BlockSpec((F, F), lambda i: (0, 0)),
        ],
        out_specs=[
            pl.BlockSpec((BN, F), lambda i: (i, 0)),
            pl.BlockSpec((BN, 2 * H), lambda i: (i, 0)),
            pl.BlockSpec((BN, F), lambda i: (i, 0)),
        ],
        out_shape=[
            jax.ShapeDtypeStruct((n, F), jnp.float32),
            jax.ShapeDtypeStruct((n, 2 * H), jnp.float32),
            jax.ShapeDtypeStruct((n, F), jnp.float32),
        ],
    )(node_feat, wn_flat, b_flat, A, S)

    edge_flat, aedge = pl.pallas_call(
        _edge_body,
        out_shape=[
            jax.ShapeDtypeStruct((r, F), jnp.float32),
            jax.ShapeDtypeStruct((r, H), jnp.float32),
        ],
    )(edge_feat, we, be_flat, a_edge_w, ba_row)

    src = edge_index[0]
    dst = edge_index[1]
    ascal_f = ascal.reshape(n * 8)
    aedge_f = aedge.reshape(r * H)
    zden = jnp.zeros((n * H,), jnp.float32)
    z128 = jnp.zeros((n // NS, F), jnp.float32)

    den_parts, p_edges = _make_sc_den(n, e)(src, dst, edge_type, ascal_f,
                                            aedge_f, zden)
    acc = _make_sc_msg(n, e, r)(src, dst, edge_type, p_edges, node_flat,
                                edge_flat, z128)
    den2d = den_parts.reshape(NW, n, H).transpose(1, 0, 2).reshape(n, NW * H)
    m4 = jnp.tile(eye_h, (NW, 1))

    out = pl.pallas_call(
        _final_body,
        grid=grid,
        in_specs=[
            pl.BlockSpec((NC, BN, F), lambda i: (0, i, 0)),
            pl.BlockSpec((BN, NW * H), lambda i: (i, 0)),
            pl.BlockSpec((NW * H, H), lambda i: (0, 0)),
            pl.BlockSpec((BN, F), lambda i: (i, 0)),
        ],
        out_specs=pl.BlockSpec((BN, F), lambda i: (i, 0)),
        out_shape=jax.ShapeDtypeStruct((n, F), jnp.float32),
    )(acc, den2d, m4, sl)
    return out

# --- scband reference (transcript-rebuilt; emitter-appended) ---
"""Pipeline reference for scband-multi-head-gatsingle-layer-16518444220667 (READ-ONLY COPY).

The authoritative reference and input builder live on the scoring server;
editing this copy changes nothing except your own understanding.
"""

import jax, jax.numpy as jnp
import numpy as np

H = 4
HD = 32
N = 10000
E = 320000
R = 16
ND = 128
ED = 16

def setup_inputs(seed: int = 0):
    key = jax.random.key(seed)
    ks = jax.random.split(key, 11)
    node_feat = jax.random.normal(ks[0], (N, ND), dtype=jnp.float32)
    edge_feat = jax.random.normal(ks[1], (R, ED), dtype=jnp.float32)
    edge_index = jax.random.randint(ks[2], (2, E), 0, N, dtype=jnp.int32)
    edge_type = jax.random.randint(ks[3], (E,), 0, R, dtype=jnp.int32)
    W_node = jax.random.normal(ks[4], (H, HD, ND), dtype=jnp.float32) * (1.0 / np.sqrt(ND))
    b_node = jax.random.normal(ks[5], (H, HD), dtype=jnp.float32) * 0.1
    W_edge = jax.random.normal(ks[6], (H, R, HD, ED), dtype=jnp.float32) * (1.0 / np.sqrt(ED))
    b_edge = jax.random.normal(ks[7], (H, R, HD), dtype=jnp.float32) * 0.1
    W_attn = jax.random.normal(ks[8], (H, 1, 3 * HD), dtype=jnp.float32) * (1.0 / np.sqrt(3 * HD))
    b_attn = jax.random.normal(ks[9], (H, 1), dtype=jnp.float32) * 0.1
    W_self = jax.random.normal(ks[10], (H, HD, HD), dtype=jnp.float32) * (1.0 / np.sqrt(HD))
    return {"node_feat": node_feat, "edge_feat": edge_feat, "edge_index": edge_index, "edge_type": edge_type, "W_node": W_node, "b_node": b_node, "W_edge": W_edge, "b_edge": b_edge, "W_attn": W_attn, "b_attn": b_attn, "W_self": W_self}

def reference(node_feat, edge_feat, edge_index, edge_type, W_node, b_node, W_edge, b_edge, W_attn, b_attn, W_self):
    n = node_feat.shape[0]
    # MultiHeadLinearTransformer on repeated node features: [H, N, HD]
    node_emb = jnp.einsum('nd,hkd->hnk', node_feat, W_node) + b_node[:, None, :]
    # MultiHeadRelationLinearTransformer on edge (relation) features: [H, R, HD]
    edge_emb = jnp.einsum('rd,hrkd->hrk', edge_feat, W_edge) + b_edge
    node_nhk = node_emb.transpose(1, 0, 2)  # [N, H, HD]
    edge_rhk = edge_emb.transpose(1, 0, 2)  # [R, H, HD]
    src = edge_index[0]
    dst = edge_index[1]
    e_src = node_nhk[src]          # [E, H, HD] gather
    e_dst = node_nhk[dst]          # [E, H, HD] gather
    e_edge = edge_rhk[edge_type]   # [E, H, HD] gather by relation id
    # MultiHeadEdgeAttention: cat + per-head dot product + bias + leaky_relu
    z = jnp.concatenate([e_src, e_edge, e_dst], axis=-1)  # [E, H, 3*HD]
    att = jnp.einsum('ehd,hd->eh', z, W_attn[:, 0, :]) + b_attn[:, 0][None, :]
    att = jax.nn.leaky_relu(att, 0.01)
    # softmax over incoming edges per destination node (per head)
    att_max = jax.ops.segment_max(att, dst, num_segments=n)
    att_max = jnp.where(jnp.isfinite(att_max), att_max, 0.0)
    att_exp = jnp.exp(att - jax.lax.stop_gradient(att_max)[dst])
    denom = jax.ops.segment_sum(att_exp, dst, num_segments=n)
    alpha = att_exp / denom[dst]   # [E, H]
    # message = alpha * src_embedding * edge_embedding, reduced by sum over dst
    msg = alpha[:, :, None] * e_src * e_edge   # [E, H, HD]
    agg = jax.ops.segment_sum(msg, dst, num_segments=n)  # [N, H, HD]
    # self loop: per-head linear on node embedding
    sl = jnp.einsum('nhd,hkd->nhk', node_nhk, W_self)
    out = jax.nn.leaky_relu(agg + sl, 0.01)
    # cat=True: concatenate heads -> [N, out_dim]
    return out.reshape(n, H * HD)

if __name__ == "__main__":
    import jax
    _d = setup_inputs()
    print(jax.jit(kernel)(*tuple(_d.values())))

</pallas_src>

<mosaic_0001>
#map = affine_map<(d0, d1) -> (0)>
#map1 = affine_map<(d0, d1) -> (0, 0)>
#map2 = affine_map<(d0, d1) -> (0, 0, 0)>
module attributes {stable_mosaic.version = 14 : i64} {
  func.func @body(%arg0: i32, %arg1: i32, %arg2: memref<320000xi32, #tpu.memory_space<hbm>>, %arg3: memref<320000xi32, #tpu.memory_space<hbm>>, %arg4: memref<320000xi32, #tpu.memory_space<hbm>>, %arg5: memref<1280000xf32, #tpu.memory_space<hbm>>, %arg6: memref<10000x128xf32, #tpu.memory_space<hbm>>, %arg7: memref<16x128xf32, #tpu.memory_space<hbm>>, %arg8: memref<625x128xf32, #tpu.memory_space<hbm>>, %arg9: memref<2x10000x128xf32, #tpu.memory_space<hbm>>, %arg10: memref<2000xi32, #tpu.memory_space<vmem>>, %arg11: memref<2000xi32, #tpu.memory_space<vmem>>, %arg12: memref<2000xi32, #tpu.memory_space<vmem>>, %arg13: memref<8000xf32, #tpu.memory_space<vmem>>, %arg14: memref<80x128xf32, #tpu.memory_space<vmem>>, %arg15: memref<48xi32, #tpu.memory_space<vmem>>, %arg16: memref<32xi32, #tpu.memory_space<vmem>>, %arg17: memref<16x128xf32, #tpu.memory_space<vmem>>, %arg18: memref<10000x128xf32, #tpu.memory_space<vmem_shared>>, %arg19: memref<!tpu.dma_semaphore, #tpu.memory_space<semaphore_mem>>, %arg20: memref<!tpu.dma_semaphore, #tpu.memory_space<semaphore_mem>>, %arg21: memref<!tpu.dma_semaphore, #tpu.memory_space<semaphore_mem>>, %arg22: memref<!tpu.dma_semaphore, #tpu.memory_space<semaphore_mem>>) attributes {dimension_semantics = [#tpu.dimension_semantics<core_parallel>, #tpu.dimension_semantics<subcore_parallel>], iteration_bounds = array<i64: 2, 16>, scalar_prefetch = 0 : i64, scratch_operands = 13 : i64, tpu.core_type = #tpu.core_type<sc_vector_subcore>, window_params = [{transform_indices = #map}, {transform_indices = #map}, {transform_indices = #map}, {transform_indices = #map}, {transform_indices = #map1}, {transform_indices = #map1}, {transform_indices = #map1}, {transform_indices = #map2}]} {
    %mul3A = arith.constant 16 : i32
    %mul3A_0 = arith.muli %arg0, %mul3A : i32
    %add3A = arith.addi %mul3A_0, %arg1 : i32
    "tpu.region"() ({
      %run_scoped3A = tpu.sem_alloc : memref<!tpu.dma_semaphore, #tpu.memory_space<semaphore_mem>>
      tpu.enqueue_dma source(%arg7 : memref<16x128xf32, #tpu.memory_space<hbm>>) target(%arg17 : memref<16x128xf32, #tpu.memory_space<vmem>>) target_semaphore(%run_scoped3A : memref<!tpu.dma_semaphore, #tpu.memory_space<semaphore_mem>>)
      tpu.wait_dma2 semaphore(%run_scoped3A : memref<!tpu.dma_semaphore, #tpu.memory_space<semaphore_mem>>) src(%arg7 : memref<16x128xf32, #tpu.memory_space<hbm>>) dst(%arg17 : memref<16x128xf32, #tpu.memory_space<vmem>>)
      tpu.yield
    }) : () -> ()
    %mul3A_1 = arith.constant 625 : i32
    %mul3A_2 = arith.muli %arg1, %mul3A_1 : i32
    "tpu.region"() ({
      %run_scoped3A = tpu.sem_alloc : memref<!tpu.dma_semaphore, #tpu.memory_space<semaphore_mem>>
      %dma_start3A = arith.constant 0 : i32
      %dma_start3A_11 = tpu.memref_slice %arg18[%mul3A_2, %dma_start3A] : memref<10000x128xf32, #tpu.memory_space<vmem_shared>> -> memref<625x128xf32, #tpu.memory_space<vmem_shared>>
      tpu.enqueue_dma source(%arg8 : memref<625x128xf32, #tpu.memory_space<hbm>>) target(%dma_start3A_11 : memref<625x128xf32, #tpu.memory_space<vmem_shared>>) target_semaphore(%run_scoped3A : memref<!tpu.dma_semaphore, #tpu.memory_space<semaphore_mem>>)
      %dma_wait3A = arith.constant 0 : i32
      %dma_wait3A_12 = tpu.memref_slice %arg18[%mul3A_2, %dma_wait3A] : memref<10000x128xf32, #tpu.memory_space<vmem_shared>> -> memref<625x128xf32, #tpu.memory_space<vmem_shared>>
      tpu.wait_dma2 semaphore(%run_scoped3A : memref<!tpu.dma_semaphore, #tpu.memory_space<semaphore_mem>>) src(%arg8 : memref<625x128xf32, #tpu.memory_space<hbm>>) dst(%dma_wait3A_12 : memref<625x128xf32, #tpu.memory_space<vmem_shared>>)
      tpu.yield
    }) : () -> ()
    %barrier3A = arith.constant 0 : index
    tpu.barrier barrier_id(%barrier3A)
    %iota3A = tpu.iota {dimensions = array<i32: 0>} : vector<16xi32>
    %scan3A = arith.constant 0 : i32
    %scan3A_3 = arith.constant 0 : i32
    %scan3A_4 = arith.constant 5 : i32
    %scan3A_5 = arith.addi %scan3A_3, %scan3A_4 : i32
    %scan3A_6 = arith.constant 1 : i32
    scf.for %scan3A_11 = %scan3A_3 to %scan3A_5 step %scan3A_6  : i32 {
      %mul3A_12 = arith.constant 10000 : i32
      %mul3A_13 = arith.muli %add3A, %mul3A_12 : i32
      %mul3A_14 = arith.constant 2000 : i32
      %mul3A_15 = arith.muli %scan3A_11, %mul3A_14 : i32
      %add3A_16 = arith.addi %mul3A_13, %mul3A_15 : i32
      "tpu.region"() ({
        %run_scoped3A = tpu.sem_alloc : memref<!tpu.dma_semaphore, #tpu.memory_space<semaphore_mem>>
        %dma_start3A = tpu.memref_slice %arg2[%add3A_16] : memref<320000xi32, #tpu.memory_space<hbm>> -> memref<2000xi32, #tpu.memory_space<hbm>>
        %dma_start3A_25 = tpu.memref_slice %arg2[%add3A_16] : memref<320000xi32, #tpu.memory_space<hbm>> -> memref<2000xi32, #tpu.memory_space<hbm>>
        tpu.enqueue_dma source(%dma_start3A_25 : memref<2000xi32, #tpu.memory_space<hbm>>) target(%arg10 : memref<2000xi32, #tpu.memory_space<vmem>>) target_semaphore(%run_scoped3A : memref<!tpu.dma_semaphore, #tpu.memory_space<semaphore_mem>>)
        %dma_wait3A = tpu.memref_slice %arg2[%add3A_16] : memref<320000xi32, #tpu.memory_space<hbm>> -> memref<2000xi32, #tpu.memory_space<hbm>>
        %dma_wait3A_26 = tpu.memref_slice %arg2[%add3A_16] : memref<320000xi32, #tpu.memory_space<hbm>> -> memref<2000xi32, #tpu.memory_space<hbm>>
        tpu.wait_dma2 semaphore(%run_scoped3A : memref<!tpu.dma_semaphore, #tpu.memory_space<semaphore_mem>>) src(%dma_wait3A_26 : memref<2000xi32, #tpu.memory_space<hbm>>) dst(%arg10 : memref<2000xi32, #tpu.memory_space<vmem>>)
        tpu.yield
      }) : () -> ()
      "tpu.region"() ({
        %run_scoped3A = tpu.sem_alloc : memref<!tpu.dma_semaphore, #tpu.memory_space<semaphore_mem>>
        %dma_start3A = tpu.memref_slice %arg3[%add3A_16] : memref<320000xi32, #tpu.memory_space<hbm>> -> memref<2000xi32, #tpu.memory_space<hbm>>
        %dma_start3A_25 = tpu.memref_slice %arg3[%add3A_16] : memref<320000xi32, #tpu.memory_space<hbm>> -> memref<2000xi32, #tpu.memory_space<hbm>>
        tpu.enqueue_dma source(%dma_start3A_25 : memref<2000xi32, #tpu.memory_space<hbm>>) target(%arg11 : memref<2000xi32, #tpu.memory_space<vmem>>) target_semaphore(%run_scoped3A : memref<!tpu.dma_semaphore, #tpu.memory_space<semaphore_mem>>)
        %dma_wait3A = tpu.memref_slice %arg3[%add3A_16] : memref<320000xi32, #tpu.memory_space<hbm>> -> memref<2000xi32, #tpu.memory_space<hbm>>
        %dma_wait3A_26 = tpu.memref_slice %arg3[%add3A_16] : memref<320000xi32, #tpu.memory_space<hbm>> -> memref<2000xi32, #tpu.memory_space<hbm>>
        tpu.wait_dma2 semaphore(%run_scoped3A : memref<!tpu.dma_semaphore, #tpu.memory_space<semaphore_mem>>) src(%dma_wait3A_26 : memref<2000xi32, #tpu.memory_space<hbm>>) dst(%arg11 : memref<2000xi32, #tpu.memory_space<vmem>>)
        tpu.yield
      }) : () -> ()
      "tpu.region"() ({
        %run_scoped3A = tpu.sem_alloc : memref<!tpu.dma_semaphore, #tpu.memory_space<semaphore_mem>>
        %dma_start3A = tpu.memref_slice %arg4[%add3A_16] : memref<320000xi32, #tpu.memory_space<hbm>> -> memref<2000xi32, #tpu.memory_space<hbm>>
        %dma_start3A_25 = tpu.memref_slice %arg4[%add3A_16] : memref<320000xi32, #tpu.memory_space<hbm>> -> memref<2000xi32, #tpu.memory_space<hbm>>
        tpu.enqueue_dma source(%dma_start3A_25 : memref<2000xi32, #tpu.memory_space<hbm>>) target(%arg12 : memref<2000xi32, #tpu.memory_space<vmem>>) target_semaphore(%run_scoped3A : memref<!tpu.dma_semaphore, #tpu.memory_space<semaphore_mem>>)
        %dma_wait3A = tpu.memref_slice %arg4[%add3A_16] : memref<320000xi32, #tpu.memory_space<hbm>> -> memref<2000xi32, #tpu.memory_space<hbm>>
        %dma_wait3A_26 = tpu.memref_slice %arg4[%add3A_16] : memref<320000xi32, #tpu.memory_space<hbm>> -> memref<2000xi32, #tpu.memory_space<hbm>>
        tpu.wait_dma2 semaphore(%run_scoped3A : memref<!tpu.dma_semaphore, #tpu.memory_space<semaphore_mem>>) src(%dma_wait3A_26 : memref<2000xi32, #tpu.memory_space<hbm>>) dst(%arg12 : memref<2000xi32, #tpu.memory_space<vmem>>)
        tpu.yield
      }) : () -> ()
      %mul3A_17 = arith.constant 4 : i32
      %mul3A_18 = arith.muli %add3A_16, %mul3A_17 : i32
      "tpu.region"() ({
        %run_scoped3A = tpu.sem_alloc : memref<!tpu.dma_semaphore, #tpu.memory_space<semaphore_mem>>
        %dma_start3A = tpu.memref_slice %arg5[%mul3A_18] : memref<1280000xf32, #tpu.memory_space<hbm>> -> memref<8000xf32, #tpu.memory_space<hbm>>
        %dma_start3A_25 = tpu.memref_slice %arg5[%mul3A_18] : memref<1280000xf32, #tpu.memory_space<hbm>> -> memref<8000xf32, #tpu.memory_space<hbm>>
        tpu.enqueue_dma source(%dma_start3A_25 : memref<8000xf32, #tpu.memory_space<hbm>>) target(%arg13 : memref<8000xf32, #tpu.memory_space<vmem>>) target_semaphore(%run_scoped3A : memref<!tpu.dma_semaphore, #tpu.memory_space<semaphore_mem>>)
        %dma_wait3A = tpu.memref_slice %arg5[%mul3A_18] : memref<1280000xf32, #tpu.memory_space<hbm>> -> memref<8000xf32, #tpu.memory_space<hbm>>
        %dma_wait3A_26 = tpu.memref_slice %arg5[%mul3A_18] : memref<1280000xf32, #tpu.memory_space<hbm>> -> memref<8000xf32, #tpu.memory_space<hbm>>
        tpu.wait_dma2 semaphore(%run_scoped3A : memref<!tpu.dma_semaphore, #tpu.memory_space<semaphore_mem>>) src(%dma_wait3A_26 : memref<8000xf32, #tpu.memory_space<hbm>>) dst(%arg13 : memref<8000xf32, #tpu.memory_space<vmem>>)
        tpu.yield
      }) : () -> ()
      %scan3A_19 = arith.constant 0 : i32
      %scan3A_20 = arith.constant 0 : i32
      %scan3A_21 = arith.constant 25 : i32
      %scan3A_22 = arith.addi %scan3A_20, %scan3A_21 : i32
      %scan3A_23 = arith.constant 1 : i32
      scf.for %scan3A_25 = %scan3A_20 to %scan3A_22 step %scan3A_23  : i32 {
        %mul3A_26 = arith.constant 80 : i32
        %mul3A_27 = arith.muli %scan3A_25, %mul3A_26 : i32
        %dma_start3A = arith.constant 0 : i32
        %dma_start3A_28 = arith.constant 0 : i32
        %dma_start3A_29 = tpu.memref_slice %arg14[%dma_start3A, %dma_start3A_28] : memref<80x128xf32, #tpu.memory_space<vmem>> -> memref<48x128xf32, #tpu.memory_space<vmem>>
        %dma_start3A_30 = tpu.memref_slice %arg10[%mul3A_27] : memref<2000xi32, #tpu.memory_space<vmem>> -> memref<48xi32, #tpu.memory_space<vmem>>
        %dma_start3A_31 = arith.constant 0 : i32
        %dma_start3A_32 = arith.constant 0 : i32
        %dma_start3A_33 = tpu.memref_slice %arg6[%dma_start3A_31, %dma_start3A_32] : memref<10000x128xf32, #tpu.memory_space<hbm>> -> memref<10000x128xf32, #tpu.memory_space<hbm>>
        tpu.enqueue_indirect_dma source(%dma_start3A_33 : memref<10000x128xf32, #tpu.memory_space<hbm>>) target(%dma_start3A_29 : memref<48x128xf32, #tpu.memory_space<vmem>>) offsets(%dma_start3A_30 : memref<48xi32, #tpu.memory_space<vmem>>) semaphore(%arg19 : memref<!tpu.dma_semaphore, #tpu.memory_space<semaphore_mem>>)
        %mul3A_34 = arith.constant 80 : i32
        %mul3A_35 = arith.muli %scan3A_25, %mul3A_34 : i32
        %add3A_36 = arith.constant 48 : i32
        %add3A_37 = arith.addi %mul3A_35, %add3A_36 : i32
        %dma_start3A_38 = arith.constant 48 : i32
        %dma_start3A_39 = arith.constant 0 : i32
        %dma_start3A_40 = tpu.memref_slice %arg14[%dma_start3A_38, %dma_start3A_39] : memref<80x128xf32, #tpu.memory_space<vmem>> -> memref<32x128xf32, #tpu.memory_space<vmem>>
        %dma_start3A_41 = tpu.memref_slice %arg10[%add3A_37] : memref<2000xi32, #tpu.memory_space<vmem>> -> memref<32xi32, #tpu.memory_space<vmem>>
        %dma_start3A_42 = arith.constant 0 : i32
        %dma_start3A_43 = arith.constant 0 : i32
        %dma_start3A_44 = tpu.memref_slice %arg6[%dma_start3A_42, %dma_start3A_43] : memref<10000x128xf32, #tpu.memory_space<hbm>> -> memref<10000x128xf32, #tpu.memory_space<hbm>>
        tpu.enqueue_indirect_dma source(%dma_start3A_44 : memref<10000x128xf32, #tpu.memory_space<hbm>>) target(%dma_start3A_40 : memref<32x128xf32, #tpu.memory_space<vmem>>) offsets(%dma_start3A_41 : memref<32xi32, #tpu.memory_space<vmem>>) semaphore(%arg20 : memref<!tpu.dma_semaphore, #tpu.memory_space<semaphore_mem>>)
        %mul3A_45 = arith.constant 80 : i32
        %mul3A_46 = arith.muli %scan3A_25, %mul3A_45 : i32
        %add3A_47 = arith.constant 0 : i32
        %add3A_48 = arith.addi %mul3A_46, %add3A_47 : i32
        %add3A_49 = vector.broadcast %add3A_48 : i32 to vector<16xi32>
        %add3A_50 = arith.addi %add3A_49, %iota3A : vector<16xi32>
        %gather3A = tpu.vector_load_idx %arg11[%add3A_50] : memref<2000xi32, #tpu.memory_space<vmem>>[vector<16xi32>], vector<16xi32>,
        %swap3A = arith.constant 0 : index
        %swap3A_51 = tpu.vector_load %arg15[%swap3A] {strides = array<i32>} : memref<48xi32, #tpu.memory_space<vmem>>, vector<16xi32>,
        tpu.vector_store %arg15[%swap3A], %gather3A {strides = array<i32>} : memref<48xi32, #tpu.memory_space<vmem>>, vector<16xi32>,
        %mul3A_52 = arith.constant 80 : i32
        %mul3A_53 = arith.muli %scan3A_25, %mul3A_52 : i32
        %add3A_54 = arith.constant 16 : i32
        %add3A_55 = arith.addi %mul3A_53, %add3A_54 : i32
        %add3A_56 = vector.broadcast %add3A_55 : i32 to vector<16xi32>
        %add3A_57 = arith.addi %add3A_56, %iota3A : vector<16xi32>
        %gather3A_58 = tpu.vector_load_idx %arg11[%add3A_57] : memref<2000xi32, #tpu.memory_space<vmem>>[vector<16xi32>], vector<16xi32>,
        %swap3A_59 = arith.constant 16 : index
        %swap3A_60 = tpu.vector_load %arg15[%swap3A_59] {strides = array<i32>} : memref<48xi32, #tpu.memory_space<vmem>>, vector<16xi32>,
        tpu.vector_store %arg15[%swap3A_59], %gather3A_58 {strides = array<i32>} : memref<48xi32, #tpu.memory_space<vmem>>, vector<16xi32>,
        %mul3A_61 = arith.constant 80 : i32
        %mul3A_62 = arith.muli %scan3A_25, %mul3A_61 : i32
        %add3A_63 = arith.constant 32 : i32
        %add3A_64 = arith.addi %mul3A_62, %add3A_63 : i32
        %add3A_65 = vector.broadcast %add3A_64 : i32 to vector<16xi32>
        %add3A_66 = arith.addi %add3A_65, %iota3A : vector<16xi32>
        %gather3A_67 = tpu.vector_load_idx %arg11[%add3A_66] : memref<2000xi32, #tpu.memory_space<vmem>>[vector<16xi32>], vector<16xi32>,
        %swap3A_68 = arith.constant 32 : index
        %swap3A_69 = tpu.vector_load %arg15[%swap3A_68] {strides = array<i32>} : memref<48xi32, #tpu.memory_space<vmem>>, vector<16xi32>,
        tpu.vector_store %arg15[%swap3A_68], %gather3A_67 {strides = array<i32>} : memref<48xi32, #tpu.memory_space<vmem>>, vector<16xi32>,
        %mul3A_70 = arith.constant 80 : i32
        %mul3A_71 = arith.muli %scan3A_25, %mul3A_70 : i32
        %add3A_72 = arith.constant 48 : i32
        %add3A_73 = arith.addi %mul3A_71, %add3A_72 : i32
        %add3A_74 = vector.broadcast %add3A_73 : i32 to vector<16xi32>
        %add3A_75 = arith.addi %add3A_74, %iota3A : vector<16xi32>
        %gather3A_76 = tpu.vector_load_idx %arg11[%add3A_75] : memref<2000xi32, #tpu.memory_space<vmem>>[vector<16xi32>], vector<16xi32>,
        %swap3A_77 = arith.constant 0 : index
        %swap3A_78 = tpu.vector_load %arg16[%swap3A_77] {strides = array<i32>} : memref<32xi32, #tpu.memory_space<vmem>>, vector<16xi32>,
        tpu.vector_store %arg16[%swap3A_77], %gather3A_76 {strides = array<i32>} : memref<32xi32, #tpu.memory_space<vmem>>, vector<16xi32>,
        %mul3A_79 = arith.constant 80 : i32
        %mul3A_80 = arith.muli %scan3A_25, %mul3A_79 : i32
        %add3A_81 = arith.constant 64 : i32
        %add3A_82 = arith.addi %mul3A_80, %add3A_81 : i32
        %add3A_83 = vector.broadcast %add3A_82 : i32 to vector<16xi32>
        %add3A_84 = arith.addi %add3A_83, %iota3A : vector<16xi32>
        %gather3A_85 = tpu.vector_load_idx %arg11[%add3A_84] : memref<2000xi32, #tpu.memory_space<vmem>>[vector<16xi32>], vector<16xi32>,
        %swap3A_86 = arith.constant 16 : index
        %swap3A_87 = tpu.vector_load %arg16[%swap3A_86] {strides = array<i32>} : memref<32xi32, #tpu.memory_space<vmem>>, vector<16xi32>,
        tpu.vector_store %arg16[%swap3A_86], %gather3A_85 {strides = array<i32>} : memref<32xi32, #tpu.memory_space<vmem>>, vector<16xi32>,
        %dma_wait3A = arith.constant 0 : i32
        %dma_wait3A_88 = arith.constant 0 : i32
        %dma_wait3A_89 = tpu.memref_slice %arg14[%dma_wait3A, %dma_wait3A_88] : memref<80x128xf32, #tpu.memory_space<vmem>> -> memref<48x128xf32, #tpu.memory_space<vmem>>
        %dma_wait3A_90 = tpu.memref_slice %arg10[%mul3A_27] : memref<2000xi32, #tpu.memory_space<vmem>> -> memref<48xi32, #tpu.memory_space<vmem>>
        %dma_wait3A_91 = arith.constant 0 : i32
        %dma_wait3A_92 = arith.constant 0 : i32
        %dma_wait3A_93 = tpu.memref_slice %arg6[%dma_wait3A_91, %dma_wait3A_92] : memref<10000x128xf32, #tpu.memory_space<hbm>> -> memref<10000x128xf32, #tpu.memory_space<hbm>>
        tpu.wait_indirect_dma semaphore(%arg19 : memref<!tpu.dma_semaphore, #tpu.memory_space<semaphore_mem>>) src(%dma_wait3A_93 : memref<10000x128xf32, #tpu.memory_space<hbm>>) dst(%dma_wait3A_89 : memref<48x128xf32, #tpu.memory_space<vmem>>)
        %parallel_loop3A = arith.constant 0 : i32
        %parallel_loop3A_94 = arith.constant 48 : i32
        %parallel_loop3A_95 = arith.constant 1 : i32
        scf.for %parallel_loop3A_130 = %parallel_loop3A to %parallel_loop3A_94 step %parallel_loop3A_95  : i32 {
          %parallel_loop3A_131 = vector.broadcast %parallel_loop3A_130 : i32 to vector<16xi32>
          %parallel_loop3A_132 = arith.constant 80 : i32
          %parallel_loop3A_133 = arith.muli %scan3A_25, %parallel_loop3A_132 : i32
          %parallel_loop3A_134 = arith.addi %parallel_loop3A_133, %parallel_loop3A_130 : i32
          %parallel_loop3A_135 = vector.broadcast %parallel_loop3A_134 : i32 to vector<16xi32>
          %parallel_loop3A_136 = tpu.vector_load_idx %arg12[%parallel_loop3A_135] : memref<2000xi32, #tpu.memory_space<vmem>>[vector<16xi32>], vector<16xi32>,
          %parallel_loop3A_137 = arith.constant 80 : i32
          %parallel_loop3A_138 = arith.muli %scan3A_25, %parallel_loop3A_137 : i32
          %parallel_loop3A_139 = arith.addi %parallel_loop3A_138, %parallel_loop3A_130 : i32
          %parallel_loop3A_140 = arith.constant 4 : i32
          %parallel_loop3A_141 = arith.muli %parallel_loop3A_139, %parallel_loop3A_140 : i32
          %parallel_loop3A_142 = arith.constant 0 : i32
          %parallel_loop3A_143 = arith.addi %parallel_loop3A_141, %parallel_loop3A_142 : i32
          %parallel_loop3A_144 = vector.broadcast %parallel_loop3A_143 : i32 to vector<16xi32>
          %parallel_loop3A_145 = tpu.vector_load_idx %arg13[%parallel_loop3A_144] : memref<8000xf32, #tpu.memory_space<vmem>>[vector<16xi32>], vector<16xf32>,
          %parallel_loop3A_146 = arith.constant 80 : i32
          %parallel_loop3A_147 = arith.muli %scan3A_25, %parallel_loop3A_146 : i32
          %parallel_loop3A_148 = arith.addi %parallel_loop3A_147, %parallel_loop3A_130 : i32
          %parallel_loop3A_149 = arith.constant 4 : i32
          %parallel_loop3A_150 = arith.muli %parallel_loop3A_148, %parallel_loop3A_149 : i32
          %parallel_loop3A_151 = arith.constant 1 : i32
          %parallel_loop3A_152 = arith.addi %parallel_loop3A_150, %parallel_loop3A_151 : i32
          %parallel_loop3A_153 = vector.broadcast %parallel_loop3A_152 : i32 to vector<16xi32>
          %parallel_loop3A_154 = tpu.vector_load_idx %arg13[%parallel_loop3A_153] : memref<8000xf32, #tpu.memory_space<vmem>>[vector<16xi32>], vector<16xf32>,
          %parallel_loop3A_155 = arith.constant 80 : i32
          %parallel_loop3A_156 = arith.muli %scan3A_25, %parallel_loop3A_155 : i32
          %parallel_loop3A_157 = arith.addi %parallel_loop3A_156, %parallel_loop3A_130 : i32
          %parallel_loop3A_158 = arith.constant 4 : i32
          %parallel_loop3A_159 = arith.muli %parallel_loop3A_157, %parallel_loop3A_158 : i32
          %parallel_loop3A_160 = arith.constant 2 : i32
          %parallel_loop3A_161 = arith.addi %parallel_loop3A_159, %parallel_loop3A_160 : i32
          %parallel_loop3A_162 = vector.broadcast %parallel_loop3A_161 : i32 to vector<16xi32>
          %parallel_loop3A_163 = tpu.vector_load_idx %arg13[%parallel_loop3A_162] : memref<8000xf32, #tpu.memory_space<vmem>>[vector<16xi32>], vector<16xf32>,
          %parallel_loop3A_164 = arith.constant 80 : i32
          %parallel_loop3A_165 = arith.muli %scan3A_25, %parallel_loop3A_164 : i32
          %parallel_loop3A_166 = arith.addi %parallel_loop3A_165, %parallel_loop3A_130 : i32
          %parallel_loop3A_167 = arith.constant 4 : i32
          %parallel_loop3A_168 = arith.muli %parallel_loop3A_166, %parallel_loop3A_167 : i32
          %parallel_loop3A_169 = arith.constant 3 : i32
          %parallel_loop3A_170 = arith.addi %parallel_loop3A_168, %parallel_loop3A_169 : i32
          %parallel_loop3A_171 = vector.broadcast %parallel_loop3A_170 : i32 to vector<16xi32>
          %parallel_loop3A_172 = tpu.vector_load_idx %arg13[%parallel_loop3A_171] : memref<8000xf32, #tpu.memory_space<vmem>>[vector<16xi32>], vector<16xf32>,
          %parallel_loop3A_173 = arith.constant 0 : i32
          %parallel_loop3A_174 = vector.broadcast %parallel_loop3A_173 : i32 to vector<16xi32>
          %parallel_loop3A_175 = arith.addi %parallel_loop3A_174, %iota3A : vector<16xi32>
          %parallel_loop3A_176 = tpu.vector_load_idx %arg14[%parallel_loop3A_131, %parallel_loop3A_175] : memref<80x128xf32, #tpu.memory_space<vmem>>[vector<16xi32>, vector<16xi32>], vector<16xf32>,
          %parallel_loop3A_177 = tpu.vector_load_idx %arg17[%parallel_loop3A_136, %parallel_loop3A_175] : memref<16x128xf32, #tpu.memory_space<vmem>>[vector<16xi32>, vector<16xi32>], vector<16xf32>,
          %parallel_loop3A_178 = arith.mulf %parallel_loop3A_176, %parallel_loop3A_177 : vector<16xf32>
          %parallel_loop3A_179 = arith.mulf %parallel_loop3A_178, %parallel_loop3A_145 : vector<16xf32>
          tpu.vector_store_idx %arg14[%parallel_loop3A_131, %parallel_loop3A_175], %parallel_loop3A_179 : memref<80x128xf32, #tpu.memory_space<vmem>>[vector<16xi32>, vector<16xi32>], vector<16xf32>,
          %parallel_loop3A_180 = arith.constant 16 : i32
          %parallel_loop3A_181 = vector.broadcast %parallel_loop3A_180 : i32 to vector<16xi32>
          %parallel_loop3A_182 = arith.addi %parallel_loop3A_181, %iota3A : vector<16xi32>
          %parallel_loop3A_183 = tpu.vector_load_idx %arg14[%parallel_loop3A_131, %parallel_loop3A_182] : memref<80x128xf32, #tpu.memory_space<vmem>>[vector<16xi32>, vector<16xi32>], vector<16xf32>,
          %parallel_loop3A_184 = tpu.vector_load_idx %arg17[%parallel_loop3A_136, %parallel_loop3A_182] : memref<16x128xf32, #tpu.memory_space<vmem>>[vector<16xi32>, vector<16xi32>], vector<16xf32>,
          %parallel_loop3A_185 = arith.mulf %parallel_loop3A_183, %parallel_loop3A_184 : vector<16xf32>
          %parallel_loop3A_186 = arith.mulf %parallel_loop3A_185, %parallel_loop3A_145 : vector<16xf32>
          tpu.vector_store_idx %arg14[%parallel_loop3A_131, %parallel_loop3A_182], %parallel_loop3A_186 : memref<80x128xf32, #tpu.memory_space<vmem>>[vector<16xi32>, vector<16xi32>], vector<16xf32>,
          %parallel_loop3A_187 = arith.constant 32 : i32
          %parallel_loop3A_188 = vector.broadcast %parallel_loop3A_187 : i32 to vector<16xi32>
          %parallel_loop3A_189 = arith.addi %parallel_loop3A_188, %iota3A : vector<16xi32>
          %parallel_loop3A_190 = tpu.vector_load_idx %arg14[%parallel_loop3A_131, %parallel_loop3A_189] : memref<80x128xf32, #tpu.memory_space<vmem>>[vector<16xi32>, vector<16xi32>], vector<16xf32>,
          %parallel_loop3A_191 = tpu.vector_load_idx %arg17[%parallel_loop3A_136, %parallel_loop3A_189] : memref<16x128xf32, #tpu.memory_space<vmem>>[vector<16xi32>, vector<16xi32>], vector<16xf32>,
          %parallel_loop3A_192 = arith.mulf %parallel_loop3A_190, %parallel_loop3A_191 : vector<16xf32>
          %parallel_loop3A_193 = arith.mulf %parallel_loop3A_192, %parallel_loop3A_154 : vector<16xf32>
          tpu.vector_store_idx %arg14[%parallel_loop3A_131, %parallel_loop3A_189], %parallel_loop3A_193 : memref<80x128xf32, #tpu.memory_space<vmem>>[vector<16xi32>, vector<16xi32>], vector<16xf32>,
          %parallel_loop3A_194 = arith.constant 48 : i32
          %parallel_loop3A_195 = vector.broadcast %parallel_loop3A_194 : i32 to vector<16xi32>
          %parallel_loop3A_196 = arith.addi %parallel_loop3A_195, %iota3A : vector<16xi32>
          %parallel_loop3A_197 = tpu.vector_load_idx %arg14[%parallel_loop3A_131, %parallel_loop3A_196] : memref<80x128xf32, #tpu.memory_space<vmem>>[vector<16xi32>, vector<16xi32>], vector<16xf32>,
          %parallel_loop3A_198 = tpu.vector_load_idx %arg17[%parallel_loop3A_136, %parallel_loop3A_196] : memref<16x128xf32, #tpu.memory_space<vmem>>[vector<16xi32>, vector<16xi32>], vector<16xf32>,
          %parallel_loop3A_199 = arith.mulf %parallel_loop3A_197, %parallel_loop3A_198 : vector<16xf32>
          %parallel_loop3A_200 = arith.mulf %parallel_loop3A_199, %parallel_loop3A_154 : vector<16xf32>
          tpu.vector_store_idx %arg14[%parallel_loop3A_131, %parallel_loop3A_196], %parallel_loop3A_200 : memref<80x128xf32, #tpu.memory_space<vmem>>[vector<16xi32>, vector<16xi32>], vector<16xf32>,
          %parallel_loop3A_201 = arith.constant 64 : i32
          %parallel_loop3A_202 = vector.broadcast %parallel_loop3A_201 : i32 to vector<16xi32>
          %parallel_loop3A_203 = arith.addi %parallel_loop3A_202, %iota3A : vector<16xi32>
          %parallel_loop3A_204 = tpu.vector_load_idx %arg14[%parallel_loop3A_131, %parallel_loop3A_203] : memref<80x128xf32, #tpu.memory_space<vmem>>[vector<16xi32>, vector<16xi32>], vector<16xf32>,
          %parallel_loop3A_205 = tpu.vector_load_idx %arg17[%parallel_loop3A_136, %parallel_loop3A_203] : memref<16x128xf32, #tpu.memory_space<vmem>>[vector<16xi32>, vector<16xi32>], vector<16xf32>,
          %parallel_loop3A_206 = arith.mulf %parallel_loop3A_204, %parallel_loop3A_205 : vector<16xf32>
          %parallel_loop3A_207 = arith.mulf %parallel_loop3A_206, %parallel_loop3A_163 : vector<16xf32>
          tpu.vector_store_idx %arg14[%parallel_loop3A_131, %parallel_loop3A_203], %parallel_loop3A_207 : memref<80x128xf32, #tpu.memory_space<vmem>>[vector<16xi32>, vector<16xi32>], vector<16xf32>,
          %parallel_loop3A_208 = arith.constant 80 : i32
          %parallel_loop3A_209 = vector.broadcast %parallel_loop3A_208 : i32 to vector<16xi32>
          %parallel_loop3A_210 = arith.addi %parallel_loop3A_209, %iota3A : vector<16xi32>
          %parallel_loop3A_211 = tpu.vector_load_idx %arg14[%parallel_loop3A_131, %parallel_loop3A_210] : memref<80x128xf32, #tpu.memory_space<vmem>>[vector<16xi32>, vector<16xi32>], vector<16xf32>,
          %parallel_loop3A_212 = tpu.vector_load_idx %arg17[%parallel_loop3A_136, %parallel_loop3A_210] : memref<16x128xf32, #tpu.memory_space<vmem>>[vector<16xi32>, vector<16xi32>], vector<16xf32>,
          %parallel_loop3A_213 = arith.mulf %parallel_loop3A_211, %parallel_loop3A_212 : vector<16xf32>
          %parallel_loop3A_214 = arith.mulf %parallel_loop3A_213, %parallel_loop3A_163 : vector<16xf32>
          tpu.vector_store_idx %arg14[%parallel_loop3A_131, %parallel_loop3A_210], %parallel_loop3A_214 : memref<80x128xf32, #tpu.memory_space<vmem>>[vector<16xi32>, vector<16xi32>], vector<16xf32>,
          %parallel_loop3A_215 = arith.constant 96 : i32
          %parallel_loop3A_216 = vector.broadcast %parallel_loop3A_215 : i32 to vector<16xi32>
          %parallel_loop3A_217 = arith.addi %parallel_loop3A_216, %iota3A : vector<16xi32>
          %parallel_loop3A_218 = tpu.vector_load_idx %arg14[%parallel_loop3A_131, %parallel_loop3A_217] : memref<80x128xf32, #tpu.memory_space<vmem>>[vector<16xi32>, vector<16xi32>], vector<16xf32>,
          %parallel_loop3A_219 = tpu.vector_load_idx %arg17[%parallel_loop3A_136, %parallel_loop3A_217] : memref<16x128xf32, #tpu.memory_space<vmem>>[vector<16xi32>, vector<16xi32>], vector<16xf32>,
          %parallel_loop3A_220 = arith.mulf %parallel_loop3A_218, %parallel_loop3A_219 : vector<16xf32>
          %parallel_loop3A_221 = arith.mulf %parallel_loop3A_220, %parallel_loop3A_172 : vector<16xf32>
          tpu.vector_store_idx %arg14[%parallel_loop3A_131, %parallel_loop3A_217], %parallel_loop3A_221 : memref<80x128xf32, #tpu.memory_space<vmem>>[vector<16xi32>, vector<16xi32>], vector<16xf32>,
          %parallel_loop3A_222 = arith.constant 112 : i32
          %parallel_loop3A_223 = vector.broadcast %parallel_loop3A_222 : i32 to vector<16xi32>
          %parallel_loop3A_224 = arith.addi %parallel_loop3A_223, %iota3A : vector<16xi32>
          %parallel_loop3A_225 = tpu.vector_load_idx %arg14[%parallel_loop3A_131, %parallel_loop3A_224] : memref<80x128xf32, #tpu.memory_space<vmem>>[vector<16xi32>, vector<16xi32>], vector<16xf32>,
          %parallel_loop3A_226 = tpu.vector_load_idx %arg17[%parallel_loop3A_136, %parallel_loop3A_224] : memref<16x128xf32, #tpu.memory_space<vmem>>[vector<16xi32>, vector<16xi32>], vector<16xf32>,
          %parallel_loop3A_227 = arith.mulf %parallel_loop3A_225, %parallel_loop3A_226 : vector<16xf32>
          %parallel_loop3A_228 = arith.mulf %parallel_loop3A_227, %parallel_loop3A_172 : vector<16xf32>
          tpu.vector_store_idx %arg14[%parallel_loop3A_131, %parallel_loop3A_224], %parallel_loop3A_228 : memref<80x128xf32, #tpu.memory_space<vmem>>[vector<16xi32>, vector<16xi32>], vector<16xf32>,
        } {sc.loop_unroll_factor = 8 : i64, sc.parallel_access}
        %dma_start3A_96 = arith.constant 0 : i32
        %dma_start3A_97 = arith.constant 0 : i32
        %dma_start3A_98 = tpu.memref_slice %arg14[%dma_start3A_96, %dma_start3A_97] : memref<80x128xf32, #tpu.memory_space<vmem>> -> memref<48x128xf32, #tpu.memory_space<vmem>>
        %dma_start3A_99 = arith.constant 0 : i32
        %dma_start3A_100 = arith.constant 0 : i32
        %dma_start3A_101 = tpu.memref_slice %arg18[%dma_start3A_99, %dma_start3A_100] : memref<10000x128xf32, #tpu.memory_space<vmem_shared>> -> memref<10000x128xf32, #tpu.memory_space<vmem_shared>>
        tpu.enqueue_indirect_dma source(%dma_start3A_98 : memref<48x128xf32, #tpu.memory_space<vmem>>) target(%dma_start3A_101 : memref<10000x128xf32, #tpu.memory_space<vmem_shared>>) offsets(%arg15 : memref<48xi32, #tpu.memory_space<vmem>>) semaphore(%arg21 : memref<!tpu.dma_semaphore, #tpu.memory_space<semaphore_mem>>) {add = true}
        %dma_wait3A_102 = arith.constant 48 : i32
        %dma_wait3A_103 = arith.constant 0 : i32
        %dma_wait3A_104 = tpu.memref_slice %arg14[%dma_wait3A_102, %dma_wait3A_103] : memref<80x128xf32, #tpu.memory_space<vmem>> -> memref<32x128xf32, #tpu.memory_space<vmem>>
        %dma_wait3A_105 = tpu.memref_slice %arg10[%add3A_37] : memref<2000xi32, #tpu.memory_space<vmem>> -> memref<32xi32, #tpu.memory_space<vmem>>
        %dma_wait3A_106 = arith.constant 0 : i32
        %dma_wait3A_107 = arith.constant 0 : i32
        %dma_wait3A_108 = tpu.memref_slice %arg6[%dma_wait3A_106, %dma_wait3A_107] : memref<10000x128xf32, #tpu.memory_space<hbm>> -> memref<10000x128xf32, #tpu.memory_space<hbm>>
        tpu.wait_indirect_dma semaphore(%arg20 : memref<!tpu.dma_semaphore, #tpu.memory_space<semaphore_mem>>) src(%dma_wait3A_108 : memref<10000x128xf32, #tpu.memory_space<hbm>>) dst(%dma_wait3A_104 : memref<32x128xf32, #tpu.memory_space<vmem>>)
        %parallel_loop3A_109 = arith.constant 48 : i32
        %parallel_loop3A_110 = arith.constant 80 : i32
        %parallel_loop3A_111 = arith.constant 1 : i32
        scf.for %parallel_loop3A_130 = %parallel_loop3A_109 to %parallel_loop3A_110 step %parallel_loop3A_111  : i32 {
          %parallel_loop3A_131 = vector.broadcast %parallel_loop3A_130 : i32 to vector<16xi32>
          %parallel_loop3A_132 = arith.constant 80 : i32
          %parallel_loop3A_133 = arith.muli %scan3A_25, %parallel_loop3A_132 : i32
          %parallel_loop3A_134 = arith.addi %parallel_loop3A_133, %parallel_loop3A_130 : i32
          %parallel_loop3A_135 = vector.broadcast %parallel_loop3A_134 : i32 to vector<16xi32>
          %parallel_loop3A_136 = tpu.vector_load_idx %arg12[%parallel_loop3A_135] : memref<2000xi32, #tpu.memory_space<vmem>>[vector<16xi32>], vector<16xi32>,
          %parallel_loop3A_137 = arith.constant 80 : i32
          %parallel_loop3A_138 = arith.muli %scan3A_25, %parallel_loop3A_137 : i32
          %parallel_loop3A_139 = arith.addi %parallel_loop3A_138, %parallel_loop3A_130 : i32
          %parallel_loop3A_140 = arith.constant 4 : i32
          %parallel_loop3A_141 = arith.muli %parallel_loop3A_139, %parallel_loop3A_140 : i32
          %parallel_loop3A_142 = arith.constant 0 : i32
          %parallel_loop3A_143 = arith.addi %parallel_loop3A_141, %parallel_loop3A_142 : i32
          %parallel_loop3A_144 = vector.broadcast %parallel_loop3A_143 : i32 to vector<16xi32>
          %parallel_loop3A_145 = tpu.vector_load_idx %arg13[%parallel_loop3A_144] : memref<8000xf32, #tpu.memory_space<vmem>>[vector<16xi32>], vector<16xf32>,
          %parallel_loop3A_146 = arith.constant 80 : i32
          %parallel_loop3A_147 = arith.muli %scan3A_25, %parallel_loop3A_146 : i32
          %parallel_loop3A_148 = arith.addi %parallel_loop3A_147, %parallel_loop3A_130 : i32
          %parallel_loop3A_149 = arith.constant 4 : i32
          %parallel_loop3A_150 = arith.muli %parallel_loop3A_148, %parallel_loop3A_149 : i32
          %parallel_loop3A_151 = arith.constant 1 : i32
          %parallel_loop3A_152 = arith.addi %parallel_loop3A_150, %parallel_loop3A_151 : i32
          %parallel_loop3A_153 = vector.broadcast %parallel_loop3A_152 : i32 to vector<16xi32>
          %parallel_loop3A_154 = tpu.vector_load_idx %arg13[%parallel_loop3A_153] : memref<8000xf32, #tpu.memory_space<vmem>>[vector<16xi32>], vector<16xf32>,
          %parallel_loop3A_155 = arith.constant 80 : i32
          %parallel_loop3A_156 = arith.muli %scan3A_25, %parallel_loop3A_155 : i32
          %parallel_loop3A_157 = arith.addi %parallel_loop3A_156, %parallel_loop3A_130 : i32
          %parallel_loop3A_158 = arith.constant 4 : i32
          %parallel_loop3A_159 = arith.muli %parallel_loop3A_157, %parallel_loop3A_158 : i32
          %parallel_loop3A_160 = arith.constant 2 : i32
          %parallel_loop3A_161 = arith.addi %parallel_loop3A_159, %parallel_loop3A_160 : i32
          %parallel_loop3A_162 = vector.broadcast %parallel_loop3A_161 : i32 to vector<16xi32>
          %parallel_loop3A_163 = tpu.vector_load_idx %arg13[%parallel_loop3A_162] : memref<8000xf32, #tpu.memory_space<vmem>>[vector<16xi32>], vector<16xf32>,
          %parallel_loop3A_164 = arith.constant 80 : i32
          %parallel_loop3A_165 = arith.muli %scan3A_25, %parallel_loop3A_164 : i32
          %parallel_loop3A_166 = arith.addi %parallel_loop3A_165, %parallel_loop3A_130 : i32
          %parallel_loop3A_167 = arith.constant 4 : i32
          %parallel_loop3A_168 = arith.muli %parallel_loop3A_166, %parallel_loop3A_167 : i32
          %parallel_loop3A_169 = arith.constant 3 : i32
          %parallel_loop3A_170 = arith.addi %parallel_loop3A_168, %parallel_loop3A_169 : i32
          %parallel_loop3A_171 = vector.broadcast %parallel_loop3A_170 : i32 to vector<16xi32>
          %parallel_loop3A_172 = tpu.vector_load_idx %arg13[%parallel_loop3A_171] : memref<8000xf32, #tpu.memory_space<vmem>>[vector<16xi32>], vector<16xf32>,
          %parallel_loop3A_173 = arith.constant 0 : i32
          %parallel_loop3A_174 = vector.broadcast %parallel_loop3A_173 : i32 to vector<16xi32>
          %parallel_loop3A_175 = arith.addi %parallel_loop3A_174, %iota3A : vector<16xi32>
          %parallel_loop3A_176 = tpu.vector_load_idx %arg14[%parallel_loop3A_131, %parallel_loop3A_175] : memref<80x128xf32, #tpu.memory_space<vmem>>[vector<16xi32>, vector<16xi32>], vector<16xf32>,
          %parallel_loop3A_177 = tpu.vector_load_idx %arg17[%parallel_loop3A_136, %parallel_loop3A_175] : memref<16x128xf32, #tpu.memory_space<vmem>>[vector<16xi32>, vector<16xi32>], vector<16xf32>,
          %parallel_loop3A_178 = arith.mulf %parallel_loop3A_176, %parallel_loop3A_177 : vector<16xf32>
          %parallel_loop3A_179 = arith.mulf %parallel_loop3A_178, %parallel_loop3A_145 : vector<16xf32>
          tpu.vector_store_idx %arg14[%parallel_loop3A_131, %parallel_loop3A_175], %parallel_loop3A_179 : memref<80x128xf32, #tpu.memory_space<vmem>>[vector<16xi32>, vector<16xi32>], vector<16xf32>,
          %parallel_loop3A_180 = arith.constant 16 : i32
          %parallel_loop3A_181 = vector.broadcast %parallel_loop3A_180 : i32 to vector<16xi32>
          %parallel_loop3A_182 = arith.addi %parallel_loop3A_181, %iota3A : vector<16xi32>
          %parallel_loop3A_183 = tpu.vector_load_idx %arg14[%parallel_loop3A_131, %parallel_loop3A_182] : memref<80x128xf32, #tpu.memory_space<vmem>>[vector<16xi32>, vector<16xi32>], vector<16xf32>,
          %parallel_loop3A_184 = tpu.vector_load_idx %arg17[%parallel_loop3A_136, %parallel_loop3A_182] : memref<16x128xf32, #tpu.memory_space<vmem>>[vector<16xi32>, vector<16xi32>], vector<16xf32>,
          %parallel_loop3A_185 = arith.mulf %parallel_loop3A_183, %parallel_loop3A_184 : vector<16xf32>
          %parallel_loop3A_186 = arith.mulf %parallel_loop3A_185, %parallel_loop3A_145 : vector<16xf32>
          tpu.vector_store_idx %arg14[%parallel_loop3A_131, %parallel_loop3A_182], %parallel_loop3A_186 : memref<80x128xf32, #tpu.memory_space<vmem>>[vector<16xi32>, vector<16xi32>], vector<16xf32>,
          %parallel_loop3A_187 = arith.constant 32 : i32
          %parallel_loop3A_188 = vector.broadcast %parallel_loop3A_187 : i32 to vector<16xi32>
          %parallel_loop3A_189 = arith.addi %parallel_loop3A_188, %iota3A : vector<16xi32>
          %parallel_loop3A_190 = tpu.vector_load_idx %arg14[%parallel_loop3A_131, %parallel_loop3A_189] : memref<80x128xf32, #tpu.memory_space<vmem>>[vector<16xi32>, vector<16xi32>], vector<16xf32>,
          %parallel_loop3A_191 = tpu.vector_load_idx %arg17[%parallel_loop3A_136, %parallel_loop3A_189] : memref<16x128xf32, #tpu.memory_space<vmem>>[vector<16xi32>, vector<16xi32>], vector<16xf32>,
          %parallel_loop3A_192 = arith.mulf %parallel_loop3A_190, %parallel_loop3A_191 : vector<16xf32>
          %parallel_loop3A_193 = arith.mulf %parallel_loop3A_192, %parallel_loop3A_154 : vector<16xf32>
          tpu.vector_store_idx %arg14[%parallel_loop3A_131, %parallel_loop3A_189], %parallel_loop3A_193 : memref<80x128xf32, #tpu.memory_space<vmem>>[vector<16xi32>, vector<16xi32>], vector<16xf32>,
          %parallel_loop3A_194 = arith.constant 48 : i32
          %parallel_loop3A_195 = vector.broadcast %parallel_loop3A_194 : i32 to vector<16xi32>
          %parallel_loop3A_196 = arith.addi %parallel_loop3A_195, %iota3A : vector<16xi32>
          %parallel_loop3A_197 = tpu.vector_load_idx %arg14[%parallel_loop3A_131, %parallel_loop3A_196] : memref<80x128xf32, #tpu.memory_space<vmem>>[vector<16xi32>, vector<16xi32>], vector<16xf32>,
          %parallel_loop3A_198 = tpu.vector_load_idx %arg17[%parallel_loop3A_136, %parallel_loop3A_196] : memref<16x128xf32, #tpu.memory_space<vmem>>[vector<16xi32>, vector<16xi32>], vector<16xf32>,
          %parallel_loop3A_199 = arith.mulf %parallel_loop3A_197, %parallel_loop3A_198 : vector<16xf32>
          %parallel_loop3A_200 = arith.mulf %parallel_loop3A_199, %parallel_loop3A_154 : vector<16xf32>
          tpu.vector_store_idx %arg14[%parallel_loop3A_131, %parallel_loop3A_196], %parallel_loop3A_200 : memref<80x128xf32, #tpu.memory_space<vmem>>[vector<16xi32>, vector<16xi32>], vector<16xf32>,
          %parallel_loop3A_201 = arith.constant 64 : i32
          %parallel_loop3A_202 = vector.broadcast %parallel_loop3A_201 : i32 to vector<16xi32>
          %parallel_loop3A_203 = arith.addi %parallel_loop3A_202, %iota3A : vector<16xi32>
          %parallel_loop3A_204 = tpu.vector_load_idx %arg14[%parallel_loop3A_131, %parallel_loop3A_203] : memref<80x128xf32, #tpu.memory_space<vmem>>[vector<16xi32>, vector<16xi32>], vector<16xf32>,
          %parallel_loop3A_205 = tpu.vector_load_idx %arg17[%parallel_loop3A_136, %parallel_loop3A_203] : memref<16x128xf32, #tpu.memory_space<vmem>>[vector<16xi32>, vector<16xi32>], vector<16xf32>,
          %parallel_loop3A_206 = arith.mulf %parallel_loop3A_204, %parallel_loop3A_205 : vector<16xf32>
          %parallel_loop3A_207 = arith.mulf %parallel_loop3A_206, %parallel_loop3A_163 : vector<16xf32>
          tpu.vector_store_idx %arg14[%parallel_loop3A_131, %parallel_loop3A_203], %parallel_loop3A_207 : memref<80x128xf32, #tpu.memory_space<vmem>>[vector<16xi32>, vector<16xi32>], vector<16xf32>,
          %parallel_loop3A_208 = arith.constant 80 : i32
          %parallel_loop3A_209 = vector.broadcast %parallel_loop3A_208 : i32 to vector<16xi32>
          %parallel_loop3A_210 = arith.addi %parallel_loop3A_209, %iota3A : vector<16xi32>
          %parallel_loop3A_211 = tpu.vector_load_idx %arg14[%parallel_loop3A_131, %parallel_loop3A_210] : memref<80x128xf32, #tpu.memory_space<vmem>>[vector<16xi32>, vector<16xi32>], vector<16xf32>,
          %parallel_loop3A_212 = tpu.vector_load_idx %arg17[%parallel_loop3A_136, %parallel_loop3A_210] : memref<16x128xf32, #tpu.memory_space<vmem>>[vector<16xi32>, vector<16xi32>], vector<16xf32>,
          %parallel_loop3A_213 = arith.mulf %parallel_loop3A_211, %parallel_loop3A_212 : vector<16xf32>
          %parallel_loop3A_214 = arith.mulf %parallel_loop3A_213, %parallel_loop3A_163 : vector<16xf32>
          tpu.vector_store_idx %arg14[%parallel_loop3A_131, %parallel_loop3A_210], %parallel_loop3A_214 : memref<80x128xf32, #tpu.memory_space<vmem>>[vector<16xi32>, vector<16xi32>], vector<16xf32>,
          %parallel_loop3A_215 = arith.constant 96 : i32
          %parallel_loop3A_216 = vector.broadcast %parallel_loop3A_215 : i32 to vector<16xi32>
          %parallel_loop3A_217 = arith.addi %parallel_loop3A_216, %iota3A : vector<16xi32>
          %parallel_loop3A_218 = tpu.vector_load_idx %arg14[%parallel_loop3A_131, %parallel_loop3A_217] : memref<80x128xf32, #tpu.memory_space<vmem>>[vector<16xi32>, vector<16xi32>], vector<16xf32>,
          %parallel_loop3A_219 = tpu.vector_load_idx %arg17[%parallel_loop3A_136, %parallel_loop3A_217] : memref<16x128xf32, #tpu.memory_space<vmem>>[vector<16xi32>, vector<16xi32>], vector<16xf32>,
          %parallel_loop3A_220 = arith.mulf %parallel_loop3A_218, %parallel_loop3A_219 : vector<16xf32>
          %parallel_loop3A_221 = arith.mulf %parallel_loop3A_220, %parallel_loop3A_172 : vector<16xf32>
          tpu.vector_store_idx %arg14[%parallel_loop3A_131, %parallel_loop3A_217], %parallel_loop3A_221 : memref<80x128xf32, #tpu.memory_space<vmem>>[vector<16xi32>, vector<16xi32>], vector<16xf32>,
          %parallel_loop3A_222 = arith.constant 112 : i32
          %parallel_loop3A_223 = vector.broadcast %parallel_loop3A_222 : i32 to vector<16xi32>
          %parallel_loop3A_224 = arith.addi %parallel_loop3A_223, %iota3A : vector<16xi32>
          %parallel_loop3A_225 = tpu.vector_load_idx %arg14[%parallel_loop3A_131, %parallel_loop3A_224] : memref<80x128xf32, #tpu.memory_space<vmem>>[vector<16xi32>, vector<16xi32>], vector<16xf32>,
          %parallel_loop3A_226 = tpu.vector_load_idx %arg17[%parallel_loop3A_136, %parallel_loop3A_224] : memref<16x128xf32, #tpu.memory_space<vmem>>[vector<16xi32>, vector<16xi32>], vector<16xf32>,
          %parallel_loop3A_227 = arith.mulf %parallel_loop3A_225, %parallel_loop3A_226 : vector<16xf32>
          %parallel_loop3A_228 = arith.mulf %parallel_loop3A_227, %parallel_loop3A_172 : vector<16xf32>
          tpu.vector_store_idx %arg14[%parallel_loop3A_131, %parallel_loop3A_224], %parallel_loop3A_228 : memref<80x128xf32, #tpu.memory_space<vmem>>[vector<16xi32>, vector<16xi32>], vector<16xf32>,
        } {sc.loop_unroll_factor = 8 : i64, sc.parallel_access}
        %dma_start3A_112 = arith.constant 48 : i32
        %dma_start3A_113 = arith.constant 0 : i32
        %dma_start3A_114 = tpu.memref_slice %arg14[%dma_start3A_112, %dma_start3A_113] : memref<80x128xf32, #tpu.memory_space<vmem>> -> memref<32x128xf32, #tpu.memory_space<vmem>>
        %dma_start3A_115 = arith.constant 0 : i32
        %dma_start3A_116 = arith.constant 0 : i32
        %dma_start3A_117 = tpu.memref_slice %arg18[%dma_start3A_115, %dma_start3A_116] : memref<10000x128xf32, #tpu.memory_space<vmem_shared>> -> memref<10000x128xf32, #tpu.memory_space<vmem_shared>>
        tpu.enqueue_indirect_dma source(%dma_start3A_114 : memref<32x128xf32, #tpu.memory_space<vmem>>) target(%dma_start3A_117 : memref<10000x128xf32, #tpu.memory_space<vmem_shared>>) offsets(%arg16 : memref<32xi32, #tpu.memory_space<vmem>>) semaphore(%arg22 : memref<!tpu.dma_semaphore, #tpu.memory_space<semaphore_mem>>) {add = true}
        %dma_wait3A_118 = arith.constant 0 : i32
        %dma_wait3A_119 = arith.constant 0 : i32
        %dma_wait3A_120 = tpu.memref_slice %arg14[%dma_wait3A_118, %dma_wait3A_119] : memref<80x128xf32, #tpu.memory_space<vmem>> -> memref<48x128xf32, #tpu.memory_space<vmem>>
        %dma_wait3A_121 = arith.constant 0 : i32
        %dma_wait3A_122 = arith.constant 0 : i32
        %dma_wait3A_123 = tpu.memref_slice %arg18[%dma_wait3A_121, %dma_wait3A_122] : memref<10000x128xf32, #tpu.memory_space<vmem_shared>> -> memref<10000x128xf32, #tpu.memory_space<vmem_shared>>
        tpu.wait_indirect_dma semaphore(%arg21 : memref<!tpu.dma_semaphore, #tpu.memory_space<semaphore_mem>>) src(%dma_wait3A_120 : memref<48x128xf32, #tpu.memory_space<vmem>>) dst(%dma_wait3A_123 : memref<10000x128xf32, #tpu.memory_space<vmem_shared>>)
        %dma_wait3A_124 = arith.constant 48 : i32
        %dma_wait3A_125 = arith.constant 0 : i32
        %dma_wait3A_126 = tpu.memref_slice %arg14[%dma_wait3A_124, %dma_wait3A_125] : memref<80x128xf32, #tpu.memory_space<vmem>> -> memref<32x128xf32, #tpu.memory_space<vmem>>
        %dma_wait3A_127 = arith.constant 0 : i32
        %dma_wait3A_128 = arith.constant 0 : i32
        %dma_wait3A_129 = tpu.memref_slice %arg18[%dma_wait3A_127, %dma_wait3A_128] : memref<10000x128xf32, #tpu.memory_space<vmem_shared>> -> memref<10000x128xf32, #tpu.memory_space<vmem_shared>>
        tpu.wait_indirect_dma semaphore(%arg22 : memref<!tpu.dma_semaphore, #tpu.memory_space<semaphore_mem>>) src(%dma_wait3A_126 : memref<32x128xf32, #tpu.memory_space<vmem>>) dst(%dma_wait3A_129 : memref<10000x128xf32, #tpu.memory_space<vmem_shared>>)
      }
      %scan3A_24 = arith.constant 25 : i32
    }
    %scan3A_7 = arith.constant 5 : i32
    %barrier3A_8 = arith.constant 0 : index
    tpu.barrier barrier_id(%barrier3A_8)
    %eq3A = arith.constant 0 : i32
    %eq3A_9 = arith.cmpi eq, %arg1, %eq3A : i32
    %convert_element_type3A = arith.extui %eq3A_9 : i1 to i32
    %cond3A = arith.constant 0 : i32
    %cond3A_10 = arith.cmpi ne, %convert_element_type3A, %cond3A : i32
    scf.if %cond3A_10 {
      "tpu.region"() ({
        %run_scoped3A = tpu.sem_alloc : memref<!tpu.dma_semaphore, #tpu.memory_space<semaphore_mem>>
        %dma_start3A = arith.constant 0 : i32
        %dma_start3A_11 = arith.constant 0 : i32
        %dma_start3A_12 = tpu.memref_slice %arg9[%arg0, %dma_start3A, %dma_start3A_11] : memref<2x10000x128xf32, #tpu.memory_space<hbm>> -> memref<1x10000x128xf32, #tpu.memory_space<hbm>>
        %dma_start3A_13 = tpu.memref_squeeze %dma_start3A_12 : memref<1x10000x128xf32, #tpu.memory_space<hbm>> -> memref<10000x128xf32, #tpu.memory_space<hbm>>
        tpu.enqueue_dma source(%arg18 : memref<10000x128xf32, #tpu.memory_space<vmem_shared>>) target(%dma_start3A_13 : memref<10000x128xf32, #tpu.memory_space<hbm>>) target_semaphore(%run_scoped3A : memref<!tpu.dma_semaphore, #tpu.memory_space<semaphore_mem>>)
        %dma_wait3A = arith.constant 0 : i32
        %dma_wait3A_14 = arith.constant 0 : i32
        %dma_wait3A_15 = tpu.memref_slice %arg9[%arg0, %dma_wait3A, %dma_wait3A_14] : memref<2x10000x128xf32, #tpu.memory_space<hbm>> -> memref<1x10000x128xf32, #tpu.memory_space<hbm>>
        %dma_wait3A_16 = tpu.memref_squeeze %dma_wait3A_15 : memref<1x10000x128xf32, #tpu.memory_space<hbm>> -> memref<10000x128xf32, #tpu.memory_space<hbm>>
        tpu.wait_dma2 semaphore(%run_scoped3A : memref<!tpu.dma_semaphore, #tpu.memory_space<semaphore_mem>>) src(%arg18 : memref<10000x128xf32, #tpu.memory_space<vmem_shared>>) dst(%dma_wait3A_16 : memref<10000x128xf32, #tpu.memory_space<hbm>>)
        tpu.yield
      }) : () -> ()
    } else {
    }
    return
  }
}

#map = affine_map<(d0, d1) -> (0)>
module attributes {stable_mosaic.version = 14 : i64} {
  func.func @body(%arg0: i32, %arg1: i32, %arg2: memref<320000xi32, #tpu.memory_space<hbm>>, %arg3: memref<320000xi32, #tpu.memory_space<hbm>>, %arg4: memref<320000xi32, #tpu.memory_space<hbm>>, %arg5: memref<80000xf32, #tpu.memory_space<hbm>>, %arg6: memref<64xf32, #tpu.memory_space<hbm>>, %arg7: memref<40000xf32, #tpu.memory_space<hbm>>, %arg8: memref<1280000xf32, #tpu.memory_space<hbm>>, %arg9: memref<1280000xf32, #tpu.memory_space<hbm>>, %arg10: memref<2000xi32, #tpu.memory_space<vmem>>, %arg11: memref<2000xi32, #tpu.memory_space<vmem>>, %arg12: memref<2000xi32, #tpu.memory_space<vmem>>, %arg13: memref<320xf32, #tpu.memory_space<vmem>>, %arg14: memref<80000xf32, #tpu.memory_space<vmem>>, %arg15: memref<64xf32, #tpu.memory_space<vmem>>, %arg16: memref<40000xf32, #tpu.memory_space<vmem>>) attributes {dimension_semantics = [#tpu.dimension_semantics<core_parallel>, #tpu.dimension_semantics<subcore_parallel>], iteration_bounds = array<i64: 2, 16>, scalar_prefetch = 0 : i64, scratch_operands = 7 : i64, tpu.core_type = #tpu.core_type<sc_vector_subcore>, window_params = [{transform_indices = #map}, {transform_indices = #map}, {transform_indices = #map}, {transform_indices = #map}, {transform_indices = #map}, {transform_indices = #map}, {transform_indices = #map}, {transform_indices = #map}]} {
    %mul3A = arith.constant 16 : i32
    %mul3A_0 = arith.muli %arg0, %mul3A : i32
    %add3A = arith.addi %mul3A_0, %arg1 : i32
    "tpu.region"() ({
      %run_scoped3A = tpu.sem_alloc : memref<!tpu.dma_semaphore, #tpu.memory_space<semaphore_mem>>
      tpu.enqueue_dma source(%arg5 : memref<80000xf32, #tpu.memory_space<hbm>>) target(%arg14 : memref<80000xf32, #tpu.memory_space<vmem>>) target_semaphore(%run_scoped3A : memref<!tpu.dma_semaphore, #tpu.memory_space<semaphore_mem>>)
      tpu.wait_dma2 semaphore(%run_scoped3A : memref<!tpu.dma_semaphore, #tpu.memory_space<semaphore_mem>>) src(%arg5 : memref<80000xf32, #tpu.memory_space<hbm>>) dst(%arg14 : memref<80000xf32, #tpu.memory_space<vmem>>)
      tpu.yield
    }) : () -> ()
    "tpu.region"() ({
      %run_scoped3A = tpu.sem_alloc : memref<!tpu.dma_semaphore, #tpu.memory_space<semaphore_mem>>
      tpu.enqueue_dma source(%arg6 : memref<64xf32, #tpu.memory_space<hbm>>) target(%arg15 : memref<64xf32, #tpu.memory_space<vmem>>) target_semaphore(%run_scoped3A : memref<!tpu.dma_semaphore, #tpu.memory_space<semaphore_mem>>)
      tpu.wait_dma2 semaphore(%run_scoped3A : memref<!tpu.dma_semaphore, #tpu.memory_space<semaphore_mem>>) src(%arg6 : memref<64xf32, #tpu.memory_space<hbm>>) dst(%arg15 : memref<64xf32, #tpu.memory_space<vmem>>)
      tpu.yield
    }) : () -> ()
    "tpu.region"() ({
      %run_scoped3A = tpu.sem_alloc : memref<!tpu.dma_semaphore, #tpu.memory_space<semaphore_mem>>
      tpu.enqueue_dma source(%arg7 : memref<40000xf32, #tpu.memory_space<hbm>>) target(%arg16 : memref<40000xf32, #tpu.memory_space<vmem>>) target_semaphore(%run_scoped3A : memref<!tpu.dma_semaphore, #tpu.memory_space<semaphore_mem>>)
      tpu.wait_dma2 semaphore(%run_scoped3A : memref<!tpu.dma_semaphore, #tpu.memory_space<semaphore_mem>>) src(%arg7 : memref<40000xf32, #tpu.memory_space<hbm>>) dst(%arg16 : memref<40000xf32, #tpu.memory_space<vmem>>)
      tpu.yield
    }) : () -> ()
    %iota3A = tpu.iota {dimensions = array<i32: 0>} : vector<16xi32>
    %and3A = arith.constant 3 : i32
    %and3A_1 = vector.broadcast %and3A : i32 to vector<16xi32>
    %and3A_2 = arith.andi %iota3A, %and3A_1 : vector<16xi32>
    %lt3A = arith.constant 4 : i32
    %lt3A_3 = vector.broadcast %lt3A : i32 to vector<16xi32>
    %lt3A_4 = arith.cmpi slt, %iota3A, %lt3A_3 : vector<16xi32>
    %scan3A = arith.constant 0 : i32
    %scan3A_5 = arith.constant 0 : i32
    %scan3A_6 = arith.constant 5 : i32
    %scan3A_7 = arith.addi %scan3A_5, %scan3A_6 : i32
    %scan3A_8 = arith.constant 1 : i32
    scf.for %scan3A_14 = %scan3A_5 to %scan3A_7 step %scan3A_8  : i32 {
      %mul3A_15 = arith.constant 10000 : i32
      %mul3A_16 = arith.muli %add3A, %mul3A_15 : i32
      %mul3A_17 = arith.constant 2000 : i32
      %mul3A_18 = arith.muli %scan3A_14, %mul3A_17 : i32
      %add3A_19 = arith.addi %mul3A_16, %mul3A_18 : i32
      "tpu.region"() ({
        %run_scoped3A = tpu.sem_alloc : memref<!tpu.dma_semaphore, #tpu.memory_space<semaphore_mem>>
        %dma_start3A = tpu.memref_slice %arg2[%add3A_19] : memref<320000xi32, #tpu.memory_space<hbm>> -> memref<2000xi32, #tpu.memory_space<hbm>>
        %dma_start3A_26 = tpu.memref_slice %arg2[%add3A_19] : memref<320000xi32, #tpu.memory_space<hbm>> -> memref<2000xi32, #tpu.memory_space<hbm>>
        tpu.enqueue_dma source(%dma_start3A_26 : memref<2000xi32, #tpu.memory_space<hbm>>) target(%arg10 : memref<2000xi32, #tpu.memory_space<vmem>>) target_semaphore(%run_scoped3A : memref<!tpu.dma_semaphore, #tpu.memory_space<semaphore_mem>>)
        %dma_wait3A = tpu.memref_slice %arg2[%add3A_19] : memref<320000xi32, #tpu.memory_space<hbm>> -> memref<2000xi32, #tpu.memory_space<hbm>>
        %dma_wait3A_27 = tpu.memref_slice %arg2[%add3A_19] : memref<320000xi32, #tpu.memory_space<hbm>> -> memref<2000xi32, #tpu.memory_space<hbm>>
        tpu.wait_dma2 semaphore(%run_scoped3A : memref<!tpu.dma_semaphore, #tpu.memory_space<semaphore_mem>>) src(%dma_wait3A_27 : memref<2000xi32, #tpu.memory_space<hbm>>) dst(%arg10 : memref<2000xi32, #tpu.memory_space<vmem>>)
        tpu.yield
      }) : () -> ()
      "tpu.region"() ({
        %run_scoped3A = tpu.sem_alloc : memref<!tpu.dma_semaphore, #tpu.memory_space<semaphore_mem>>
        %dma_start3A = tpu.memref_slice %arg3[%add3A_19] : memref<320000xi32, #tpu.memory_space<hbm>> -> memref<2000xi32, #tpu.memory_space<hbm>>
        %dma_start3A_26 = tpu.memref_slice %arg3[%add3A_19] : memref<320000xi32, #tpu.memory_space<hbm>> -> memref<2000xi32, #tpu.memory_space<hbm>>
        tpu.enqueue_dma source(%dma_start3A_26 : memref<2000xi32, #tpu.memory_space<hbm>>) target(%arg11 : memref<2000xi32, #tpu.memory_space<vmem>>) target_semaphore(%run_scoped3A : memref<!tpu.dma_semaphore, #tpu.memory_space<semaphore_mem>>)
        %dma_wait3A = tpu.memref_slice %arg3[%add3A_19] : memref<320000xi32, #tpu.memory_space<hbm>> -> memref<2000xi32, #tpu.memory_space<hbm>>
        %dma_wait3A_27 = tpu.memref_slice %arg3[%add3A_19] : memref<320000xi32, #tpu.memory_space<hbm>> -> memref<2000xi32, #tpu.memory_space<hbm>>
        tpu.wait_dma2 semaphore(%run_scoped3A : memref<!tpu.dma_semaphore, #tpu.memory_space<semaphore_mem>>) src(%dma_wait3A_27 : memref<2000xi32, #tpu.memory_space<hbm>>) dst(%arg11 : memref<2000xi32, #tpu.memory_space<vmem>>)
        tpu.yield
      }) : () -> ()
      "tpu.region"() ({
        %run_scoped3A = tpu.sem_alloc : memref<!tpu.dma_semaphore, #tpu.memory_space<semaphore_mem>>
        %dma_start3A = tpu.memref_slice %arg4[%add3A_19] : memref<320000xi32, #tpu.memory_space<hbm>> -> memref<2000xi32, #tpu.memory_space<hbm>>
        %dma_start3A_26 = tpu.memref_slice %arg4[%add3A_19] : memref<320000xi32, #tpu.memory_space<hbm>> -> memref<2000xi32, #tpu.memory_space<hbm>>
        tpu.enqueue_dma source(%dma_start3A_26 : memref<2000xi32, #tpu.memory_space<hbm>>) target(%arg12 : memref<2000xi32, #tpu.memory_space<vmem>>) target_semaphore(%run_scoped3A : memref<!tpu.dma_semaphore, #tpu.memory_space<semaphore_mem>>)
        %dma_wait3A = tpu.memref_slice %arg4[%add3A_19] : memref<320000xi32, #tpu.memory_space<hbm>> -> memref<2000xi32, #tpu.memory_space<hbm>>
        %dma_wait3A_27 = tpu.memref_slice %arg4[%add3A_19] : memref<320000xi32, #tpu.memory_space<hbm>> -> memref<2000xi32, #tpu.memory_space<hbm>>
        tpu.wait_dma2 semaphore(%run_scoped3A : memref<!tpu.dma_semaphore, #tpu.memory_space<semaphore_mem>>) src(%dma_wait3A_27 : memref<2000xi32, #tpu.memory_space<hbm>>) dst(%arg12 : memref<2000xi32, #tpu.memory_space<vmem>>)
        tpu.yield
      }) : () -> ()
      %scan3A_20 = arith.constant 0 : i32
      %scan3A_21 = arith.constant 0 : i32
      %scan3A_22 = arith.constant 25 : i32
      %scan3A_23 = arith.addi %scan3A_21, %scan3A_22 : i32
      %scan3A_24 = arith.constant 1 : i32
      scf.for %scan3A_26 = %scan3A_21 to %scan3A_23 step %scan3A_24  : i32 {
        %parallel_loop3A = arith.constant 0 : i32
        %parallel_loop3A_27 = arith.constant 5 : i32
        %parallel_loop3A_28 = arith.constant 1 : i32
        scf.for %parallel_loop3A_37 = %parallel_loop3A to %parallel_loop3A_27 step %parallel_loop3A_28  : i32 {
          %parallel_loop3A_38 = arith.constant 80 : i32
          %parallel_loop3A_39 = arith.muli %scan3A_26, %parallel_loop3A_38 : i32
          %parallel_loop3A_40 = arith.constant 16 : i32
          %parallel_loop3A_41 = arith.muli %parallel_loop3A_37, %parallel_loop3A_40 : i32
          %parallel_loop3A_42 = arith.addi %parallel_loop3A_39, %parallel_loop3A_41 : i32
          %parallel_loop3A_43 = arith.constant 16 : i32
          %parallel_loop3A_44 = arith.muli %parallel_loop3A_37, %parallel_loop3A_43 : i32
          %parallel_loop3A_45 = vector.broadcast %parallel_loop3A_44 : i32 to vector<16xi32>
          %parallel_loop3A_46 = arith.addi %parallel_loop3A_45, %iota3A : vector<16xi32>
          %parallel_loop3A_47 = vector.broadcast %parallel_loop3A_42 : i32 to vector<16xi32>
          %parallel_loop3A_48 = arith.addi %parallel_loop3A_47, %iota3A : vector<16xi32>
          %parallel_loop3A_49 = tpu.vector_load_idx %arg10[%parallel_loop3A_48] : memref<2000xi32, #tpu.memory_space<vmem>>[vector<16xi32>], vector<16xi32>,
          %parallel_loop3A_50 = vector.broadcast %parallel_loop3A_42 : i32 to vector<16xi32>
          %parallel_loop3A_51 = arith.addi %parallel_loop3A_50, %iota3A : vector<16xi32>
          %parallel_loop3A_52 = tpu.vector_load_idx %arg11[%parallel_loop3A_51] : memref<2000xi32, #tpu.memory_space<vmem>>[vector<16xi32>], vector<16xi32>,
          %parallel_loop3A_53 = vector.broadcast %parallel_loop3A_42 : i32 to vector<16xi32>
          %parallel_loop3A_54 = arith.addi %parallel_loop3A_53, %iota3A : vector<16xi32>
          %parallel_loop3A_55 = tpu.vector_load_idx %arg12[%parallel_loop3A_54] : memref<2000xi32, #tpu.memory_space<vmem>>[vector<16xi32>], vector<16xi32>,
          %parallel_loop3A_56 = arith.constant 8 : i32
          %parallel_loop3A_57 = vector.broadcast %parallel_loop3A_56 : i32 to vector<16xi32>
          %parallel_loop3A_58 = arith.muli %parallel_loop3A_49, %parallel_loop3A_57 : vector<16xi32>
          %parallel_loop3A_59 = arith.constant 8 : i32
          %parallel_loop3A_60 = vector.broadcast %parallel_loop3A_59 : i32 to vector<16xi32>
          %parallel_loop3A_61 = arith.muli %parallel_loop3A_52, %parallel_loop3A_60 : vector<16xi32>
          %parallel_loop3A_62 = arith.constant 4 : i32
          %parallel_loop3A_63 = vector.broadcast %parallel_loop3A_62 : i32 to vector<16xi32>
          %parallel_loop3A_64 = arith.muli %parallel_loop3A_55, %parallel_loop3A_63 : vector<16xi32>
          %parallel_loop3A_65 = arith.constant 0 : i32
          %parallel_loop3A_66 = vector.broadcast %parallel_loop3A_65 : i32 to vector<16xi32>
          %parallel_loop3A_67 = arith.addi %parallel_loop3A_58, %parallel_loop3A_66 : vector<16xi32>
          %parallel_loop3A_68 = tpu.vector_load_idx %arg14[%parallel_loop3A_67] : memref<80000xf32, #tpu.memory_space<vmem>>[vector<16xi32>], vector<16xf32>,
          %parallel_loop3A_69 = arith.constant 4 : i32
          %parallel_loop3A_70 = vector.broadcast %parallel_loop3A_69 : i32 to vector<16xi32>
          %parallel_loop3A_71 = arith.addi %parallel_loop3A_61, %parallel_loop3A_70 : vector<16xi32>
          %parallel_loop3A_72 = tpu.vector_load_idx %arg14[%parallel_loop3A_71] : memref<80000xf32, #tpu.memory_space<vmem>>[vector<16xi32>], vector<16xf32>,
          %parallel_loop3A_73 = arith.addf %parallel_loop3A_68, %parallel_loop3A_72 : vector<16xf32>
          %parallel_loop3A_74 = arith.constant 0 : i32
          %parallel_loop3A_75 = vector.broadcast %parallel_loop3A_74 : i32 to vector<16xi32>
          %parallel_loop3A_76 = arith.addi %parallel_loop3A_64, %parallel_loop3A_75 : vector<16xi32>
          %parallel_loop3A_77 = tpu.vector_load_idx %arg15[%parallel_loop3A_76] : memref<64xf32, #tpu.memory_space<vmem>>[vector<16xi32>], vector<16xf32>,
          %parallel_loop3A_78 = arith.addf %parallel_loop3A_73, %parallel_loop3A_77 : vector<16xf32>
          %parallel_loop3A_79 = arith.constant 0.00999999977 : f32
          %parallel_loop3A_80 = vector.broadcast %parallel_loop3A_79 : f32 to vector<16xf32>
          %parallel_loop3A_81 = arith.mulf %parallel_loop3A_78, %parallel_loop3A_80 : vector<16xf32>
          %parallel_loop3A_82 = arith.maximumf %parallel_loop3A_78, %parallel_loop3A_81 : vector<16xf32>
          %parallel_loop3A_83 = math.exp %parallel_loop3A_82 : vector<16xf32>
          %parallel_loop3A_84 = arith.constant 1 : i32
          %parallel_loop3A_85 = vector.broadcast %parallel_loop3A_84 : i32 to vector<16xi32>
          %parallel_loop3A_86 = arith.addi %parallel_loop3A_58, %parallel_loop3A_85 : vector<16xi32>
          %parallel_loop3A_87 = tpu.vector_load_idx %arg14[%parallel_loop3A_86] : memref<80000xf32, #tpu.memory_space<vmem>>[vector<16xi32>], vector<16xf32>,
          %parallel_loop3A_88 = arith.constant 5 : i32
          %parallel_loop3A_89 = vector.broadcast %parallel_loop3A_88 : i32 to vector<16xi32>
          %parallel_loop3A_90 = arith.addi %parallel_loop3A_61, %parallel_loop3A_89 : vector<16xi32>
          %parallel_loop3A_91 = tpu.vector_load_idx %arg14[%parallel_loop3A_90] : memref<80000xf32, #tpu.memory_space<vmem>>[vector<16xi32>], vector<16xf32>,
          %parallel_loop3A_92 = arith.addf %parallel_loop3A_87, %parallel_loop3A_91 : vector<16xf32>
          %parallel_loop3A_93 = arith.constant 1 : i32
          %parallel_loop3A_94 = vector.broadcast %parallel_loop3A_93 : i32 to vector<16xi32>
          %parallel_loop3A_95 = arith.addi %parallel_loop3A_64, %parallel_loop3A_94 : vector<16xi32>
          %parallel_loop3A_96 = tpu.vector_load_idx %arg15[%parallel_loop3A_95] : memref<64xf32, #tpu.memory_space<vmem>>[vector<16xi32>], vector<16xf32>,
          %parallel_loop3A_97 = arith.addf %parallel_loop3A_92, %parallel_loop3A_96 : vector<16xf32>
          %parallel_loop3A_98 = arith.constant 0.00999999977 : f32
          %parallel_loop3A_99 = vector.broadcast %parallel_loop3A_98 : f32 to vector<16xf32>
          %parallel_loop3A_100 = arith.mulf %parallel_loop3A_97, %parallel_loop3A_99 : vector<16xf32>
          %parallel_loop3A_101 = arith.maximumf %parallel_loop3A_97, %parallel_loop3A_100 : vector<16xf32>
          %parallel_loop3A_102 = math.exp %parallel_loop3A_101 : vector<16xf32>
          %parallel_loop3A_103 = arith.constant 2 : i32
          %parallel_loop3A_104 = vector.broadcast %parallel_loop3A_103 : i32 to vector<16xi32>
          %parallel_loop3A_105 = arith.addi %parallel_loop3A_58, %parallel_loop3A_104 : vector<16xi32>
          %parallel_loop3A_106 = tpu.vector_load_idx %arg14[%parallel_loop3A_105] : memref<80000xf32, #tpu.memory_space<vmem>>[vector<16xi32>], vector<16xf32>,
          %parallel_loop3A_107 = arith.constant 6 : i32
          %parallel_loop3A_108 = vector.broadcast %parallel_loop3A_107 : i32 to vector<16xi32>
          %parallel_loop3A_109 = arith.addi %parallel_loop3A_61, %parallel_loop3A_108 : vector<16xi32>
          %parallel_loop3A_110 = tpu.vector_load_idx %arg14[%parallel_loop3A_109] : memref<80000xf32, #tpu.memory_space<vmem>>[vector<16xi32>], vector<16xf32>,
          %parallel_loop3A_111 = arith.addf %parallel_loop3A_106, %parallel_loop3A_110 : vector<16xf32>
          %parallel_loop3A_112 = arith.constant 2 : i32
          %parallel_loop3A_113 = vector.broadcast %parallel_loop3A_112 : i32 to vector<16xi32>
          %parallel_loop3A_114 = arith.addi %parallel_loop3A_64, %parallel_loop3A_113 : vector<16xi32>
          %parallel_loop3A_115 = tpu.vector_load_idx %arg15[%parallel_loop3A_114] : memref<64xf32, #tpu.memory_space<vmem>>[vector<16xi32>], vector<16xf32>,
          %parallel_loop3A_116 = arith.addf %parallel_loop3A_111, %parallel_loop3A_115 : vector<16xf32>
          %parallel_loop3A_117 = arith.constant 0.00999999977 : f32
          %parallel_loop3A_118 = vector.broadcast %parallel_loop3A_117 : f32 to vector<16xf32>
          %parallel_loop3A_119 = arith.mulf %parallel_loop3A_116, %parallel_loop3A_118 : vector<16xf32>
          %parallel_loop3A_120 = arith.maximumf %parallel_loop3A_116, %parallel_loop3A_119 : vector<16xf32>
          %parallel_loop3A_121 = math.exp %parallel_loop3A_120 : vector<16xf32>
          %parallel_loop3A_122 = arith.constant 3 : i32
          %parallel_loop3A_123 = vector.broadcast %parallel_loop3A_122 : i32 to vector<16xi32>
          %parallel_loop3A_124 = arith.addi %parallel_loop3A_58, %parallel_loop3A_123 : vector<16xi32>
          %parallel_loop3A_125 = tpu.vector_load_idx %arg14[%parallel_loop3A_124] : memref<80000xf32, #tpu.memory_space<vmem>>[vector<16xi32>], vector<16xf32>,
          %parallel_loop3A_126 = arith.constant 7 : i32
          %parallel_loop3A_127 = vector.broadcast %parallel_loop3A_126 : i32 to vector<16xi32>
          %parallel_loop3A_128 = arith.addi %parallel_loop3A_61, %parallel_loop3A_127 : vector<16xi32>
          %parallel_loop3A_129 = tpu.vector_load_idx %arg14[%parallel_loop3A_128] : memref<80000xf32, #tpu.memory_space<vmem>>[vector<16xi32>], vector<16xf32>,
          %parallel_loop3A_130 = arith.addf %parallel_loop3A_125, %parallel_loop3A_129 : vector<16xf32>
          %parallel_loop3A_131 = arith.constant 3 : i32
          %parallel_loop3A_132 = vector.broadcast %parallel_loop3A_131 : i32 to vector<16xi32>
          %parallel_loop3A_133 = arith.addi %parallel_loop3A_64, %parallel_loop3A_132 : vector<16xi32>
          %parallel_loop3A_134 = tpu.vector_load_idx %arg15[%parallel_loop3A_133] : memref<64xf32, #tpu.memory_space<vmem>>[vector<16xi32>], vector<16xf32>,
          %parallel_loop3A_135 = arith.addf %parallel_loop3A_130, %parallel_loop3A_134 : vector<16xf32>
          %parallel_loop3A_136 = arith.constant 0.00999999977 : f32
          %parallel_loop3A_137 = vector.broadcast %parallel_loop3A_136 : f32 to vector<16xf32>
          %parallel_loop3A_138 = arith.mulf %parallel_loop3A_135, %parallel_loop3A_137 : vector<16xf32>
          %parallel_loop3A_139 = arith.maximumf %parallel_loop3A_135, %parallel_loop3A_138 : vector<16xf32>
          %parallel_loop3A_140 = math.exp %parallel_loop3A_139 : vector<16xf32>
          %parallel_loop3A_141 = arith.constant 4 : i32
          %parallel_loop3A_142 = vector.broadcast %parallel_loop3A_141 : i32 to vector<16xi32>
          %parallel_loop3A_143 = arith.muli %parallel_loop3A_46, %parallel_loop3A_142 : vector<16xi32>
          %parallel_loop3A_144 = arith.constant 0 : i32
          %parallel_loop3A_145 = vector.broadcast %parallel_loop3A_144 : i32 to vector<16xi32>
          %parallel_loop3A_146 = arith.addi %parallel_loop3A_143, %parallel_loop3A_145 : vector<16xi32>
          tpu.vector_store_idx %arg13[%parallel_loop3A_146], %parallel_loop3A_83 : memref<320xf32, #tpu.memory_space<vmem>>[vector<16xi32>], vector<16xf32>,
          %parallel_loop3A_147 = arith.constant 4 : i32
          %parallel_loop3A_148 = vector.broadcast %parallel_loop3A_147 : i32 to vector<16xi32>
          %parallel_loop3A_149 = arith.muli %parallel_loop3A_46, %parallel_loop3A_148 : vector<16xi32>
          %parallel_loop3A_150 = arith.constant 1 : i32
          %parallel_loop3A_151 = vector.broadcast %parallel_loop3A_150 : i32 to vector<16xi32>
          %parallel_loop3A_152 = arith.addi %parallel_loop3A_149, %parallel_loop3A_151 : vector<16xi32>
          tpu.vector_store_idx %arg13[%parallel_loop3A_152], %parallel_loop3A_102 : memref<320xf32, #tpu.memory_space<vmem>>[vector<16xi32>], vector<16xf32>,
          %parallel_loop3A_153 = arith.constant 4 : i32
          %parallel_loop3A_154 = vector.broadcast %parallel_loop3A_153 : i32 to vector<16xi32>
          %parallel_loop3A_155 = arith.muli %parallel_loop3A_46, %parallel_loop3A_154 : vector<16xi32>
          %parallel_loop3A_156 = arith.constant 2 : i32
          %parallel_loop3A_157 = vector.broadcast %parallel_loop3A_156 : i32 to vector<16xi32>
          %parallel_loop3A_158 = arith.addi %parallel_loop3A_155, %parallel_loop3A_157 : vector<16xi32>
          tpu.vector_store_idx %arg13[%parallel_loop3A_158], %parallel_loop3A_121 : memref<320xf32, #tpu.memory_space<vmem>>[vector<16xi32>], vector<16xf32>,
          %parallel_loop3A_159 = arith.constant 4 : i32
          %parallel_loop3A_160 = vector.broadcast %parallel_loop3A_159 : i32 to vector<16xi32>
          %parallel_loop3A_161 = arith.muli %parallel_loop3A_46, %parallel_loop3A_160 : vector<16xi32>
          %parallel_loop3A_162 = arith.constant 3 : i32
          %parallel_loop3A_163 = vector.broadcast %parallel_loop3A_162 : i32 to vector<16xi32>
          %parallel_loop3A_164 = arith.addi %parallel_loop3A_161, %parallel_loop3A_163 : vector<16xi32>
          tpu.vector_store_idx %arg13[%parallel_loop3A_164], %parallel_loop3A_140 : memref<320xf32, #tpu.memory_space<vmem>>[vector<16xi32>], vector<16xf32>,
        } {sc.loop_unroll_factor = 2 : i64, sc.parallel_access}
        %parallel_loop3A_29 = arith.constant 0 : i32
        %parallel_loop3A_30 = arith.constant 80 : i32
        %parallel_loop3A_31 = arith.constant 1 : i32
        scf.for %parallel_loop3A_37 = %parallel_loop3A_29 to %parallel_loop3A_30 step %parallel_loop3A_31  : i32 {
          %parallel_loop3A_38 = vector.broadcast %parallel_loop3A_37 : i32 to vector<16xi32>
          %parallel_loop3A_39 = arith.constant 80 : i32
          %parallel_loop3A_40 = arith.muli %scan3A_26, %parallel_loop3A_39 : i32
          %parallel_loop3A_41 = vector.broadcast %parallel_loop3A_40 : i32 to vector<16xi32>
          %parallel_loop3A_42 = arith.addi %parallel_loop3A_38, %parallel_loop3A_41 : vector<16xi32>
          %parallel_loop3A_43 = tpu.vector_load_idx %arg11[%parallel_loop3A_42] : memref<2000xi32, #tpu.memory_space<vmem>>[vector<16xi32>], vector<16xi32>,
          %parallel_loop3A_44 = arith.constant 4 : i32
          %parallel_loop3A_45 = arith.muli %parallel_loop3A_37, %parallel_loop3A_44 : i32
          %parallel_loop3A_46 = vector.broadcast %parallel_loop3A_45 : i32 to vector<16xi32>
          %parallel_loop3A_47 = arith.addi %parallel_loop3A_46, %and3A_2 : vector<16xi32>
          %parallel_loop3A_48 = tpu.vector_load_idx %arg13[%parallel_loop3A_47] : memref<320xf32, #tpu.memory_space<vmem>>[vector<16xi32>], vector<16xf32>,
          %parallel_loop3A_49 = arith.constant 4 : i32
          %parallel_loop3A_50 = vector.broadcast %parallel_loop3A_49 : i32 to vector<16xi32>
          %parallel_loop3A_51 = arith.muli %parallel_loop3A_43, %parallel_loop3A_50 : vector<16xi32>
          %parallel_loop3A_52 = arith.addi %parallel_loop3A_51, %and3A_2 : vector<16xi32>
          tpu.vector_store_idx %arg16[%parallel_loop3A_52], %parallel_loop3A_48 masked %lt3A_4 {add = true} : memref<40000xf32, #tpu.memory_space<vmem>>[vector<16xi32>], vector<16xf32>, vector<16xi1>
        } {sc.loop_unroll_factor = 4 : i64, sc.parallel_access}
        %mul3A_32 = arith.constant 80 : i32
        %mul3A_33 = arith.muli %scan3A_26, %mul3A_32 : i32
        %add3A_34 = arith.addi %add3A_19, %mul3A_33 : i32
        %mul3A_35 = arith.constant 4 : i32
        %mul3A_36 = arith.muli %add3A_34, %mul3A_35 : i32
        "tpu.region"() ({
          %run_scoped3A = tpu.sem_alloc : memref<!tpu.dma_semaphore, #tpu.memory_space<semaphore_mem>>
          %dma_start3A = tpu.memref_slice %arg9[%mul3A_36] : memref<1280000xf32, #tpu.memory_space<hbm>> -> memref<320xf32, #tpu.memory_space<hbm>>
          %dma_start3A_37 = tpu.memref_slice %arg9[%mul3A_36] : memref<1280000xf32, #tpu.memory_space<hbm>> -> memref<320xf32, #tpu.memory_space<hbm>>
          tpu.enqueue_dma source(%arg13 : memref<320xf32, #tpu.memory_space<vmem>>) target(%dma_start3A_37 : memref<320xf32, #tpu.memory_space<hbm>>) target_semaphore(%run_scoped3A : memref<!tpu.dma_semaphore, #tpu.memory_space<semaphore_mem>>)
          %dma_wait3A = tpu.memref_slice %arg9[%mul3A_36] : memref<1280000xf32, #tpu.memory_space<hbm>> -> memref<320xf32, #tpu.memory_space<hbm>>
          %dma_wait3A_38 = tpu.memref_slice %arg9[%mul3A_36] : memref<1280000xf32, #tpu.memory_space<hbm>> -> memref<320xf32, #tpu.memory_space<hbm>>
          tpu.wait_dma2 semaphore(%run_scoped3A : memref<!tpu.dma_semaphore, #tpu.memory_space<semaphore_mem>>) src(%arg13 : memref<320xf32, #tpu.memory_space<vmem>>) dst(%dma_wait3A_38 : memref<320xf32, #tpu.memory_space<hbm>>)
          tpu.yield
        }) : () -> ()
      }
      %scan3A_25 = arith.constant 25 : i32
    }
    %scan3A_9 = arith.constant 5 : i32
    %mul3A_10 = arith.constant 10000 : i32
    %mul3A_11 = arith.muli %add3A, %mul3A_10 : i32
    %mul3A_12 = arith.constant 4 : i32
    %mul3A_13 = arith.muli %mul3A_11, %mul3A_12 : i32
    "tpu.region"() ({
      %run_scoped3A = tpu.sem_alloc : memref<!tpu.dma_semaphore, #tpu.memory_space<semaphore_mem>>
      %dma_start3A = tpu.memref_slice %arg8[%mul3A_13] : memref<1280000xf32, #tpu.memory_space<hbm>> -> memref<40000xf32, #tpu.memory_space<hbm>>
      %dma_start3A_14 = tpu.memref_slice %arg8[%mul3A_13] : memref<1280000xf32, #tpu.memory_space<hbm>> -> memref<40000xf32, #tpu.memory_space<hbm>>
      tpu.enqueue_dma source(%arg16 : memref<40000xf32, #tpu.memory_space<vmem>>) target(%dma_start3A_14 : memref<40000xf32, #tpu.memory_space<hbm>>) target_semaphore(%run_scoped3A : memref<!tpu.dma_semaphore, #tpu.memory_space<semaphore_mem>>)
      %dma_wait3A = tpu.memref_slice %arg8[%mul3A_13] : memref<1280000xf32, #tpu.memory_space<hbm>> -> memref<40000xf32, #tpu.memory_space<hbm>>
      %dma_wait3A_15 = tpu.memref_slice %arg8[%mul3A_13] : memref<1280000xf32, #tpu.memory_space<hbm>> -> memref<40000xf32, #tpu.memory_space<hbm>>
      tpu.wait_dma2 semaphore(%run_scoped3A : memref<!tpu.dma_semaphore, #tpu.memory_space<semaphore_mem>>) src(%arg16 : memref<40000xf32, #tpu.memory_space<vmem>>) dst(%dma_wait3A_15 : memref<40000xf32, #tpu.memory_space<hbm>>)
      tpu.yield
    }) : () -> ()
    return
  }
}

module attributes {stable_mosaic.version = 14 : i64} {
  func.func @_proj_body(%arg0: i32, %arg1: memref<2000x128xf32, #tpu.memory_space<vmem>>, %arg2: memref<128x128xf32, #tpu.memory_space<vmem>>, %arg3: memref<128xf32, #tpu.memory_space<vmem>>, %arg4: memref<128x8xf32, #tpu.memory_space<vmem>>, %arg5: memref<128x128xf32, #tpu.memory_space<vmem>>, %arg6: memref<2000x128xf32, #tpu.memory_space<vmem>>, %arg7: memref<2000x8xf32, #tpu.memory_space<vmem>>, %arg8: memref<2000x128xf32, #tpu.memory_space<vmem>>) attributes {dimension_semantics = [#tpu.dimension_semantics<arbitrary>], iteration_bounds = array<i64: 5>, scalar_prefetch = 0 : i64, scratch_operands = 0 : i64, tpu.core_type = #tpu.core_type<tc>, window_params = [{transform_indices = @transform_0, window_bounds = array<i64: 2000, 128>}, {pipeline_mode = #tpu.pipeline_mode<synchronous>, transform_indices = @transform_1, window_bounds = array<i64: 128, 128>}, {pipeline_mode = #tpu.pipeline_mode<synchronous>, transform_indices = @transform_2, window_bounds = array<i64: 128>}, {pipeline_mode = #tpu.pipeline_mode<synchronous>, transform_indices = @transform_3, window_bounds = array<i64: 128, 8>}, {pipeline_mode = #tpu.pipeline_mode<synchronous>, transform_indices = @transform_4, window_bounds = array<i64: 128, 128>}, {transform_indices = @transform_5, window_bounds = array<i64: 2000, 128>}, {transform_indices = @transform_6, window_bounds = array<i64: 2000, 8>}, {transform_indices = @transform_7, window_bounds = array<i64: 2000, 128>}]} {
    %get3A = arith.constant 0 : index
    %get3A_0 = arith.constant 0 : index
    %get3A_1 = vector.load %arg1[%get3A, %get3A_0] : memref<2000x128xf32, #tpu.memory_space<vmem>>, vector<2000x128xf32>
    %get3A_2 = arith.constant 0 : index
    %get3A_3 = arith.constant 0 : index
    %get3A_4 = vector.load %arg2[%get3A_2, %get3A_3] : memref<128x128xf32, #tpu.memory_space<vmem>>, vector<128x128xf32>
    %dot_general3A = arith.constant dense<0.000000e+00> : vector<2000x128xf32>
    %dot_general3A_5 = tpu.matmul %get3A_1, %get3A_4, %dot_general3A {dimension_numbers = #tpu.dot_dimension_numbers<[1], [0], [0], [1], [0, 0, 1, 1], [], []>, transpose_lhs_hint = false} : vector<2000x128xf32>, vector<128x128xf32>, vector<2000x128xf32> -> vector<2000x128xf32>
    %get3A_6 = arith.constant 0 : index
    %get3A_7 = vector.load %arg3[%get3A_6] : memref<128xf32, #tpu.memory_space<vmem>>, vector<128xf32>
    %broadcast_in_dim3A = vector.shape_cast %get3A_7 : vector<128xf32> to vector<1x128xf32>
    %add3A = vector.broadcast %broadcast_in_dim3A : vector<1x128xf32> to vector<2000x128xf32>
    %add3A_8 = arith.addf %dot_general3A_5, %add3A : vector<2000x128xf32>
    %swap3A = arith.constant 0 : index
    %swap3A_9 = arith.constant 0 : index
    %swap3A_10 = vector.load %arg6[%swap3A, %swap3A_9] : memref<2000x128xf32, #tpu.memory_space<vmem>>, vector<2000x128xf32>
    tpu.vector_store %arg6[%swap3A, %swap3A_9], %add3A_8 {strides = array<i32>} : memref<2000x128xf32, #tpu.memory_space<vmem>>, vector<2000x128xf32>,
    %get3A_11 = arith.constant 0 : index
    %get3A_12 = arith.constant 0 : index
    %get3A_13 = vector.load %arg4[%get3A_11, %get3A_12] : memref<128x8xf32, #tpu.memory_space<vmem>>, vector<128x8xf32>
    %dot_general3A_14 = arith.constant dense<0.000000e+00> : vector<2000x8xf32>
    %dot_general3A_15 = tpu.matmul %add3A_8, %get3A_13, %dot_general3A_14 {dimension_numbers = #tpu.dot_dimension_numbers<[1], [0], [0], [1], [0, 0, 1, 1], [], []>, transpose_lhs_hint = false} : vector<2000x128xf32>, vector<128x8xf32>, vector<2000x8xf32> -> vector<2000x8xf32>
    %swap3A_16 = arith.constant 0 : index
    %swap3A_17 = arith.constant 0 : index
    %swap3A_18 = vector.load %arg7[%swap3A_16, %swap3A_17] : memref<2000x8xf32, #tpu.memory_space<vmem>>, vector<2000x8xf32>
    tpu.vector_store %arg7[%swap3A_16, %swap3A_17], %dot_general3A_15 {strides = array<i32>} : memref<2000x8xf32, #tpu.memory_space<vmem>>, vector<2000x8xf32>,
    %get3A_19 = arith.constant 0 : index
    %get3A_20 = arith.constant 0 : index
    %get3A_21 = vector.load %arg5[%get3A_19, %get3A_20] : memref<128x128xf32, #tpu.memory_space<vmem>>, vector<128x128xf32>
    %dot_general3A_22 = arith.constant dense<0.000000e+00> : vector<2000x128xf32>
    %dot_general3A_23 = tpu.matmul %add3A_8, %get3A_21, %dot_general3A_22 {dimension_numbers = #tpu.dot_dimension_numbers<[1], [0], [0], [1], [0, 0, 1, 1], [], []>, transpose_lhs_hint = false} : vector<2000x128xf32>, vector<128x128xf32>, vector<2000x128xf32> -> vector<2000x128xf32>
    %swap3A_24 = arith.constant 0 : index
    %swap3A_25 = arith.constant 0 : index
    %swap3A_26 = vector.load %arg8[%swap3A_24, %swap3A_25] : memref<2000x128xf32, #tpu.memory_space<vmem>>, vector<2000x128xf32>
    tpu.vector_store %arg8[%swap3A_24, %swap3A_25], %dot_general3A_23 {strides = array<i32>} : memref<2000x128xf32, #tpu.memory_space<vmem>>, vector<2000x128xf32>,
    return
  }
  func.func @transform_0(%arg0: i32) -> (i32, i32) {
    %c0_i32 = arith.constant 0 : i32
    %c0_i32_0 = arith.constant 0 : i32
    return %arg0, %c0_i32 : i32, i32
  }
  func.func @transform_1(%arg0: i32) -> (i32, i32) {
    %c0_i32 = arith.constant 0 : i32
    %c0_i32_0 = arith.constant 0 : i32
    %c0_i32_1 = arith.constant 0 : i32
    return %c0_i32, %c0_i32_0 : i32, i32
  }
  func.func @transform_2(%arg0: i32) -> i32 {
    %c0_i32 = arith.constant 0 : i32
    %c0_i32_0 = arith.constant 0 : i32
    return %c0_i32 : i32
  }
  func.func @transform_3(%arg0: i32) -> (i32, i32) {
    %c0_i32 = arith.constant 0 : i32
    %c0_i32_0 = arith.constant 0 : i32
    %c0_i32_1 = arith.constant 0 : i32
    return %c0_i32, %c0_i32_0 : i32, i32
  }
  func.func @transform_4(%arg0: i32) -> (i32, i32) {
    %c0_i32 = arith.constant 0 : i32
    %c0_i32_0 = arith.constant 0 : i32
    %c0_i32_1 = arith.constant 0 : i32
    return %c0_i32, %c0_i32_0 : i32, i32
  }
  func.func @transform_5(%arg0: i32) -> (i32, i32) {
    %c0_i32 = arith.constant 0 : i32
    %c0_i32_0 = arith.constant 0 : i32
    return %arg0, %c0_i32 : i32, i32
  }
  func.func @transform_6(%arg0: i32) -> (i32, i32) {
    %c0_i32 = arith.constant 0 : i32
    %c0_i32_0 = arith.constant 0 : i32
    return %arg0, %c0_i32 : i32, i32
  }
  func.func @transform_7(%arg0: i32) -> (i32, i32) {
    %c0_i32 = arith.constant 0 : i32
    %c0_i32_0 = arith.constant 0 : i32
    return %arg0, %c0_i32 : i32, i32
  }
}

module attributes {stable_mosaic.version = 14 : i64} {
  func.func @_edge_body(%arg0: memref<16x16xf32, #tpu.memory_space<vmem>>, %arg1: memref<16x16x128xf32, #tpu.memory_space<vmem>>, %arg2: memref<16x128xf32, #tpu.memory_space<vmem>>, %arg3: memref<128x4xf32, #tpu.memory_space<vmem>>, %arg4: memref<1x4xf32, #tpu.memory_space<vmem>>, %arg5: memref<16x128xf32, #tpu.memory_space<vmem>>, %arg6: memref<16x4xf32, #tpu.memory_space<vmem>>) attributes {dimension_semantics = [], scalar_prefetch = 0 : i64, scratch_operands = 0 : i64, tpu.core_type = #tpu.core_type<tc>} {
    %get3A = arith.constant 0 : index
    %get3A_0 = arith.constant 0 : index
    %get3A_1 = vector.load %arg0[%get3A, %get3A_0] : memref<16x16xf32, #tpu.memory_space<vmem>>, vector<16x16xf32>
    %get3A_2 = arith.constant 0 : index
    %get3A_3 = arith.constant 0 : index
    %get3A_4 = arith.constant 0 : index
    %get3A_5 = vector.load %arg1[%get3A_2, %get3A_3, %get3A_4] : memref<16x16x128xf32, #tpu.memory_space<vmem>>, vector<16x16x128xf32>
    "tpu.trace_start"() <{level = 10 : i32, message = "rd,rdc->rc"}> : () -> ()
    %dot_general3A = arith.constant dense<0.000000e+00> : vector<16x128xf32>
    %dot_general3A_6 = tpu.matmul %get3A_1, %get3A_5, %dot_general3A {dimension_numbers = #tpu.dot_dimension_numbers<[1], [1], [], [2], [0, 0, 1, 2], [0], [0]>, transpose_lhs_hint = false} : vector<16x16xf32>, vector<16x16x128xf32>, vector<16x128xf32> -> vector<16x128xf32>
    "tpu.trace_stop"() : () -> ()
    %get3A_7 = arith.constant 0 : index
    %get3A_8 = arith.constant 0 : index
    %get3A_9 = vector.load %arg2[%get3A_7, %get3A_8] : memref<16x128xf32, #tpu.memory_space<vmem>>, vector<16x128xf32>
    %add3A = arith.addf %dot_general3A_6, %get3A_9 : vector<16x128xf32>
    %swap3A = arith.constant 0 : index
    %swap3A_10 = arith.constant 0 : index
    %swap3A_11 = vector.load %arg5[%swap3A, %swap3A_10] : memref<16x128xf32, #tpu.memory_space<vmem>>, vector<16x128xf32>
    tpu.vector_store %arg5[%swap3A, %swap3A_10], %add3A {strides = array<i32>} : memref<16x128xf32, #tpu.memory_space<vmem>>, vector<16x128xf32>,
    %get3A_12 = arith.constant 0 : index
    %get3A_13 = arith.constant 0 : index
    %get3A_14 = vector.load %arg3[%get3A_12, %get3A_13] : memref<128x4xf32, #tpu.memory_space<vmem>>, vector<128x4xf32>
    %dot_general3A_15 = arith.constant dense<0.000000e+00> : vector<16x4xf32>
    %dot_general3A_16 = tpu.matmul %add3A, %get3A_14, %dot_general3A_15 {dimension_numbers = #tpu.dot_dimension_numbers<[1], [0], [0], [1], [0, 0, 1, 1], [], []>, transpose_lhs_hint = false} : vector<16x128xf32>, vector<128x4xf32>, vector<16x4xf32> -> vector<16x4xf32>
    %get3A_17 = arith.constant 0 : index
    %get3A_18 = arith.constant 0 : index
    %get3A_19 = vector.load %arg4[%get3A_17, %get3A_18] : memref<1x4xf32, #tpu.memory_space<vmem>>, vector<1x4xf32>
    %add3A_20 = vector.broadcast %get3A_19 : vector<1x4xf32> to vector<16x4xf32>
    %add3A_21 = arith.addf %dot_general3A_16, %add3A_20 : vector<16x4xf32>
    %swap3A_22 = arith.constant 0 : index
    %swap3A_23 = arith.constant 0 : index
    %swap3A_24 = vector.load %arg6[%swap3A_22, %swap3A_23] : memref<16x4xf32, #tpu.memory_space<vmem>>, vector<16x4xf32>
    tpu.vector_store %arg6[%swap3A_22, %swap3A_23], %add3A_21 {strides = array<i32>} : memref<16x4xf32, #tpu.memory_space<vmem>>, vector<16x4xf32>,
    return
  }
}

module attributes {stable_mosaic.version = 14 : i64} {
  func.func @_final_body(%arg0: i32, %arg1: memref<2x2000x128xf32, #tpu.memory_space<vmem>>, %arg2: memref<2000x128xf32, #tpu.memory_space<vmem>>, %arg3: memref<128x4xf32, #tpu.memory_space<vmem>>, %arg4: memref<2000x128xf32, #tpu.memory_space<vmem>>, %arg5: memref<2000x128xf32, #tpu.memory_space<vmem>>) attributes {dimension_semantics = [#tpu.dimension_semantics<arbitrary>], iteration_bounds = array<i64: 5>, scalar_prefetch = 0 : i64, scratch_operands = 0 : i64, tpu.core_type = #tpu.core_type<tc>, window_params = [{transform_indices = @transform_0, window_bounds = array<i64: 2, 2000, 128>}, {transform_indices = @transform_1, window_bounds = array<i64: 2000, 128>}, {pipeline_mode = #tpu.pipeline_mode<synchronous>, transform_indices = @transform_2, window_bounds = array<i64: 128, 4>}, {transform_indices = @transform_3, window_bounds = array<i64: 2000, 128>}, {transform_indices = @transform_4, window_bounds = array<i64: 2000, 128>}]} {
    %get3A = arith.constant 0 : index
    %get3A_0 = arith.constant 0 : index
    %get3A_1 = arith.constant 0 : index
    %get3A_2 = vector.load %arg1[%get3A, %get3A_0, %get3A_1] : memref<2x2000x128xf32, #tpu.memory_space<vmem>>, vector<2x2000x128xf32>
    %reduce_sum3A = arith.constant dense<0.000000e+00> : vector<2000x128xf32>
    %reduce_sum3A_3 = vector.multi_reduction <add>, %get3A_2, %reduce_sum3A [0] : vector<2x2000x128xf32> to vector<2000x128xf32>
    %get3A_4 = arith.constant 0 : index
    %get3A_5 = arith.constant 0 : index
    %get3A_6 = vector.load %arg2[%get3A_4, %get3A_5] : memref<2000x128xf32, #tpu.memory_space<vmem>>, vector<2000x128xf32>
    %get3A_7 = arith.constant 0 : index
    %get3A_8 = arith.constant 0 : index
    %get3A_9 = vector.load %arg3[%get3A_7, %get3A_8] : memref<128x4xf32, #tpu.memory_space<vmem>>, vector<128x4xf32>
    %dot_general3A = arith.constant dense<0.000000e+00> : vector<2000x4xf32>
    %dot_general3A_10 = tpu.matmul %get3A_6, %get3A_9, %dot_general3A {dimension_numbers = #tpu.dot_dimension_numbers<[1], [0], [0], [1], [0, 0, 1, 1], [], []>, transpose_lhs_hint = false} : vector<2000x128xf32>, vector<128x4xf32>, vector<2000x4xf32> -> vector<2000x4xf32>
    %gt3A = arith.constant 0.000000e+00 : f32
    %gt3A_11 = vector.broadcast %gt3A : f32 to vector<2000x4xf32>
    %gt3A_12 = arith.cmpf ogt, %dot_general3A_10, %gt3A_11 : vector<2000x4xf32>
    %jit3A = arith.constant 1.000000e+00 : f32
    %broadcast_in_dim3A = vector.broadcast %jit3A : f32 to vector<2000x4xf32>
    %select_n3A = arith.select %gt3A_12, %dot_general3A_10, %broadcast_in_dim3A : vector<2000x4xi1>, vector<2000x4xf32>
    %div3A = arith.constant 1.000000e+00 : f32
    %div3A_13 = vector.broadcast %div3A : f32 to vector<2000x4xf32>
    %div3A_14 = arith.divf %div3A_13, %select_n3A : vector<2000x4xf32>
    %broadcast_in_dim3A_15 = vector.shape_cast %div3A_14 : vector<2000x4xf32> to vector<2000x4x1xf32>
    %reshape3A = vector.shape_cast %reduce_sum3A_3 : vector<2000x128xf32> to vector<2000x4x32xf32>
    %mul3A = vector.broadcast %broadcast_in_dim3A_15 : vector<2000x4x1xf32> to vector<2000x4x32xf32>
    %mul3A_16 = arith.mulf %reshape3A, %mul3A : vector<2000x4x32xf32>
    %reshape3A_17 = vector.shape_cast %mul3A_16 : vector<2000x4x32xf32> to vector<2000x128xf32>
    %get3A_18 = arith.constant 0 : index
    %get3A_19 = arith.constant 0 : index
    %get3A_20 = vector.load %arg4[%get3A_18, %get3A_19] : memref<2000x128xf32, #tpu.memory_space<vmem>>, vector<2000x128xf32>
    %add3A = arith.addf %reshape3A_17, %get3A_20 : vector<2000x128xf32>
    %gt3A_21 = arith.constant 0.000000e+00 : f32
    %gt3A_22 = vector.broadcast %gt3A_21 : f32 to vector<2000x128xf32>
    %gt3A_23 = arith.cmpf ogt, %add3A, %gt3A_22 : vector<2000x128xf32>
    %mul3A_24 = arith.constant 0.00999999977 : f32
    %mul3A_25 = vector.broadcast %mul3A_24 : f32 to vector<2000x128xf32>
    %mul3A_26 = arith.mulf %mul3A_25, %add3A : vector<2000x128xf32>
    %select_n3A_27 = arith.select %gt3A_23, %add3A, %mul3A_26 : vector<2000x128xi1>, vector<2000x128xf32>
    %swap3A = arith.constant 0 : index
    %swap3A_28 = arith.constant 0 : index
    %swap3A_29 = vector.load %arg5[%swap3A, %swap3A_28] : memref<2000x128xf32, #tpu.memory_space<vmem>>, vector<2000x128xf32>
    tpu.vector_store %arg5[%swap3A, %swap3A_28], %select_n3A_27 {strides = array<i32>} : memref<2000x128xf32, #tpu.memory_space<vmem>>, vector<2000x128xf32>,
    return
  }
  func.func @transform_0(%arg0: i32) -> (i32, i32, i32) {
    %c0_i32 = arith.constant 0 : i32
    %c0_i32_0 = arith.constant 0 : i32
    %c0_i32_1 = arith.constant 0 : i32
    return %c0_i32, %arg0, %c0_i32_0 : i32, i32, i32
  }
  func.func @transform_1(%arg0: i32) -> (i32, i32) {
    %c0_i32 = arith.constant 0 : i32
    %c0_i32_0 = arith.constant 0 : i32
    return %arg0, %c0_i32 : i32, i32
  }
  func.func @transform_2(%arg0: i32) -> (i32, i32) {
    %c0_i32 = arith.constant 0 : i32
    %c0_i32_0 = arith.constant 0 : i32
    %c0_i32_1 = arith.constant 0 : i32
    return %c0_i32, %c0_i32_0 : i32, i32
  }
  func.func @transform_3(%arg0: i32) -> (i32, i32) {
    %c0_i32 = arith.constant 0 : i32
    %c0_i32_0 = arith.constant 0 : i32
    return %arg0, %c0_i32 : i32, i32
  }
  func.func @transform_4(%arg0: i32) -> (i32, i32) {
    %c0_i32 = arith.constant 0 : i32
    %c0_i32_0 = arith.constant 0 : i32
    return %arg0, %c0_i32 : i32, i32
  }
}

</mosaic_0001>

<sc_bundles>
// kernel: kernel.10.cloned.1.call-start
scs
__scs_entry_jumppad:
0x0: {  	(pc) =	sbr.rel $0x88, $3  }
0x1: {  	(tag) =	ssettag $0x0;
	lr =	simm.s32 $0x1  }
0x2: {  	[smem:$0x3F96] =	sst lr;
	_ =	strace $0xD0000000  }
0x3: {  	_ = 	snop  }
0x4: {  	_ = 	snop  }
0x5: {  	_ = 	snop  }
0x6: {  	_ = 	snop  }
0x7: {  	_ = 	snop  }
__scs_overlays_trampoline_lowered:
0x8: {  	[smem:$0x3FA5] =	sst s0  }
0x9: {  	[smem:$0x3FA6] =	sst s1  }
0xa: {  	[smem:$0x3FA7] =	sst s2  }
0xb: {  	[smem:$0x3FA8] =	sst s3  }
0xc: {  	[smem:$0x3FA9] =	sst s4  }
0xd: {  	[smem:$0x3FAA] =	sst s5  }
0xe: {  	[smem:$0x3FAB] =	sst s6  }
0xf: {  	[smem:$0x3FAC] =	sst s7  }
0x10: {  	[smem:$0x3FAD] =	sst s8  }
0x11: {  	[smem:$0x3FAE] =	sst s9;
	s0 =	simm.s32 @!p0 $0x0  }
0x12: {  	s1 =	sld [smem:$0x3F94];
	s0 =	simm.s32 @p0 $0x1  }
0x13: {  	[smem:$0x3FAF] =	sst s0;
	s0 =	simm.s32 @!p1 $0x0  }
0x14: {  	s2 =	sld [smem:$0x3F93];
	s0 =	simm.s32 @p1 $0x1  }
0x15: {  	[smem:$0x3FB0] =	sst s0;
	s0 =	simm.s32 @!p2 $0x0  }
0x16: {  	s3 =	sld [smem:$0x3FDB];
	s0 =	simm.s32 @p2 $0x1  }
0x17: {  	s4 =	simm.s32 $0x1BF5;
	[smem:$0x3FB2] =	sst s0  }
0x18: {  	s0 =	sld [smem:$0x3F95];
	_ =	swait.ge [sflag:s4], $0x0  }
0x19: {  	s7 =	sld [smem:$0x3F96]  }
0x1a: {  	s8 =	sadd.s32 $0xFFFFE003, lr  }
0x1b: {  	s9 =	sadd.s32 $0xFFFFFEF7, lr;
	s5 =	simm.s32 $0xFFFFFFFF;
	p2 =	slt.u32 s8, $0xFFFFF086  }
0x1c: {  	p1 =	slt.u32 s9, $0xF7A;
	s5 =	simm.s32 @!p2 $0x0  }
0x1d: {  	s5 =	simm.s32 @p1 $0x1;
	p0 =	seq.s32 s7, s2  }
0x1e: {  	s7 =	smul.u32 @!p0 $0xF7A, s2;
	p2 =	seq.s32 @!p0 s5, $0x0  }
0x1f: {  	s9 =	smul.u32 $0xF7A, s1;
	s8 =	simm.s32 @!p0 $0x1BF5;
	p2 =	por !p2, p0  }
0x20: {  	[sflag:s8] =	ssyncset.s32 @!p0 $0xFFFFF086;
	s6 =	sadd.s32 @!p0 s3, s7;
	s7 =	simm.s32 @!p0 $0x108  }
0x21: {  	s3 =	sadd.s32 s3, s9;
	s6 =	sadd.s32 @!p0 $0x88, s6;
	s7 =	simm.s32 @p2 $0x1082  }
0x22: {  	[simem:s7], [sflag:s8] =	dma.local @!p0 [hbm:s6], $0xF7A  }
0x23: {  	s9 =	sor.u32 $0xD0000000, s2;
	s6 =	simm.s32 $0x108;
	_ =	swait.ge @!p0 [sflag:s8], $0x0  }
0x24: {  	s3 =	sadd.s32 $0x88, s3;
	s6 =	simm.s32 @!p1 $0x1082;
	[sflag:s4] =	ssyncset.s32 $0xFFFFF086  }
0x25: {  	[simem:s6], [sflag:s4] =	dma.local [hbm:s3], $0xF7A  }
0x26: {  	[smem:$0x3F96] =	sst s1;
	(tag) =	ssettag s2;
	_ =	strace s9  }
0x27: {  	s1 =	sld [smem:$0x3FA6]  }
0x28: {  	s2 =	sld [smem:$0x3FA7]  }
0x29: {  	s4 =	sld [smem:$0x3FA9]  }
0x2a: {  	p0 =	seq.s32 s5, $0x0;
	s5 =	sld [smem:$0x3FAA]  }
0x2b: {  	s6 =	sld [smem:$0x3FAB]  }
0x2c: {  	s7 =	sld [smem:$0x3FAC]  }
0x2d: {  	s3 =	simm.s32 $0x108;
	s8 =	sld [smem:$0x3FAD]  }
0x2e: {  	s3 =	simm.s32 @!p0 $0x1082;
	s9 =	sld [smem:$0x3FAE]  }
0x2f: {  	lr =	sadd.s32 s0, s3;
	s0 =	sld [smem:$0x3FA5]  }
0x30: {  	s3 =	sld [smem:$0x3FA8]  }
0x31: {  	[smem:$0x3FB1] =	sst s10  }
0x32: {  	s10 =	sld [smem:$0x3FAF];
	_ =	sdelay $0x3  }
0x33: {  	p0 =	seq.s32 s10, $0x1;
	s10 =	sld [smem:$0x3FB1];
	_ =	sdelay $0x3  }
0x34: {  	[smem:$0x3FB1] =	sst s10  }
0x35: {  	s10 =	sld [smem:$0x3FB0];
	_ =	sdelay $0x3  }
0x36: {  	p1 =	seq.s32 s10, $0x1;
	s10 =	sld [smem:$0x3FB1];
	_ =	sdelay $0x3  }
0x37: {  	[smem:$0x3FB1] =	sst s10  }
0x38: {  	s10 =	sld [smem:$0x3FB2]  }
0x39: {  	_ = 	snop;
	(pc) =	sbr.ind lr, $3  }
0x3a: {  	_ = 	snop  }
0x3b: {  	_ = 	snop  }
0x3c: {  	p2 =	seq.s32 s10, $0x1;
	s10 =	sld [smem:$0x3FB1]  }
0x3d: {  	_ =	shalt  }
0x3e: {  	_ =	shalt  }
0x3f: {  	_ =	shalt  }
0x40: {  	_ =	shalt  }
0x41: {  	_ =	shalt  }
0x42: {  	_ =	shalt  }
0x43: {  	_ =	shalt  }
0x44: {  	_ =	shalt  }
0x45: {  	_ =	shalt  }
0x46: {  	_ =	shalt  }
0x47: {  	_ =	shalt  }
0x48: {  	_ =	shalt  }
0x49: {  	_ =	shalt  }
0x4a: {  	_ =	shalt  }
0x4b: {  	_ =	shalt  }
0x4c: {  	_ =	shalt  }
0x4d: {  	_ =	shalt  }
0x4e: {  	_ =	shalt  }
0x4f: {  	_ =	shalt  }
0x50: {  	_ =	shalt  }
0x51: {  	_ =	shalt  }
0x52: {  	_ =	shalt  }
0x53: {  	_ =	shalt  }
0x54: {  	_ =	shalt  }
0x55: {  	_ =	shalt  }
0x56: {  	_ =	shalt  }
0x57: {  	_ =	shalt  }
0x58: {  	_ =	shalt  }
0x59: {  	_ =	shalt  }
0x5a: {  	_ =	shalt  }
0x5b: {  	_ =	shalt  }
0x5c: {  	_ =	shalt  }
0x5d: {  	_ =	shalt  }
0x5e: {  	_ =	shalt  }
0x5f: {  	_ =	shalt  }
0x60: {  	_ =	shalt  }
0x61: {  	_ =	shalt  }
0x62: {  	_ =	shalt  }
0x63: {  	_ =	shalt  }
0x64: {  	_ =	shalt  }
0x65: {  	_ =	shalt  }
0x66: {  	_ =	shalt  }
0x67: {  	_ =	shalt  }
0x68: {  	_ =	shalt  }
0x69: {  	_ =	shalt  }
0x6a: {  	_ =	shalt  }
0x6b: {  	_ =	shalt  }
0x6c: {  	_ =	shalt  }
0x6d: {  	_ =	shalt  }
0x6e: {  	_ =	shalt  }
0x6f: {  	_ =	shalt  }
0x70: {  	_ =	shalt  }
0x71: {  	_ =	shalt  }
0x72: {  	_ =	shalt  }
0x73: {  	_ =	shalt  }
0x74: {  	_ =	shalt  }
0x75: {  	_ =	shalt  }
0x76: {  	_ =	shalt  }
0x77: {  	_ =	shalt  }
0x78: {  	_ =	shalt  }
0x79: {  	_ =	shalt  }
0x7a: {  	_ =	shalt  }
0x7b: {  	_ =	shalt  }
0x7c: {  	_ =	shalt  }
0x7d: {  	_ =	shalt  }
0x7e: {  	_ =	shalt  }
0x7f: {  	_ =	shalt  }
0x80: {  	_ =	shalt  }
0x81: {  	_ =	shalt  }
0x82: {  	_ =	shalt  }
0x83: {  	_ =	shalt  }
0x84: {  	_ =	shalt  }
0x85: {  	_ =	shalt  }
0x86: {  	_ =	shalt  }
0x87: {  	_ =	shalt  }
.Lfunc_end0:
.L_simem_size_0:
called_computation.1_lowered:
.L_overlay_start_0:
0x88: {  	s2 =	sld [smem:$0x3FD9]  }
0x89: {  	s3 =	sld [smem:$0x3FFE];
	_ =	sdelay $0x1  }
0x8a: {  	s1 =	srdreg.scid  }
0x8b: {  	s0 =	sand.u32 $0x1, s1  }
0x8c: {  	s17 =	sshll.u32 s0, $0xA;
	s2 =	sadd.s32 s3, s2  }
0x8d: {  	s2 =	sadd.s32 s2, s17  }
0x8e: {  	[smem:$0x3FBD] =	sst s2  }
0x8f: {  	_ = 	snop  }
0x90: {  	s2 =	sld [smem:$0x3FC6]  }
0x91: {  	s18 =	sld [smem:$0x3FD0];
	(tm) =	ssettm $0x1  }
0x92: {  	s4 =	sld [smem:$0x3FFB];
	_ =	sdelay $0x3  }
0x93: {  	_ =	strace s4  }
0x94: {  	s4 =	sld [smem:$0x3FFC];
	_ =	sdelay $0x3  }
0x95: {  	_ =	strace s4  }
0x96: {  	s4 =	sld [smem:$0x3FFD];
	_ =	sdelay $0x3  }
0x97: {  	_ =	strace s4  }
0x98: {  	_ =	strace $0x8FFFFFFF  }
0x99: {  	s19 =	sld [smem:$0x3FDB];
	_ =	sdelay $0x1  }
0x9a: {  	s5 =	simm.s32 $_scs_section_size  }
0x9b: {  	s6 =	simm.s32 $_size__tile_overlayer_lowered;
	s7 =	simm.s32 $_tile_overlayer_lowered  }
0x9c: {  	s22 =	simm.s32 $0x1BFF;
	s21 =	sshll.u32 s7, $0x1;
	s4 =	sadd.s32 s5, s19  }
0x9d: {  	s8 =	simm.s32 $0x0;
	s20 =	sshll.u32 s6, $0x1;
	s6 =	sadd.s32 s21, s4  }
0x9e: {  	[timem:s8], [sflag:s22] =	dma.local [hbm:s6], s20  }
0x9f: {  	_ =	swait.ge [sflag:s22], s20  }
0xa0: {  	s5 =	ssub.s32 $0x0, s20;
	[sflag:s22] =	ssyncset.done $0x0  }
0xa1: {  	[sflag:s22] =	ssyncadd.s32 s5;
	_ =	sdelay $0x1  }
0xa2: {  	s23 =	simm.s32 $0x1B8B  }
0xa3: {  	_ =	swait.ge [sflag:s23], $0x1  }
0xa4: {  	[sflag:s23] =	ssyncset.done $0x0  }
0xa5: {  	s25 =	simm.s32 $0x1B8E;
	s24 =	sld [smem:$0x3FFE];
	[sflag:s23] =	ssyncadd.s32 $0xFFFFFFFF  }
0xa6: {  	s26 =	simm.s32 $execute0_lowered;
	[smem:$0x3FD2] =	sst s25  }
0xa7: {  	s6 =	sshll.u32 s26, $0x1;
	_ =	strace $0x80000049;
	[dreg:$0x1] =	wrdreg $0xFFFFFFFF  }
0xa8: {  	s28 =	simm.s32 $_size_execute0_lowered;
	s4 =	sadd.s32 s4, s6;
	[dreg:$0x0] =	wrdreg $0x0  }
0xa9: {  	s6 =	sshll.u32 s28, $0x1;
	[dreg:$0x2] =	wrdreg s4  }
0xaa: {  	[dreg:$0x3] =	wrdreg s6  }
0xab: {  	[dreg:$0x4] =	wrdreg $0xC0  }
0xac: {  	_ =	task [dreg:s8], $0x5FFFF  }
0xad: {  	[dreg:$0x1] =	wrdreg $0xFFFFFFFF  }
0xae: {  	[dreg:$0x0] =	wrdreg $0x60  }
0xaf: {  	[dreg:$0x2] =	wrdreg s24  }
0xb0: {  	[dreg:$0x3] =	wrdreg s2  }
0xb1: {  	[dreg:$0x4] =	wrdreg s18  }
0xb2: {  	[dreg:$0x5] =	wrdreg $0x68800  }
0xb3: {  	[dreg:$0x6] =	wrdreg $0x9  }
0xb4: {  	_ =	task.clear_ibuf [dreg:s8], $0x7FFFF;
	_ =	strace $0x90000049  }
0xb5: {  	s29 =	simm.s32 $0x9;
	_ =	strace $0x8000004B  }
0xb6: {  	_ =	swait.ge [sflag:s29], $0x1  }
0xb7: {  	[sflag:s29] =	ssyncadd.s32 $0xFFFFFFFF  }
0xb8: {  	_ =	strace $0x9000004B  }
0xb9: {  	_ =	sfence  }
0xba: {  	s30 =	sld [smem:$0x0];
	_ =	sdelay $0x2  }
0xbb: {  	s31 =	sshll.u32 s1, $0xD;
	s1 =	sshrl.u32 s1, $0x2  }
0xbc: {  	s3 =	sand.u32 $0x4000, s31;
	s1 =	sadd.s32 s1, s30  }
0xbd: {  	s0 =	sor.u32 s3, s0;
	s1 =	sshll.u32 s1, $0x11  }
0xbe: {  	s0 =	sor.u32 s1, s0  }
0xbf: {  	s0 =	sadd.s32 $0x8F2B, s0  }
0xc0: {  	[sflag:s0] =	ssyncadd.remote.s32 $0x1  }
0xc1: {  	_ =	sfence.sel $0xFFFF  }
0xc2: {  	[dreg:$0x0] =	wrdreg $0xFFFFFFFF;
	(pc) =	sbr.abs _section_cstart, $3  }
0xc3: {  	[dreg:$0x1] =	wrdreg $0xFFFFFFFF  }
0xc4: {  	_ =	task.clear_ibuf [dreg:s8], $0x2FFFF;
	_ =	strace $0x9FFFFFFF  }
0xc5: {  	(tm) =	ssettm $0x7FFFFFFF  }
tec
execute0_lowered:
.L_overlay_start_1:
0x0: {  	(tag) =	ssettag $0x1  }
0x1: {  	s0 =	rddreg [dreg:$0x0]  }
0x2: {  	s2 =	rddreg [dreg:$0x2]  }
0x3: {  	s3 =	rddreg [dreg:$0x3];
	s1 =	simm.s32 $0x0;
	s18 =	srdreg.scid  }
0x4: {  	s5 =	stileid.u32;
	s13 =	simm.s32 $0x6080;
	s28 =	simm.s32 $0x6000  }
0x5: {  	s29 =	simm.s32 $0x3;
	s30 =	simm.s32 $0x4;
	[smem:$0x7FF] =	sst s1  }
0x6: {  	s17 =	sadd.s32 $0xEA00, s0;
	s4 =	sadd.s32 $0x4C00, s0;
	s19 =	sadd.s32 $0x40E00, s0  }
0x7: {  	s1 =	sand.u32 $0x1, s18;
	_ =	strace $0x8000004A;
	[dreg:$0x5] =	wrdreg s17  }
0x8: {  	s20 =	sadd.s32 $0x4800, s0;
	s6 =	sadd.s32 $0x2000, s0;
	[dreg:$0x6] =	wrdreg s4  }
0x9: {  	s7 =	smul.u32 $0x4E200, s5;
	s26 =	sshll.u32 s5, $0x6;
	[dreg:$0x7] =	wrdreg s19  }
0xa: {  	s18 =	simm.s32 $0x1000;
	p0 =	sne.s32 s5, $0x0;
	[dreg:$0x8] =	wrdreg s20  }
0xb: {  	s21 =	smul.u32 $0x27100, s1;
	[dreg:$0x9] =	wrdreg s6;
	s22 =	ssub.s32 $0x2, s1  }
0xc: {  	s1 =	sshll.u32 s1, $0x4;
	s17 =	simm.s32 $0x800;
	s19 =	simm.s32 $0x1800  }
0xd: {  	s20 =	simm.s32 $0x30;
	s23 =	sshrl.u32 s22, $0x1;
	s1 =	sor.u32 s5, s1  }
0xe: {  	s24 =	sshrl.u32 s7, $0x2;
	s5 =	simm.s32 $0x0;
	s1 =	smul.u32 $0x2710, s1  }
0xf: {  	s0 =	sadd.s32 s21, s0;
	s4 =	ssub.s32 s22, s23;
	s6 =	sadd.s32 s24, s3  }
0x10: {  	s21 =	simm.s32 $0x3780;
	s0 =	sadd.s32 $0x68000, s0;
	[dreg:$0xa] =	wrdreg s1  }
0x11: {  	v0 =	vlaneseq.u32;
	s22 =	simm.s32 $0x20;
	s25 =	smax.u32 s4, $0x1;
	[dreg:$0xb] =	wrdreg s0  }
0x12: {  	v1 =	vor.u32 $0x10, v0;
	s23 =	simm.s32 $0x4F80;
	s31 =	sshrl.u32 s6, $0x3;
	[dreg:$0xc] =	wrdreg s25  }
0x13: {  	v2 =	vor.u32 $0x20, v0;
	v3 =	vor.u32 $0x30, v0;
	v4 =	vor.u32 $0x40, v0;
	s24 =	simm.s32 $0x1;
	s4 =	sor.u32 $0x1C05, s26;
	[dreg:$0xe] =	wrdreg s31  }
0x14: {  	v5 =	vor.u32 $0x50, v0;
	v6 =	vor.u32 $0x60, v0;
	v7 =	vor.u32 $0x70, v0;
	s26 =	simm.s32 $0x2;
	s25 =	simm.s32 $0x5F80;
	[dreg:$0xd] =	wrdreg s4  }
.LBB2_1:
0x15: {  	[dreg:$0xf] =	wrdreg s5  }
0x16: {  	s0 =	simm.s32 $0x0;
	s1 =	rddreg [dreg:$0x8];
	s15 =	simm.s32 $0x5  }
0x17: {  	[tilespmem:s13], [sflag:$0x5] =	stream.linear.gather [hbm4b:s1+s0], $0x800, $0x38;
	[tilespmem:$0x1A100] =	vst v63  }
0x18: {  	_ =	swait.ge [sflag:s15], $0x800  }
0x19: {  	[sflag:s15] =	ssyncset.done $0x0;
	s16 =	rddreg [dreg:$0x9]  }
0x1a: {  	s31 =	rddreg [dreg:$0xe];
	[sflag:s15] =	ssyncadd.s32 $0xFFFFF800  }
0x1b: {  	[spmem:s31], [sflag:s4] =	dma.local [hbm:s16], $0x2710  }
0x1c: {  	_ =	swait.ge [sflag:s15], $0x2710  }
0x1d: {  	[sflag:s15] =	ssyncset.done $0x0  }
0x1e: {  	[sflag:s15] =	ssyncadd.s32 $0xFFFFD8F0  }
0x1f: {  	s0 =	simm.s32 $0x0;
	[bflag:$0x0] =	sbarrier.arrive $0xFFFF  }
.LBB2_2:
0x20: {  	s1 =	smul.u32 $0x7D0, s0  }
0x21: {  	s11 =	rddreg [dreg:$0xa]  }
0x22: {  	[dreg:$0x10] =	wrdreg s0;
	s1 =	sadd.s32 s11, s1  }
0x23: {  	s12 =	rddreg [dreg:$0x5];
	s5 =	sshrl.u32 s1, $0x3  }
0x24: {  	s4 =	simm.s32 $0x0;
	s7 =	simm.s32 $0x5;
	s6 =	sadd.s32 s12, s5  }
0x25: {  	[tilespmem:s4], [sflag:$0x5] =	stream.linear.gather [hbm4b:s6+s4], $0x7D0, $0x38;
	[tilespmem:$0x1A100] =	vst v63  }
0x26: {  	_ =	swait.ge [sflag:s7], $0x7D0  }
0x27: {  	[sflag:s7] =	ssyncset.done $0x0;
	s14 =	rddreg [dreg:$0x6]  }
0x28: {  	[sflag:s7] =	ssyncadd.s32 $0xFFFFF830;
	s15 =	sadd.s32 s14, s5  }
0x29: {  	[tilespmem:s17], [sflag:$0x5] =	stream.linear.gather [hbm4b:s15+s4], $0x7D0, $0x38;
	[tilespmem:$0x1A100] =	vst v63  }
0x2a: {  	_ =	swait.ge [sflag:s7], $0x7D0  }
0x2b: {  	[sflag:s7] =	ssyncset.done $0x0  }
0x2c: {  	[sflag:s7] =	ssyncadd.s32 $0xFFFFF830  }
0x2d: {  	s16 =	rddreg [dreg:$0x1]  }
0x2e: {  	s5 =	sadd.s32 s16, s5  }
0x2f: {  	[tilespmem:s18], [sflag:$0x5] =	stream.linear.gather [hbm4b:s5+s4], $0x7D0, $0x38;
	[tilespmem:$0x1A100] =	vst v63  }
0x30: {  	_ =	swait.ge [sflag:s7], $0x7D0  }
0x31: {  	s1 =	sshrl.u32 s1, $0x1;
	[sflag:s7] =	ssyncset.done $0x0;
	s31 =	rddreg [dreg:$0x7]  }
0x32: {  	[sflag:s7] =	ssyncadd.s32 $0xFFFFF830;
	s1 =	sadd.s32 s31, s1  }
0x33: {  	[tilespmem:s19], [sflag:$0x5] =	stream.linear.gather [hbm4b:s1+s4], $0x1F40, $0x38;
	[tilespmem:$0x1A100] =	vst v63  }
0x34: {  	_ =	swait.ge [sflag:s7], $0x1F40  }
0x35: {  	s8 =	simm.s32 $0x1F;
	[sflag:s7] =	ssyncset.done $0x0  }
0x36: {  	s11 =	simm.s32 $0x0;
	s12 =	simm.s32 $0xDF;
	[sflag:s7] =	ssyncadd.s32 $0xFFFFE0C0  }
.LBB2_3:
0x37: {  	s1 =	smul.u32 $0x50, s11;
	_ =	sdelay $0x1  }
0x38: {  	v8 =	vor.u32 s1, v0;
	_ =	sdelay $0x1  }
0x39: {  	[tilespmem:s21], [sflag:$0x1] =	stream.indirect.gather [hbm4b:s2+s20], $0x80, s1, s20, $0xb8;
	[tilespmem:$0x1A100] =	vst v63  }
0x3a: {  	s5 =	sadd.s32 $0x30, s1  }
0x3b: {  	[tilespmem:s23], [sflag:$0x2] =	stream.indirect.gather [hbm4b:s2+s22], $0x80, s5, s22, $0xb8;
	[tilespmem:$0x1A100] =	vst v63  }
0x3c: {  	s6 =	sadd.s32 $0x10, s1;
	v8 =	vld.idx.msk [tilespmem:v8+s17+$0x0], $0xffff  }
0x3d: {  	v9 =	vor.u32 s6, v0;
	_ =	sdelay $0x3  }
0x3e: {  	[tilespmem:$0x5F80] =	vst v8  }
0x3f: {  	s31 =	sadd.s32 $0x20, s1;
	v8 =	vld.idx.msk [tilespmem:v9+s17+$0x0], $0xffff  }
0x40: {  	v61 =	vor.u32 s31, v0;
	_ =	sdelay $0x3  }
0x41: {  	[tilespmem:$0x5F90] =	vst v8  }
0x42: {  	v8 =	vld.idx.msk [tilespmem:v61+s17+$0x0], $0xffff  }
0x43: {  	v62 =	vor.u32 s5, v0;
	_ =	sdelay $0x3  }
0x44: {  	[tilespmem:$0x5FA0] =	vst v8  }
0x45: {  	s1 =	sadd.s32 $0x40, s1;
	v8 =	vld.idx.msk [tilespmem:v62+s17+$0x0], $0xffff  }
0x46: {  	v63 =	vor.u32 s1, v0;
	_ =	sdelay $0x3  }
0x47: {  	[tilespmem:$0x6000] =	vst v8  }
0x48: {  	v8 =	vld.idx.msk [tilespmem:v63+s17+$0x0], $0xffff;
	_ =	sdelay $0x4  }
0x49: {  	[tilespmem:$0x6010] =	vst v8  }
0x4a: {  	_ =	swait.ge [sflag:s24], $0x1800  }
0x4b: {  	[sflag:s24] =	ssyncset.done $0x0  }
0x4c: {  	s9 =	smov.u32 s8;
	s16 =	simm.s32 $0x0;
	[sflag:s24] =	ssyncadd.s32 $0xFFFFE800  }
.LBB2_4:
0x4d: {  	s7 =	sadd.s32 s16, s4  }
0x4e: {  	v8 =	vmov s7  }
0x4f: {  	v8 =	vand.u32 $0xFFFFFFF8, v8  }
0x50: {  	v8 =	vbroadcast v8, $0x0  }
0x51: {  	s1 =	sadd.s32 $0x1, s7  }
0x52: {  	v9 =	vmov s1  }
0x53: {  	v9 =	vand.u32 $0xFFFFFFF9, v9  }
0x54: {  	v9 =	vbroadcast v9, $0x0;
	_ =	sdelay $0x1  }
0x55: {  	v8 =	vld.idx.msk [tilespmem:v8+s18+$0x0], $0xffff;
	_ =	sdelay $0x3  }
0x56: {  	s5 =	sshll.u32 s16, $0x7;
	s10 =	sadd.s32 $0xFFFFFFE1, s9;
	v9 =	vld.idx.msk [tilespmem:v9+s18+$0x0], $0xffff  }
0x57: {  	v10 =	vor.u32 s5, v0;
	v15 =	vshll.u32 v8, $0x7;
	v8 =	vmov s10  }
0x58: {  	s14 =	sadd.s32 $0xFFFFFFE2, s9;
	s15 =	sadd.s32 $0xFFFFFFE3, s9;
	v11 =	vor.u32 v0, v15;
	v8 =	vand.u32 $0xFFFFFFE0, v8  }
0x59: {  	s31 =	sadd.s32 $0xFFFFFFE4, s9;
	s6 =	sadd.s32 $0xFFFFFFE5, s9;
	v12 =	vmov s14;
	v13 =	vmov s15;
	v8 =	vbroadcast v8, $0x0  }
0x5a: {  	v14 =	vmov s31;
	v18 =	vmov s6;
	v12 =	vand.u32 $0xFFFFFFE1, v12;
	s1 =	sadd.s32 $0x80, s5  }
0x5b: {  	v14 =	vand.u32 $0xFFFFFFE3, v14;
	v19 =	vor.u32 s1, v0;
	v16 =	vshll.u32 v9, $0x7  }
0x5c: {  	v46 =	vand.u32 $0xFFFFFFE4, v18;
	v12 =	vbroadcast v12, $0x0;
	v17 =	vld.idx.msk [tilespmem:v10+s21+$0x0], $0xffff;
	v47 =	vor.u32 v0, v16  }
0x5d: {  	v13 =	vand.u32 $0xFFFFFFE2, v13;
	v45 =	vbroadcast v14, $0x0;
	v14 =	vbroadcast v46, $0x0;
	v11 =	vld.idx.msk [tilespmem:v11+s13+$0x0], $0xffff  }
0x5e: {  	v13 =	vbroadcast v13, $0x0  }
0x5f: {  	s14 =	sadd.s32 $0xFFFFFFE8, s9;
	v20 =	vld.idx.msk [tilespmem:v8+s19+$0x0], $0xffff  }
0x60: {  	s0 =	sadd.s32 $0xFFFFFFE6, s9;
	v52 =	vmov s14;
	v22 =	vld.idx.msk [tilespmem:v19+s21+$0x0], $0xffff  }
0x61: {  	v48 =	vor.u32 s5, v1;
	s10 =	sadd.s32 $0xFFFFFFE7, s9;
	v18 =	vld.idx.msk [tilespmem:v47+s13+$0x0], $0xffff;
	v8 =	vmov s0  }
0x62: {  	v21 =	vld.idx.msk [tilespmem:v12+s19+$0x0], $0xffff;
	v49 =	vmov s10;
	v8 =	vand.u32 $0xFFFFFFFD, v8;
	v11 =	vmul.f32 v11, v17  }
0x63: {  	v14 =	vld.idx.msk [tilespmem:v14+s19+$0x0], $0xffff;
	v23 =	vor.u32 v1, v15;
	v24 =	vbroadcast v8, $0x0;
	v17 =	vand.u32 $0xFFFFFFFE, v49  }
0x64: {  	v12 =	vld.idx.msk [tilespmem:v13+s19+$0x0], $0xffff;
	v51 =	vbroadcast v17, $0x0;
	v50 =	vmul.f32 v11, v20  }
0x65: {  	v9 =	vld.idx.msk [tilespmem:v52+s19+$0x0], $0xffff  }
0x66: {  	v54 =	vor.u32 s1, v1;
	v8 =	vld.idx.msk [tilespmem:v45+s19+$0x0], $0xffff;
	v18 =	vmul.f32 v18, v22;
	[tilespmem:v10+s21+$0x0] =	vst.idx.msk $0xffff, v50  }
0x67: {  	v56 =	vor.u32 v1, v16;
	v10 =	vld.idx.msk [tilespmem:v48+s21+$0x0], $0xffff  }
0x68: {  	v57 =	vmul.f32 v18, v14;
	v53 =	vld.idx.msk [tilespmem:v23+s13+$0x0], $0xffff  }
0x69: {  	v55 =	vld.idx.msk [tilespmem:v24+s19+$0x0], $0xffff  }
0x6a: {  	v25 =	vld.idx.msk [tilespmem:v51+s19+$0x0], $0xffff;
	[tilespmem:v19+s21+$0x0] =	vst.idx.msk $0xffff, v57  }
0x6b: {  	v11 =	vld.idx.msk [tilespmem:v54+s21+$0x0], $0xffff  }
0x6c: {  	v58 =	vld.idx.msk [tilespmem:v56+s13+$0x0], $0xffff  }
0x6d: {  	v59 =	vor.u32 s5, v2;
	v10 =	vmul.f32 v53, v10  }
0x6e: {  	v60 =	vor.u32 v2, v15  }
0x6f: {  	v10 =	vmul.f32 v10, v20;
	_ =	sdelay $0x1  }
0x70: {  	v62 =	vor.u32 s1, v2;
	v61 =	vmul.f32 v58, v11;
	[tilespmem:v48+s21+$0x0] =	vst.idx.msk $0xffff, v10  }
0x71: {  	v63 =	vor.u32 v2, v16;
	v13 =	vld.idx.msk [tilespmem:v59+s21+$0x0], $0xffff  }
0x72: {  	v19 =	vld.idx.msk [tilespmem:v60+s13+$0x0], $0xffff;
	v10 =	vmul.f32 v61, v14;
	_ =	sdelay $0x1  }
0x73: {  	[tilespmem:v54+s21+$0x0] =	vst.idx.msk $0xffff, v10  }
0x74: {  	v10 =	vld.idx.msk [tilespmem:v62+s21+$0x0], $0xffff  }
0x75: {  	v24 =	vld.idx.msk [tilespmem:v63+s13+$0x0], $0xffff  }
0x76: {  	v26 =	vor.u32 s5, v3;
	v13 =	vmul.f32 v19, v13  }
0x77: {  	v27 =	vor.u32 v3, v15  }
0x78: {  	v13 =	vmul.f32 v13, v21;
	_ =	sdelay $0x1  }
0x79: {  	s15 =	sadd.s32 $0x2, s7;
	v28 =	vor.u32 s1, v3;
	v10 =	vmul.f32 v24, v10;
	[tilespmem:v59+s21+$0x0] =	vst.idx.msk $0xffff, v13  }
0x7a: {  	v31 =	vmov s15;
	v30 =	vor.u32 v3, v16;
	v29 =	vld.idx.msk [tilespmem:v26+s21+$0x0], $0xffff  }
0x7b: {  	v17 =	vand.u32 $0xFFFFFFFA, v31;
	v19 =	vld.idx.msk [tilespmem:v27+s13+$0x0], $0xffff;
	v10 =	vmul.f32 v10, v55  }
0x7c: {  	v17 =	vbroadcast v17, $0x0  }
0x7d: {  	[tilespmem:v62+s21+$0x0] =	vst.idx.msk $0xffff, v10  }
0x7e: {  	v10 =	vld.idx.msk [tilespmem:v28+s21+$0x0], $0xffff  }
0x7f: {  	v11 =	vld.idx.msk [tilespmem:v30+s13+$0x0], $0xffff  }
0x80: {  	v32 =	vor.u32 s5, v4;
	v14 =	vmul.f32 v19, v29  }
0x81: {  	v33 =	vor.u32 v4, v15  }
0x82: {  	v17 =	vld.idx.msk [tilespmem:v17+s18+$0x0], $0xffff;
	v14 =	vmul.f32 v14, v21;
	_ =	sdelay $0x1  }
0x83: {  	v34 =	vor.u32 s1, v4;
	v10 =	vmul.f32 v11, v10;
	[tilespmem:v26+s21+$0x0] =	vst.idx.msk $0xffff, v14  }
0x84: {  	v36 =	vor.u32 v4, v16;
	v35 =	vld.idx.msk [tilespmem:v32+s21+$0x0], $0xffff  }
0x85: {  	s31 =	sadd.s32 $0xFFFFFFE9, s9;
	s15 =	sadd.s32 $0x100, s5;
	v20 =	vld.idx.msk [tilespmem:v33+s13+$0x0], $0xffff;
	v10 =	vmul.f32 v10, v55  }
0x86: {  	v39 =	vmov s31;
	v40 =	vor.u32 s15, v0;
	v11 =	vshll.u32 v17, $0x7  }
0x87: {  	v42 =	vand.u32 $0xFFFFFFE8, v39;
	v43 =	vor.u32 v0, v11;
	[tilespmem:v28+s21+$0x0] =	vst.idx.msk $0xffff, v10  }
0x88: {  	s10 =	sadd.s32 $0xFFFFFFEB, s9;
	v18 =	vbroadcast v42, $0x0;
	v10 =	vld.idx.msk [tilespmem:v34+s21+$0x0], $0xffff  }
0x89: {  	v38 =	vor.u32 s5, v5;
	s14 =	sadd.s32 $0x3, s7;
	v47 =	vmov s10;
	v13 =	vld.idx.msk [tilespmem:v36+s13+$0x0], $0xffff  }
0x8a: {  	v24 =	vand.u32 $0xFFFFFFFE, v47;
	v28 =	vmov s14;
	v37 =	vmul.f32 v20, v35  }
0x8b: {  	v44 =	vor.u32 v5, v15;
	s0 =	sadd.s32 $0xFFFFFFEA, s9;
	v24 =	vbroadcast v24, $0x0;
	v27 =	vld.idx.msk [tilespmem:v40+s21+$0x0], $0xffff;
	v28 =	vand.u32 $0xFFFFFFFB, v28  }
0x8c: {  	v45 =	vmov s0;
	s0 =	sadd.s32 $0xFFFFFFED, s9;
	v49 =	vbroadcast v28, $0x0;
	v20 =	vld.idx.msk [tilespmem:v43+s13+$0x0], $0xffff;
	v41 =	vmul.f32 v37, v12  }
0x8d: {  	s31 =	sadd.s32 $0xFFFFFFEC, s9;
	v46 =	vor.u32 s1, v5;
	v59 =	vmov s0;
	s0 =	sadd.s32 $0x4, s7  }
0x8e: {  	v18 =	vld.idx.msk [tilespmem:v18+s19+$0x0], $0xffff;
	v48 =	vmov s31;
	v42 =	vmov s0;
	s14 =	sadd.s32 $0xFFFFFFEF, s9;
	v10 =	vmul.f32 v13, v10;
	[tilespmem:v32+s21+$0x0] =	vst.idx.msk $0xffff, v41  }
0x8f: {  	v26 =	vor.u32 v5, v16;
	v31 =	vmov s14;
	v13 =	vand.u32 $0xFFFFFFFD, v45;
	v17 =	vld.idx.msk [tilespmem:v38+s21+$0x0], $0xffff  }
0x90: {  	v31 =	vand.u32 $0xFFFFFFFE, v31;
	v13 =	vbroadcast v13, $0x0;
	v10 =	vmul.f32 v10, v25;
	v23 =	vld.idx.msk [tilespmem:v44+s13+$0x0], $0xffff  }
0x91: {  	s31 =	sadd.s32 $0x180, s5;
	v41 =	vbroadcast v31, $0x0;
	v31 =	vand.u32 $0xFFFFFFFC, v42;
	v51 =	vmul.f32 v20, v27;
	v20 =	vld.idx.msk [tilespmem:v24+s19+$0x0], $0xffff  }
0x92: {  	v29 =	vor.u32 s31, v0;
	v14 =	vld.idx.msk [tilespmem:v49+s18+$0x0], $0xffff;
	v31 =	vbroadcast v31, $0x0;
	[tilespmem:v34+s21+$0x0] =	vst.idx.msk $0xffff, v10  }
0x93: {  	v50 =	vld.idx.msk [tilespmem:v46+s21+$0x0], $0xffff  }
0x94: {  	v52 =	vor.u32 s15, v1;
	v26 =	vld.idx.msk [tilespmem:v26+s13+$0x0], $0xffff  }
0x95: {  	v53 =	vor.u32 v1, v11;
	v10 =	vld.idx.msk [tilespmem:v48+s19+$0x0], $0xffff  }
0x96: {  	v55 =	vor.u32 s5, v6;
	v30 =	vld.idx.msk [tilespmem:v13+s19+$0x0], $0xffff;
	v13 =	vmul.f32 v51, v18;
	v54 =	vmul.f32 v23, v17  }
0x97: {  	v56 =	vor.u32 v6, v15;
	v34 =	vld.idx.msk [tilespmem:v29+s21+$0x0], $0xffff;
	v14 =	vshll.u32 v14, $0x7  }
0x98: {  	v62 =	vor.u32 v0, v14;
	v31 =	vld.idx.msk [tilespmem:v31+s18+$0x0], $0xffff;
	[tilespmem:v40+s21+$0x0] =	vst.idx.msk $0xffff, v13;
	v12 =	vmul.f32 v54, v12  }
0x99: {  	v58 =	vor.u32 s1, v6;
	v61 =	vand.u32 $0xFFFFFFEC, v59;
	s14 =	sadd.s32 $0x5, s7;
	v22 =	vld.idx.msk [tilespmem:v52+s21+$0x0], $0xffff;
	v57 =	vmul.f32 v26, v50  }
0x9a: {  	s10 =	sadd.s32 $0xFFFFFFEE, s9;
	v36 =	vor.u32 v6, v16;
	v49 =	vmov s14;
	v13 =	vbroadcast v61, $0x0;
	v24 =	vld.idx.msk [tilespmem:v53+s13+$0x0], $0xffff;
	[tilespmem:v38+s21+$0x0] =	vst.idx.msk $0xffff, v12  }
0x9b: {  	v53 =	vand.u32 $0xFFFFFFFD, v49;
	v38 =	vmov s10;
	v60 =	vmul.f32 v57, v25;
	v63 =	vld.idx.msk [tilespmem:v55+s21+$0x0], $0xffff  }
0x9c: {  	v23 =	vld.idx.msk [tilespmem:v56+s13+$0x0], $0xffff;
	v19 =	vand.u32 $0xFFFFFFFD, v38;
	v56 =	vbroadcast v53, $0x0  }
0x9d: {  	v19 =	vbroadcast v19, $0x0;
	v21 =	vld.idx.msk [tilespmem:v62+s13+$0x0], $0xffff;
	[tilespmem:v46+s21+$0x0] =	vst.idx.msk $0xffff, v60  }
0x9e: {  	s0 =	sadd.s32 $0xFFFFFFF1, s9;
	s10 =	sadd.s32 $0xFFFFFFF0, s9;
	v39 =	vld.idx.msk [tilespmem:v58+s21+$0x0], $0xffff  }
0x9f: {  	v43 =	vmov s10;
	v57 =	vmov s0;
	v28 =	vld.idx.msk [tilespmem:v36+s13+$0x0], $0xffff  }
0xa0: {  	v40 =	vor.u32 s15, v2;
	v59 =	vand.u32 $0xFFFFFFF0, v57;
	v37 =	vmul.f32 v24, v22;
	v27 =	vld.idx.msk [tilespmem:v13+s19+$0x0], $0xffff  }
0xa1: {  	v32 =	vor.u32 v2, v11;
	v26 =	vbroadcast v59, $0x0;
	v46 =	vmul.f32 v23, v63;
	v23 =	vld.idx.msk [tilespmem:v41+s19+$0x0], $0xffff  }
0xa2: {  	v12 =	vmul.f32 v37, v18;
	v63 =	vld.idx.msk [tilespmem:v56+s18+$0x0], $0xffff  }
0xa3: {  	v13 =	vor.u32 s5, v7;
	v33 =	vld.idx.msk [tilespmem:v19+s19+$0x0], $0xffff  }
0xa4: {  	v48 =	vor.u32 v7, v15;
	[tilespmem:v52+s21+$0x0] =	vst.idx.msk $0xffff, v12;
	v12 =	vld.idx.msk [tilespmem:v43+s19+$0x0], $0xffff  }
0xa5: {  	v45 =	vor.u32 s31, v1;
	v44 =	vmul.f32 v21, v34;
	v21 =	vmul.f32 v46, v8;
	v35 =	vld.idx.msk [tilespmem:v40+s21+$0x0], $0xffff  }
0xa6: {  	s6 =	sadd.s32 $0x280, s5;
	v47 =	vor.u32 v1, v14;
	v32 =	vld.idx.msk [tilespmem:v32+s13+$0x0], $0xffff  }
0xa7: {  	s0 =	sadd.s32 $0x6, s7;
	s7 =	sadd.s32 $0x7, s7;
	v34 =	vor.u32 s6, v0;
	v19 =	vmul.f32 v44, v27;
	v43 =	vld.idx.msk [tilespmem:v26+s19+$0x0], $0xffff;
	[tilespmem:v55+s21+$0x0] =	vst.idx.msk $0xffff, v21  }
0xa8: {  	v50 =	vor.u32 v7, v16;
	s10 =	sadd.s32 $0xFFFFFFF2, s9;
	v46 =	vmov s7;
	v16 =	vld.idx.msk [tilespmem:v13+s21+$0x0], $0xffff  }
0xa9: {  	v15 =	vor.u32 s1, v7;
	v61 =	vmov s10;
	v22 =	vmul.f32 v28, v39;
	[tilespmem:v29+s21+$0x0] =	vst.idx.msk $0xffff, v19;
	v17 =	vld.idx.msk [tilespmem:v48+s13+$0x0], $0xffff  }
0xaa: {  	v28 =	vand.u32 $0xFFFFFFFD, v61;
	v21 =	vshll.u32 v31, $0x7;
	v52 =	vld.idx.msk [tilespmem:v45+s21+$0x0], $0xffff  }
0xab: {  	v28 =	vbroadcast v28, $0x0;
	v54 =	vmul.f32 v22, v9;
	v31 =	vor.u32 v0, v21;
	v55 =	vld.idx.msk [tilespmem:v47+s13+$0x0], $0xffff  }
0xac: {  	s1 =	sadd.s32 $0x200, s5;
	v41 =	vld.idx.msk [tilespmem:v34+s21+$0x0], $0xffff  }
0xad: {  	[tilespmem:v58+s21+$0x0] =	vst.idx.msk $0xffff, v54;
	v58 =	vor.u32 s1, v0;
	v46 =	vld.idx.msk [tilespmem:v46+s18+$0x0], $0xffff  }
0xae: {  	v36 =	vmov s0;
	v37 =	vor.u32 s15, v3;
	v51 =	vmul.f32 v32, v35;
	v18 =	vld.idx.msk [tilespmem:v15+s21+$0x0], $0xffff  }
0xaf: {  	s10 =	sadd.s32 $0xFFFFFFF4, s9;
	v60 =	vor.u32 v3, v11;
	v19 =	vld.idx.msk [tilespmem:v50+s13+$0x0], $0xffff;
	v50 =	vand.u32 $0xFFFFFFFE, v36  }
0xb0: {  	v38 =	vmov s10;
	v29 =	vmul.f32 v51, v30;
	v49 =	vld.idx.msk [tilespmem:v31+s13+$0x0], $0xffff;
	v31 =	vbroadcast v50, $0x0  }
0xb1: {  	s10 =	sadd.s32 $0xFFFFFFF5, s9;
	v36 =	vld.idx.msk [tilespmem:v28+s19+$0x0], $0xffff;
	v22 =	vmul.f32 v55, v52  }
0xb2: {  	v24 =	vshll.u32 v63, $0x7;
	v51 =	vmov s10;
	[tilespmem:v40+s21+$0x0] =	vst.idx.msk $0xffff, v29;
	v40 =	vor.u32 s31, v2;
	v48 =	vld.idx.msk [tilespmem:v58+s21+$0x0], $0xffff  }
0xb3: {  	s14 =	sadd.s32 $0xFFFFFFF3, s9;
	v52 =	vor.u32 v0, v24;
	v54 =	vand.u32 $0xFFFFFFF4, v51;
	v39 =	vld.idx.msk [tilespmem:v37+s21+$0x0], $0xffff;
	v22 =	vmul.f32 v22, v27  }
0xb4: {  	v53 =	vor.u32 v2, v14;
	v62 =	vmov s14;
	s14 =	sadd.s32 $0xFFFFFFF6, s9;
	v32 =	vbroadcast v54, $0x0;
	v42 =	vld.idx.msk [tilespmem:v60+s13+$0x0], $0xffff  }
0xb5: {  	v55 =	vmov s14;
	s14 =	sadd.s32 $0xFFFFFFF8, s9;
	v29 =	vand.u32 $0xFFFFFFFE, v62;
	[tilespmem:v45+s21+$0x0] =	vst.idx.msk $0xffff, v22;
	v22 =	vld.idx.msk [tilespmem:v38+s19+$0x0], $0xffff  }
0xb6: {  	s0 =	sadd.s32 $0xFFFFFFF7, s9;
	v35 =	vand.u32 $0xFFFFFFFD, v55;
	v57 =	vmov s14;
	v29 =	vbroadcast v29, $0x0;
	v31 =	vld.idx.msk [tilespmem:v31+s18+$0x0], $0xffff  }
0xb7: {  	v56 =	vmov s0;
	s14 =	sadd.s32 $0xFFFFFFFA, s9;
	v35 =	vbroadcast v35, $0x0;
	v44 =	vld.idx.msk [tilespmem:v40+s21+$0x0], $0xffff  }
0xb8: {  	v62 =	vmov s14;
	s14 =	sadd.s32 $0xFFFFFFFD, s9;
	v38 =	vand.u32 $0xFFFFFFFE, v56;
	v27 =	vmul.f32 v49, v48;
	v48 =	vld.idx.msk [tilespmem:v52+s13+$0x0], $0xffff  }
0xb9: {  	v55 =	vmov s14;
	v45 =	vor.u32 s1, v1;
	v47 =	vbroadcast v38, $0x0;
	v49 =	vld.idx.msk [tilespmem:v53+s13+$0x0], $0xffff  }
0xba: {  	s7 =	sadd.s32 $0x300, s5;
	v60 =	vand.u32 $0xFFFFFFFD, v62;
	v62 =	vand.u32 $0xFFFFFFFC, v55;
	v51 =	vld.idx.msk [tilespmem:v32+s19+$0x0], $0xffff;
	v27 =	vmul.f32 v27, v43  }
0xbb: {  	s0 =	sadd.s32 $0xFFFFFFF9, s9;
	v55 =	vbroadcast v62, $0x0;
	v52 =	vor.u32 s7, v0;
	v25 =	vld.idx.msk [tilespmem:v57+s19+$0x0], $0xffff  }
0xbc: {  	v29 =	vld.idx.msk [tilespmem:v29+s19+$0x0], $0xffff;
	[tilespmem:v58+s21+$0x0] =	vst.idx.msk $0xffff, v27;
	v26 =	vshll.u32 v31, $0x7;
	v58 =	vmov s0  }
0xbd: {  	v38 =	vld.idx.msk [tilespmem:v35+s19+$0x0], $0xffff;
	v31 =	vor.u32 v0, v26;
	v59 =	vmul.f32 v48, v41;
	v28 =	vand.u32 $0xFFFFFFF8, v58  }
0xbe: {  	v27 =	vor.u32 v1, v21;
	v50 =	vld.idx.msk [tilespmem:v45+s21+$0x0], $0xffff;
	v63 =	vbroadcast v28, $0x0  }
0xbf: {  	v32 =	vld.idx.msk [tilespmem:v47+s19+$0x0], $0xffff;
	v35 =	vmul.f32 v59, v51  }
0xc0: {  	s0 =	sadd.s32 $0xFFFFFFFB, s9;
	v47 =	vor.u32 s6, v1;
	v54 =	vld.idx.msk [tilespmem:v52+s21+$0x0], $0xffff;
	v28 =	vshll.u32 v46, $0x7  }
0xc1: {  	s5 =	sadd.s32 $0x380, s5;
	v61 =	vmov s0;
	v55 =	vld.idx.msk [tilespmem:v55+s19+$0x0], $0xffff;
	[tilespmem:v34+s21+$0x0] =	vst.idx.msk $0xffff, v35;
	v35 =	vor.u32 v0, v28  }
0xc2: {  	v56 =	vor.u32 s5, v0;
	v41 =	vbroadcast v60, $0x0;
	v53 =	vand.u32 $0xFFFFFFFE, v61;
	v31 =	vld.idx.msk [tilespmem:v31+s13+$0x0], $0xffff  }
0xc3: {  	v46 =	vld.idx.msk [tilespmem:v27+s13+$0x0], $0xffff;
	v27 =	vbroadcast v53, $0x0  }
0xc4: {  	s10 =	sadd.s32 $0xFFFFFFFC, s9;
	s14 =	sadd.s32 $0xFFFFFFFE, s9;
	v48 =	vld.idx.msk [tilespmem:v63+s19+$0x0], $0xffff  }
0xc5: {  	v57 =	vmov s10;
	s0 =	sadd.s32 $0xFFFFFFFF, s9;
	v60 =	vor.u32 s7, v1;
	v53 =	vld.idx.msk [tilespmem:v47+s21+$0x0], $0xffff;
	v63 =	vmov s14  }
0xc6: {  	v58 =	vmov s0;
	v59 =	vor.u32 v1, v24;
	v34 =	vand.u32 $0xFFFFFFFD, v63;
	v35 =	vld.idx.msk [tilespmem:v35+s13+$0x0], $0xffff  }
0xc7: {  	v58 =	vand.u32 $0xFFFFFFFE, v58;
	v61 =	vbroadcast v34, $0x0;
	v31 =	vmul.f32 v31, v54;
	v54 =	vld.idx.msk [tilespmem:v56+s21+$0x0], $0xffff  }
0xc8: {  	v58 =	vbroadcast v58, $0x0;
	v41 =	vld.idx.msk [tilespmem:v41+s19+$0x0], $0xffff  }
0xc9: {  	v34 =	vld.idx.msk [tilespmem:v27+s19+$0x0], $0xffff;
	v31 =	vmul.f32 v31, v48  }
0xca: {  	v27 =	vld.idx.msk [tilespmem:v57+s19+$0x0], $0xffff;
	v57 =	vmov s9  }
0xcb: {  	v59 =	vld.idx.msk [tilespmem:v59+s13+$0x0], $0xffff;
	[tilespmem:v52+s21+$0x0] =	vst.idx.msk $0xffff, v31;
	v52 =	vor.u32 v1, v26  }
0xcc: {  	v62 =	vld.idx.msk [tilespmem:v60+s21+$0x0], $0xffff;
	v31 =	vmul.f32 v35, v54;
	v54 =	vor.u32 s5, v1  }
0xcd: {  	v63 =	vor.u32 v1, v28;
	v61 =	vld.idx.msk [tilespmem:v61+s19+$0x0], $0xffff  }
0xce: {  	v44 =	vmul.f32 v49, v44;
	v49 =	vor.u32 s31, v3;
	v35 =	vld.idx.msk [tilespmem:v58+s19+$0x0], $0xffff;
	v58 =	vmul.f32 v31, v55  }
0xcf: {  	v46 =	vmul.f32 v46, v50;
	v50 =	vor.u32 s1, v2;
	v31 =	vld.idx.msk [tilespmem:v57+s19+$0x0], $0xffff  }
0xd0: {  	v44 =	vmul.f32 v44, v33;
	[tilespmem:v56+s21+$0x0] =	vst.idx.msk $0xffff, v58;
	v56 =	vor.u32 v2, v21;
	v52 =	vld.idx.msk [tilespmem:v52+s13+$0x0], $0xffff  }
0xd1: {  	v39 =	vmul.f32 v42, v39;
	v43 =	vmul.f32 v46, v43;
	v57 =	vor.u32 v3, v14;
	v46 =	vld.idx.msk [tilespmem:v54+s21+$0x0], $0xffff  }
0xd2: {  	[tilespmem:v40+s21+$0x0] =	vst.idx.msk $0xffff, v44;
	v59 =	vmul.f32 v59, v53;
	v53 =	vld.idx.msk [tilespmem:v63+s13+$0x0], $0xffff;
	v63 =	vor.u32 v2, v24  }
0xd3: {  	v30 =	vmul.f32 v39, v30;
	v44 =	vor.u32 s6, v2;
	[tilespmem:v45+s21+$0x0] =	vst.idx.msk $0xffff, v43;
	v43 =	vld.idx.msk [tilespmem:v49+s21+$0x0], $0xffff  }
0xd4: {  	v42 =	vor.u32 s15, v4;
	v40 =	vmul.f32 v59, v51;
	v51 =	vld.idx.msk [tilespmem:v50+s21+$0x0], $0xffff  }
0xd5: {  	[tilespmem:v37+s21+$0x0] =	vst.idx.msk $0xffff, v30;
	v58 =	vor.u32 s7, v2;
	v56 =	vld.idx.msk [tilespmem:v56+s13+$0x0], $0xffff;
	v52 =	vmul.f32 v52, v62  }
0xd6: {  	[tilespmem:v47+s21+$0x0] =	vst.idx.msk $0xffff, v40;
	v40 =	vor.u32 v2, v26;
	v39 =	vld.idx.msk [tilespmem:v57+s13+$0x0], $0xffff  }
0xd7: {  	v62 =	vor.u32 v2, v28;
	v46 =	vmul.f32 v53, v46;
	v30 =	vld.idx.msk [tilespmem:v63+s13+$0x0], $0xffff;
	v59 =	vmul.f32 v52, v48  }
0xd8: {  	v48 =	vld.idx.msk [tilespmem:v44+s21+$0x0], $0xffff;
	v52 =	vor.u32 s5, v2  }
0xd9: {  	v45 =	vld.idx.msk [tilespmem:v42+s21+$0x0], $0xffff;
	v63 =	vor.u32 v4, v11;
	v46 =	vmul.f32 v46, v55;
	[tilespmem:v60+s21+$0x0] =	vst.idx.msk $0xffff, v59  }
0xda: {  	v53 =	vor.u32 s1, v3;
	v51 =	vmul.f32 v56, v51;
	v57 =	vld.idx.msk [tilespmem:v58+s21+$0x0], $0xffff  }
0xdb: {  	v59 =	vor.u32 v3, v21;
	[tilespmem:v54+s21+$0x0] =	vst.idx.msk $0xffff, v46;
	v40 =	vld.idx.msk [tilespmem:v40+s13+$0x0], $0xffff  }
0xdc: {  	v39 =	vmul.f32 v39, v43;
	v43 =	vor.u32 s31, v4;
	v37 =	vld.idx.msk [tilespmem:v62+s13+$0x0], $0xffff;
	v51 =	vmul.f32 v51, v36  }
0xdd: {  	v54 =	vld.idx.msk [tilespmem:v52+s21+$0x0], $0xffff;
	v30 =	vmul.f32 v30, v48;
	v48 =	vor.u32 s6, v3  }
0xde: {  	v60 =	vor.u32 v3, v24;
	v33 =	vmul.f32 v39, v33;
	v47 =	vld.idx.msk [tilespmem:v63+s13+$0x0], $0xffff;
	[tilespmem:v50+s21+$0x0] =	vst.idx.msk $0xffff, v51  }
0xdf: {  	v62 =	vor.u32 v4, v14;
	v30 =	vmul.f32 v30, v38;
	v51 =	vld.idx.msk [tilespmem:v53+s21+$0x0], $0xffff  }
0xe0: {  	v46 =	vor.u32 s7, v3;
	[tilespmem:v49+s21+$0x0] =	vst.idx.msk $0xffff, v33;
	v63 =	vld.idx.msk [tilespmem:v59+s13+$0x0], $0xffff;
	v40 =	vmul.f32 v40, v57  }
0xe1: {  	v49 =	vld.idx.msk [tilespmem:v43+s21+$0x0], $0xffff;
	v57 =	vor.u32 v3, v26;
	[tilespmem:v44+s21+$0x0] =	vst.idx.msk $0xffff, v30  }
0xe2: {  	v44 =	vld.idx.msk [tilespmem:v48+s21+$0x0], $0xffff;
	v40 =	vmul.f32 v40, v41;
	v37 =	vmul.f32 v37, v54;
	v54 =	vor.u32 s5, v3  }
0xe3: {  	v59 =	vor.u32 v3, v28;
	v45 =	vmul.f32 v47, v45;
	v39 =	vld.idx.msk [tilespmem:v60+s13+$0x0], $0xffff  }
0xe4: {  	v50 =	vld.idx.msk [tilespmem:v62+s13+$0x0], $0xffff;
	v60 =	vor.u32 v5, v11;
	[tilespmem:v58+s21+$0x0] =	vst.idx.msk $0xffff, v40;
	v37 =	vmul.f32 v37, v61  }
0xe5: {  	v45 =	vmul.f32 v45, v20;
	v40 =	vor.u32 s15, v5;
	v33 =	vmul.f32 v63, v51;
	v63 =	vld.idx.msk [tilespmem:v46+s21+$0x0], $0xffff  }
0xe6: {  	v62 =	vor.u32 v4, v21;
	v30 =	vld.idx.msk [tilespmem:v57+s13+$0x0], $0xffff;
	[tilespmem:v52+s21+$0x0] =	vst.idx.msk $0xffff, v37  }
0xe7: {  	[tilespmem:v42+s21+$0x0] =	vst.idx.msk $0xffff, v45;
	v37 =	vor.u32 s1, v4;
	v52 =	vld.idx.msk [tilespmem:v54+s21+$0x0], $0xffff  }
0xe8: {  	v42 =	vor.u32 s6, v4;
	v33 =	vmul.f32 v33, v36;
	v39 =	vmul.f32 v39, v44;
	v56 =	vld.idx.msk [tilespmem:v59+s13+$0x0], $0xffff  }
0xe9: {  	v58 =	vor.u32 v4, v24;
	v49 =	vmul.f32 v50, v49;
	v59 =	vld.idx.msk [tilespmem:v60+s13+$0x0], $0xffff  }
0xea: {  	v50 =	vor.u32 s31, v5;
	[tilespmem:v53+s21+$0x0] =	vst.idx.msk $0xffff, v33;
	v57 =	vld.idx.msk [tilespmem:v40+s21+$0x0], $0xffff;
	v38 =	vmul.f32 v39, v38  }
0xeb: {  	v51 =	vor.u32 s7, v4;
	v30 =	vmul.f32 v30, v63;
	v36 =	vld.idx.msk [tilespmem:v62+s13+$0x0], $0xffff  }
0xec: {  	v53 =	vor.u32 v4, v26;
	v63 =	vmul.f32 v49, v23;
	v60 =	vld.idx.msk [tilespmem:v37+s21+$0x0], $0xffff;
	[tilespmem:v48+s21+$0x0] =	vst.idx.msk $0xffff, v38  }
0xed: {  	v49 =	vor.u32 s5, v4;
	v30 =	vmul.f32 v30, v41;
	v55 =	vld.idx.msk [tilespmem:v42+s21+$0x0], $0xffff;
	v44 =	vmul.f32 v56, v52  }
0xee: {  	[tilespmem:v43+s21+$0x0] =	vst.idx.msk $0xffff, v63;
	v62 =	vld.idx.msk [tilespmem:v58+s13+$0x0], $0xffff;
	v63 =	vor.u32 v4, v28  }
0xef: {  	v56 =	vor.u32 v5, v14;
	v52 =	vld.idx.msk [tilespmem:v50+s21+$0x0], $0xffff;
	[tilespmem:v46+s21+$0x0] =	vst.idx.msk $0xffff, v30;
	v44 =	vmul.f32 v44, v61  }
0xf0: {  	v33 =	vmul.f32 v59, v57;
	v46 =	vor.u32 s15, v6;
	v57 =	vld.idx.msk [tilespmem:v51+s21+$0x0], $0xffff  }
0xf1: {  	v39 =	vor.u32 s1, v5;
	v58 =	vld.idx.msk [tilespmem:v53+s13+$0x0], $0xffff;
	v36 =	vmul.f32 v36, v60;
	[tilespmem:v54+s21+$0x0] =	vst.idx.msk $0xffff, v44  }
0xf2: {  	v59 =	vor.u32 v5, v21;
	v20 =	vmul.f32 v33, v20;
	v60 =	vld.idx.msk [tilespmem:v49+s21+$0x0], $0xffff  }
0xf3: {  	v41 =	vor.u32 s6, v5;
	v38 =	vmul.f32 v62, v55;
	v43 =	vld.idx.msk [tilespmem:v63+s13+$0x0], $0xffff;
	v36 =	vmul.f32 v36, v29  }
0xf4: {  	v61 =	vld.idx.msk [tilespmem:v56+s13+$0x0], $0xffff;
	v62 =	vor.u32 v5, v24;
	[tilespmem:v40+s21+$0x0] =	vst.idx.msk $0xffff, v20  }
0xf5: {  	v53 =	vor.u32 v6, v11;
	v63 =	vld.idx.msk [tilespmem:v46+s21+$0x0], $0xffff;
	v54 =	vmul.f32 v38, v32;
	[tilespmem:v37+s21+$0x0] =	vst.idx.msk $0xffff, v36  }
0xf6: {  	v47 =	vor.u32 s7, v5;
	v44 =	vmul.f32 v58, v57;
	v55 =	vld.idx.msk [tilespmem:v39+s21+$0x0], $0xffff  }
0xf7: {  	v56 =	vor.u32 v5, v26;
	v33 =	vld.idx.msk [tilespmem:v59+s13+$0x0], $0xffff;
	[tilespmem:v42+s21+$0x0] =	vst.idx.msk $0xffff, v54  }
0xf8: {  	v48 =	vor.u32 s5, v5;
	v42 =	vld.idx.msk [tilespmem:v41+s21+$0x0], $0xffff;
	v44 =	vmul.f32 v44, v34;
	v43 =	vmul.f32 v43, v60  }
0xf9: {  	v58 =	vor.u32 v5, v28;
	v59 =	vor.u32 v6, v14;
	v57 =	vld.idx.msk [tilespmem:v62+s13+$0x0], $0xffff  }
0xfa: {  	v36 =	vld.idx.msk [tilespmem:v53+s13+$0x0], $0xffff;
	v20 =	vmul.f32 v61, v52;
	[tilespmem:v51+s21+$0x0] =	vst.idx.msk $0xffff, v44;
	v43 =	vmul.f32 v43, v35  }
0xfb: {  	v38 =	vor.u32 s1, v6;
	v44 =	vor.u32 s31, v6;
	v51 =	vld.idx.msk [tilespmem:v47+s21+$0x0], $0xffff  }
0xfc: {  	v20 =	vmul.f32 v20, v23;
	v37 =	vld.idx.msk [tilespmem:v56+s13+$0x0], $0xffff;
	v33 =	vmul.f32 v33, v55;
	[tilespmem:v49+s21+$0x0] =	vst.idx.msk $0xffff, v43  }
0xfd: {  	v60 =	vor.u32 v6, v21;
	v62 =	vor.u32 v6, v24;
	v43 =	vld.idx.msk [tilespmem:v48+s21+$0x0], $0xffff  }
0xfe: {  	[tilespmem:v50+s21+$0x0] =	vst.idx.msk $0xffff, v20;
	v30 =	vmul.f32 v57, v42;
	v40 =	vld.idx.msk [tilespmem:v58+s13+$0x0], $0xffff;
	v29 =	vmul.f32 v33, v29  }
0xff: {  	v63 =	vmul.f32 v36, v63;
	v23 =	vld.idx.msk [tilespmem:v59+s13+$0x0], $0xffff;
	v33 =	vor.u32 s6, v6  }
0x100: {  	v42 =	vor.u32 s15, v7;
	v61 =	vld.idx.msk [tilespmem:v44+s21+$0x0], $0xffff;
	v30 =	vmul.f32 v30, v32;
	[tilespmem:v39+s21+$0x0] =	vst.idx.msk $0xffff, v29  }
0x101: {  	v11 =	vor.u32 v7, v11;
	v53 =	vor.u32 s7, v6;
	v45 =	vld.idx.msk [tilespmem:v38+s21+$0x0], $0xffff  }
0x102: {  	v52 =	vmul.f32 v37, v51;
	v29 =	vmul.f32 v63, v10;
	[tilespmem:v41+s21+$0x0] =	vst.idx.msk $0xffff, v30;
	v20 =	vld.idx.msk [tilespmem:v60+s13+$0x0], $0xffff  }
0x103: {  	v54 =	vor.u32 v6, v26;
	v57 =	vor.u32 s5, v6;
	v58 =	vld.idx.msk [tilespmem:v62+s13+$0x0], $0xffff  }
0x104: {  	v34 =	vmul.f32 v52, v34;
	v56 =	vmul.f32 v40, v43;
	[tilespmem:v46+s21+$0x0] =	vst.idx.msk $0xffff, v29;
	v55 =	vld.idx.msk [tilespmem:v33+s21+$0x0], $0xffff  }
0x105: {  	v59 =	vor.u32 v6, v28;
	v60 =	vld.idx.msk [tilespmem:v42+s21+$0x0], $0xffff  }
0x106: {  	v11 =	vld.idx.msk [tilespmem:v11+s13+$0x0], $0xffff;
	[tilespmem:v47+s21+$0x0] =	vst.idx.msk $0xffff, v34;
	v35 =	vmul.f32 v56, v35  }
0x107: {  	v39 =	vor.u32 s31, v7;
	v23 =	vmul.f32 v23, v61;
	v61 =	vld.idx.msk [tilespmem:v53+s21+$0x0], $0xffff  }
0x108: {  	v14 =	vor.u32 v7, v14;
	v30 =	vld.idx.msk [tilespmem:v54+s13+$0x0], $0xffff;
	[tilespmem:v48+s21+$0x0] =	vst.idx.msk $0xffff, v35  }
0x109: {  	v35 =	vor.u32 s1, v7;
	v23 =	vmul.f32 v23, v12;
	v20 =	vmul.f32 v20, v45;
	v62 =	vld.idx.msk [tilespmem:v57+s21+$0x0], $0xffff  }
0x10a: {  	v21 =	vor.u32 v7, v21;
	v63 =	vld.idx.msk [tilespmem:v59+s13+$0x0], $0xffff  }
0x10b: {  	v29 =	vmul.f32 v58, v55;
	[tilespmem:v44+s21+$0x0] =	vst.idx.msk $0xffff, v23;
	v20 =	vmul.f32 v20, v22;
	v44 =	vor.u32 s6, v7  }
0x10c: {  	v24 =	vor.u32 v7, v24;
	v47 =	vor.u32 s7, v7;
	v45 =	vld.idx.msk [tilespmem:v39+s21+$0x0], $0xffff  }
0x10d: {  	v14 =	vld.idx.msk [tilespmem:v14+s13+$0x0], $0xffff;
	v29 =	vmul.f32 v29, v25;
	[tilespmem:v38+s21+$0x0] =	vst.idx.msk $0xffff, v20;
	v46 =	vmul.f32 v30, v61  }
0x10e: {  	v26 =	vor.u32 v7, v26;
	v49 =	vor.u32 s5, v7;
	v48 =	vld.idx.msk [tilespmem:v35+s21+$0x0], $0xffff  }
0x10f: {  	v21 =	vld.idx.msk [tilespmem:v21+s13+$0x0], $0xffff;
	[tilespmem:v33+s21+$0x0] =	vst.idx.msk $0xffff, v29;
	v20 =	vmul.f32 v46, v27;
	v32 =	vmul.f32 v63, v62  }
0x110: {  	v28 =	vor.u32 v7, v28;
	v50 =	vld.idx.msk [tilespmem:v44+s21+$0x0], $0xffff  }
0x111: {  	v51 =	vld.idx.msk [tilespmem:v24+s13+$0x0], $0xffff;
	[tilespmem:v53+s21+$0x0] =	vst.idx.msk $0xffff, v20;
	v52 =	vmul.f32 v32, v31  }
0x112: {  	v53 =	vld.idx.msk [tilespmem:v47+s21+$0x0], $0xffff  }
0x113: {  	v16 =	vmul.f32 v17, v16;
	v54 =	vld.idx.msk [tilespmem:v26+s13+$0x0], $0xffff;
	[tilespmem:v57+s21+$0x0] =	vst.idx.msk $0xffff, v52  }
0x114: {  	v18 =	vmul.f32 v19, v18;
	v55 =	vld.idx.msk [tilespmem:v49+s21+$0x0], $0xffff  }
0x115: {  	v8 =	vmul.f32 v16, v8;
	v11 =	vmul.f32 v11, v60;
	v56 =	vld.idx.msk [tilespmem:v28+s13+$0x0], $0xffff  }
0x116: {  	v9 =	vmul.f32 v18, v9;
	v14 =	vmul.f32 v14, v45  }
0x117: {  	[tilespmem:v13+s21+$0x0] =	vst.idx.msk $0xffff, v8;
	v8 =	vmul.f32 v11, v10;
	v57 =	vmul.f32 v21, v48  }
0x118: {  	[tilespmem:v15+s21+$0x0] =	vst.idx.msk $0xffff, v9;
	v58 =	vmul.f32 v14, v12;
	v59 =	vmul.f32 v51, v50  }
0x119: {  	p1 =	slt.u32 s16, $0x28;
	[tilespmem:v42+s21+$0x0] =	vst.idx.msk $0xffff, v8;
	v8 =	vmul.f32 v57, v22;
	v60 =	vmul.f32 v54, v53  }
.Ltmp0:
0x11a: {  	[tilespmem:v39+s21+$0x0] =	vst.idx.msk $0xffff, v58;
	v61 =	vmul.f32 v59, v25;
	v62 =	vmul.f32 v56, v55;
	(pc) =	sbr.rel @p1 .LBB2_4-.Ltmp0, $4  }
0x11b: {  	[tilespmem:v35+s21+$0x0] =	vst.idx.msk $0xffff, v8;
	v8 =	vmul.f32 v60, v27  }
0x11c: {  	[tilespmem:v44+s21+$0x0] =	vst.idx.msk $0xffff, v61;
	v63 =	vmul.f32 v62, v31  }
0x11d: {  	[tilespmem:v47+s21+$0x0] =	vst.idx.msk $0xffff, v8  }
0x11e: {  	s16 =	sadd.s32 $0x8, s16;
	s9 =	sadd.s32 $0x20, s9;
	[tilespmem:v49+s21+$0x0] =	vst.idx.msk $0xffff, v63  }
0x11f: {  	[spmem:s3] =	stream.indirect.scatter.add.f32 [tilespmem:s21], [sflag:$0x3], $0x80, s25, s20, $0xb8;
	[tilespmem:$0x1A100] =	vst v63  }
0x120: {  	_ =	swait.ge [sflag:s26], $0x1000  }
0x121: {  	[sflag:s26] =	ssyncset.done $0x0  }
0x122: {  	s5 =	simm.s32 $0x28;
	s9 =	smov.u32 s12;
	[sflag:s26] =	ssyncadd.s32 $0xFFFFF000  }
.LBB2_6:
0x123: {  	s7 =	sadd.s32 s5, s4  }
0x124: {  	s0 =	sadd.s32 $0x8, s7  }
0x125: {  	v8 =	vmov s0  }
0x126: {  	v8 =	vand.u32 $0xFFFFFFF8, v8  }
0x127: {  	v8 =	vbroadcast v8, $0x0  }
0x128: {  	s16 =	sadd.s32 $0x9, s7  }
0x129: {  	v9 =	vmov s16  }
0x12a: {  	v9 =	vand.u32 $0xFFFFFFF9, v9  }
0x12b: {  	v9 =	vbroadcast v9, $0x0;
	_ =	sdelay $0x1  }
0x12c: {  	v8 =	vld.idx.msk [tilespmem:v8+s18+$0x0], $0xffff;
	_ =	sdelay $0x2  }
0x12d: {  	s16 =	sadd.s32 $0x8, s5  }
0x12e: {  	s31 =	sadd.s32 $0xFFFFFFE1, s9;
	s1 =	sshll.u32 s16, $0x7;
	v9 =	vld.idx.msk [tilespmem:v9+s18+$0x0], $0xffff  }
0x12f: {  	v10 =	vor.u32 s1, v0;
	v15 =	vshll.u32 v8, $0x7;
	v8 =	vmov s31  }
0x130: {  	s6 =	sadd.s32 $0xFFFFFFE2, s9;
	s10 =	sadd.s32 $0xFFFFFFE3, s9;
	v11 =	vor.u32 v0, v15;
	v8 =	vand.u32 $0xFFFFFFE0, v8  }
0x131: {  	s14 =	sadd.s32 $0xFFFFFFE4, s9;
	s15 =	sadd.s32 $0xFFFFFFE5, s9;
	v12 =	vmov s6;
	v13 =	vmov s10;
	s5 =	sshll.u32 s5, $0x7;
	v8 =	vbroadcast v8, $0x0  }
0x132: {  	v14 =	vmov s14;
	v18 =	vmov s15;
	v12 =	vand.u32 $0xFFFFFFE1, v12;
	s6 =	sadd.s32 $0x480, s5  }
0x133: {  	v14 =	vand.u32 $0xFFFFFFE3, v14;
	v19 =	vor.u32 s6, v0;
	v16 =	vshll.u32 v9, $0x7  }
0x134: {  	v46 =	vand.u32 $0xFFFFFFE4, v18;
	v12 =	vbroadcast v12, $0x0;
	v17 =	vld.idx.msk [tilespmem:v10+s21+$0x0], $0xffff;
	v47 =	vor.u32 v0, v16  }
0x135: {  	v13 =	vand.u32 $0xFFFFFFE2, v13;
	v45 =	vbroadcast v14, $0x0;
	v14 =	vbroadcast v46, $0x0;
	v11 =	vld.idx.msk [tilespmem:v11+s13+$0x0], $0xffff  }
0x136: {  	v13 =	vbroadcast v13, $0x0  }
0x137: {  	s14 =	sadd.s32 $0xFFFFFFE8, s9;
	v20 =	vld.idx.msk [tilespmem:v8+s19+$0x0], $0xffff  }
0x138: {  	s10 =	sadd.s32 $0xFFFFFFE7, s9;
	v52 =	vmov s14;
	v22 =	vld.idx.msk [tilespmem:v19+s21+$0x0], $0xffff;
	s31 =	sadd.s32 $0xFFFFFFE6, s9  }
0x139: {  	v49 =	vmov s10;
	v18 =	vld.idx.msk [tilespmem:v47+s13+$0x0], $0xffff;
	v8 =	vmov s31  }
0x13a: {  	v48 =	vor.u32 s1, v1;
	v21 =	vld.idx.msk [tilespmem:v12+s19+$0x0], $0xffff;
	v8 =	vand.u32 $0xFFFFFFFD, v8;
	v11 =	vmul.f32 v11, v17  }
0x13b: {  	v14 =	vld.idx.msk [tilespmem:v14+s19+$0x0], $0xffff;
	v23 =	vor.u32 v1, v15;
	v24 =	vbroadcast v8, $0x0;
	v17 =	vand.u32 $0xFFFFFFFE, v49  }
0x13c: {  	v12 =	vld.idx.msk [tilespmem:v13+s19+$0x0], $0xffff;
	v51 =	vbroadcast v17, $0x0;
	v50 =	vmul.f32 v11, v20  }
0x13d: {  	v9 =	vld.idx.msk [tilespmem:v52+s19+$0x0], $0xffff  }
0x13e: {  	v54 =	vor.u32 s6, v1;
	v8 =	vld.idx.msk [tilespmem:v45+s19+$0x0], $0xffff;
	v18 =	vmul.f32 v18, v22;
	[tilespmem:v10+s21+$0x0] =	vst.idx.msk $0xffff, v50  }
0x13f: {  	v56 =	vor.u32 v1, v16;
	v10 =	vld.idx.msk [tilespmem:v48+s21+$0x0], $0xffff  }
0x140: {  	v57 =	vmul.f32 v18, v14;
	v53 =	vld.idx.msk [tilespmem:v23+s13+$0x0], $0xffff  }
0x141: {  	v55 =	vld.idx.msk [tilespmem:v24+s19+$0x0], $0xffff  }
0x142: {  	v25 =	vld.idx.msk [tilespmem:v51+s19+$0x0], $0xffff;
	[tilespmem:v19+s21+$0x0] =	vst.idx.msk $0xffff, v57  }
0x143: {  	v11 =	vld.idx.msk [tilespmem:v54+s21+$0x0], $0xffff  }
0x144: {  	v58 =	vld.idx.msk [tilespmem:v56+s13+$0x0], $0xffff;
	_ =	sdelay $0x1  }
0x145: {  	v59 =	vor.u32 s1, v2;
	v10 =	vmul.f32 v53, v10  }
0x146: {  	v60 =	vor.u32 v2, v15  }
0x147: {  	v10 =	vmul.f32 v10, v20  }
0x148: {  	v62 =	vor.u32 s6, v2;
	v61 =	vmul.f32 v58, v11  }
0x149: {  	v63 =	vor.u32 v2, v16;
	[tilespmem:v48+s21+$0x0] =	vst.idx.msk $0xffff, v10  }
0x14a: {  	v13 =	vld.idx.msk [tilespmem:v59+s21+$0x0], $0xffff;
	v10 =	vmul.f32 v61, v14  }
0x14b: {  	v19 =	vld.idx.msk [tilespmem:v60+s13+$0x0], $0xffff  }
0x14c: {  	[tilespmem:v54+s21+$0x0] =	vst.idx.msk $0xffff, v10  }
0x14d: {  	v10 =	vld.idx.msk [tilespmem:v62+s21+$0x0], $0xffff  }
0x14e: {  	v24 =	vld.idx.msk [tilespmem:v63+s13+$0x0], $0xffff;
	_ =	sdelay $0x1  }
0x14f: {  	v26 =	vor.u32 s1, v3;
	v13 =	vmul.f32 v19, v13  }
0x150: {  	v27 =	vor.u32 v3, v15  }
0x151: {  	v13 =	vmul.f32 v13, v21  }
0x152: {  	v28 =	vor.u32 s6, v3;
	v10 =	vmul.f32 v24, v10  }
0x153: {  	v30 =	vor.u32 v3, v16;
	[tilespmem:v59+s21+$0x0] =	vst.idx.msk $0xffff, v13  }
0x154: {  	v29 =	vld.idx.msk [tilespmem:v26+s21+$0x0], $0xffff;
	v10 =	vmul.f32 v10, v55  }
0x155: {  	s15 =	sadd.s32 $0xA, s7;
	v19 =	vld.idx.msk [tilespmem:v27+s13+$0x0], $0xffff  }
0x156: {  	v31 =	vmov s15;
	[tilespmem:v62+s21+$0x0] =	vst.idx.msk $0xffff, v10  }
0x157: {  	v17 =	vand.u32 $0xFFFFFFFA, v31;
	v10 =	vld.idx.msk [tilespmem:v28+s21+$0x0], $0xffff  }
0x158: {  	v17 =	vbroadcast v17, $0x0;
	v11 =	vld.idx.msk [tilespmem:v30+s13+$0x0], $0xffff;
	_ =	sdelay $0x1  }
0x159: {  	v32 =	vor.u32 s1, v4;
	v14 =	vmul.f32 v19, v29  }
0x15a: {  	v33 =	vor.u32 v4, v15  }
0x15b: {  	v14 =	vmul.f32 v14, v21  }
0x15c: {  	v34 =	vor.u32 s6, v4;
	v10 =	vmul.f32 v11, v10  }
0x15d: {  	v36 =	vor.u32 v4, v16;
	s31 =	sadd.s32 $0xFFFFFFE9, s9;
	v17 =	vld.idx.msk [tilespmem:v17+s18+$0x0], $0xffff;
	[tilespmem:v26+s21+$0x0] =	vst.idx.msk $0xffff, v14  }
0x15e: {  	v39 =	vmov s31;
	v35 =	vld.idx.msk [tilespmem:v32+s21+$0x0], $0xffff;
	v10 =	vmul.f32 v10, v55  }
0x15f: {  	v42 =	vand.u32 $0xFFFFFFE8, v39;
	v20 =	vld.idx.msk [tilespmem:v33+s13+$0x0], $0xffff  }
0x160: {  	v18 =	vbroadcast v42, $0x0;
	[tilespmem:v28+s21+$0x0] =	vst.idx.msk $0xffff, v10  }
0x161: {  	s15 =	sadd.s32 $0x500, s5;
	v10 =	vld.idx.msk [tilespmem:v34+s21+$0x0], $0xffff  }
0x162: {  	v40 =	vor.u32 s15, v0;
	s31 =	sadd.s32 $0xB, s7;
	v11 =	vshll.u32 v17, $0x7;
	v13 =	vld.idx.msk [tilespmem:v36+s13+$0x0], $0xffff  }
0x163: {  	v43 =	vor.u32 v0, v11;
	v28 =	vmov s31  }
0x164: {  	v38 =	vor.u32 s1, v5;
	v28 =	vand.u32 $0xFFFFFFFB, v28;
	v37 =	vmul.f32 v20, v35  }
0x165: {  	s14 =	sadd.s32 $0xFFFFFFEB, s9;
	v44 =	vor.u32 v5, v15;
	v49 =	vbroadcast v28, $0x0  }
0x166: {  	s10 =	sadd.s32 $0xFFFFFFEA, s9;
	v46 =	vor.u32 s6, v5;
	v47 =	vmov s14;
	v18 =	vld.idx.msk [tilespmem:v18+s19+$0x0], $0xffff;
	v41 =	vmul.f32 v37, v12  }
0x167: {  	v45 =	vmov s10;
	v24 =	vand.u32 $0xFFFFFFFE, v47;
	v27 =	vld.idx.msk [tilespmem:v40+s21+$0x0], $0xffff;
	v10 =	vmul.f32 v13, v10  }
0x168: {  	v24 =	vbroadcast v24, $0x0;
	v26 =	vor.u32 v5, v16;
	v20 =	vld.idx.msk [tilespmem:v43+s13+$0x0], $0xffff;
	v13 =	vand.u32 $0xFFFFFFFD, v45;
	[tilespmem:v32+s21+$0x0] =	vst.idx.msk $0xffff, v41  }
0x169: {  	v13 =	vbroadcast v13, $0x0;
	v17 =	vld.idx.msk [tilespmem:v38+s21+$0x0], $0xffff;
	v10 =	vmul.f32 v10, v25  }
0x16a: {  	s10 =	sadd.s32 $0xFFFFFFEC, s9;
	v23 =	vld.idx.msk [tilespmem:v44+s13+$0x0], $0xffff  }
0x16b: {  	v48 =	vmov s10;
	s31 =	sadd.s32 $0x580, s5;
	v14 =	vld.idx.msk [tilespmem:v49+s18+$0x0], $0xffff;
	[tilespmem:v34+s21+$0x0] =	vst.idx.msk $0xffff, v10  }
0x16c: {  	v29 =	vor.u32 s31, v0;
	v50 =	vld.idx.msk [tilespmem:v46+s21+$0x0], $0xffff  }
0x16d: {  	v52 =	vor.u32 s15, v1;
	v51 =	vmul.f32 v20, v27;
	v26 =	vld.idx.msk [tilespmem:v26+s13+$0x0], $0xffff  }
0x16e: {  	v56 =	vor.u32 v6, v15;
	v53 =	vor.u32 v1, v11;
	v20 =	vld.idx.msk [tilespmem:v24+s19+$0x0], $0xffff  }
0x16f: {  	s14 =	sadd.s32 $0xFFFFFFED, s9;
	v55 =	vor.u32 s1, v6;
	v30 =	vld.idx.msk [tilespmem:v13+s19+$0x0], $0xffff;
	v13 =	vmul.f32 v51, v18;
	v54 =	vmul.f32 v23, v17  }
0x170: {  	v58 =	vor.u32 s6, v6;
	v59 =	vmov s14;
	s14 =	sadd.s32 $0xFFFFFFEF, s9;
	v10 =	vld.idx.msk [tilespmem:v48+s19+$0x0], $0xffff;
	v14 =	vshll.u32 v14, $0x7  }
0x171: {  	v31 =	vmov s14;
	v34 =	vld.idx.msk [tilespmem:v29+s21+$0x0], $0xffff;
	v62 =	vor.u32 v0, v14;
	[tilespmem:v40+s21+$0x0] =	vst.idx.msk $0xffff, v13;
	v12 =	vmul.f32 v54, v12  }
0x172: {  	s10 =	sadd.s32 $0xFFFFFFEE, s9;
	v61 =	vand.u32 $0xFFFFFFEC, v59;
	v31 =	vand.u32 $0xFFFFFFFE, v31;
	v22 =	vld.idx.msk [tilespmem:v52+s21+$0x0], $0xffff;
	v57 =	vmul.f32 v26, v50  }
0x173: {  	v36 =	vor.u32 v6, v16;
	v13 =	vbroadcast v61, $0x0;
	v24 =	vld.idx.msk [tilespmem:v53+s13+$0x0], $0xffff;
	[tilespmem:v38+s21+$0x0] =	vst.idx.msk $0xffff, v12;
	v38 =	vmov s10  }
0x174: {  	v41 =	vbroadcast v31, $0x0;
	v60 =	vmul.f32 v57, v25;
	v63 =	vld.idx.msk [tilespmem:v55+s21+$0x0], $0xffff;
	v19 =	vand.u32 $0xFFFFFFFD, v38  }
0x175: {  	s14 =	sadd.s32 $0xFFFFFFF0, s9;
	v23 =	vld.idx.msk [tilespmem:v56+s13+$0x0], $0xffff;
	v19 =	vbroadcast v19, $0x0  }
0x176: {  	v43 =	vmov s14;
	s14 =	sadd.s32 $0xFFFFFFF1, s9;
	v32 =	vor.u32 v2, v11;
	s10 =	sadd.s32 $0xC, s7;
	v21 =	vld.idx.msk [tilespmem:v62+s13+$0x0], $0xffff;
	[tilespmem:v46+s21+$0x0] =	vst.idx.msk $0xffff, v60  }
0x177: {  	v40 =	vor.u32 s15, v2;
	v42 =	vmov s10;
	v57 =	vmov s14;
	v39 =	vld.idx.msk [tilespmem:v58+s21+$0x0], $0xffff  }
0x178: {  	s10 =	sadd.s32 $0xD, s7;
	v31 =	vand.u32 $0xFFFFFFFC, v42;
	v59 =	vand.u32 $0xFFFFFFF0, v57;
	v37 =	vmul.f32 v24, v22;
	v28 =	vld.idx.msk [tilespmem:v36+s13+$0x0], $0xffff  }
0x179: {  	v49 =	vmov s10;
	v31 =	vbroadcast v31, $0x0;
	v26 =	vbroadcast v59, $0x0;
	v27 =	vld.idx.msk [tilespmem:v13+s19+$0x0], $0xffff  }
0x17a: {  	v53 =	vand.u32 $0xFFFFFFFD, v49;
	v12 =	vmul.f32 v37, v18;
	v46 =	vmul.f32 v23, v63;
	v23 =	vld.idx.msk [tilespmem:v41+s19+$0x0], $0xffff  }
0x17b: {  	v56 =	vbroadcast v53, $0x0;
	v33 =	vld.idx.msk [tilespmem:v19+s19+$0x0], $0xffff  }
0x17c: {  	[tilespmem:v52+s21+$0x0] =	vst.idx.msk $0xffff, v12;
	v12 =	vld.idx.msk [tilespmem:v43+s19+$0x0], $0xffff  }
0x17d: {  	v48 =	vor.u32 v7, v15;
	v15 =	vor.u32 s6, v7;
	s6 =	sadd.s32 $0xFFFFFFF2, s9;
	v13 =	vor.u32 s1, v7;
	v35 =	vld.idx.msk [tilespmem:v40+s21+$0x0], $0xffff  }
0x17e: {  	v45 =	vor.u32 s31, v1;
	v61 =	vmov s6;
	s6 =	sadd.s32 $0xFFFFFFF4, s9;
	v32 =	vld.idx.msk [tilespmem:v32+s13+$0x0], $0xffff  }
0x17f: {  	v38 =	vmov s6;
	s6 =	sadd.s32 $0x680, s5;
	v44 =	vmul.f32 v21, v34;
	v21 =	vmul.f32 v46, v8;
	v31 =	vld.idx.msk [tilespmem:v31+s18+$0x0], $0xffff  }
0x180: {  	v47 =	vor.u32 v1, v14;
	v34 =	vor.u32 s6, v0;
	v43 =	vld.idx.msk [tilespmem:v26+s19+$0x0], $0xffff  }
0x181: {  	v19 =	vmul.f32 v44, v27;
	v22 =	vmul.f32 v28, v39;
	[tilespmem:v55+s21+$0x0] =	vst.idx.msk $0xffff, v21;
	v63 =	vld.idx.msk [tilespmem:v56+s18+$0x0], $0xffff  }
0x182: {  	v50 =	vor.u32 v7, v16;
	v28 =	vand.u32 $0xFFFFFFFD, v61;
	v16 =	vld.idx.msk [tilespmem:v13+s21+$0x0], $0xffff  }
0x183: {  	v28 =	vbroadcast v28, $0x0;
	[tilespmem:v29+s21+$0x0] =	vst.idx.msk $0xffff, v19;
	v54 =	vmul.f32 v22, v9;
	v17 =	vld.idx.msk [tilespmem:v48+s13+$0x0], $0xffff  }
0x184: {  	s1 =	sadd.s32 $0x600, s5;
	v52 =	vld.idx.msk [tilespmem:v45+s21+$0x0], $0xffff  }
0x185: {  	v55 =	vld.idx.msk [tilespmem:v47+s13+$0x0], $0xffff;
	[tilespmem:v58+s21+$0x0] =	vst.idx.msk $0xffff, v54;
	v58 =	vor.u32 s1, v0;
	v21 =	vshll.u32 v31, $0x7  }
0x186: {  	v41 =	vld.idx.msk [tilespmem:v34+s21+$0x0], $0xffff;
	v51 =	vmul.f32 v32, v35;
	v31 =	vor.u32 v0, v21  }
0x187: {  	s14 =	sadd.s32 $0xE, s7;
	v37 =	vor.u32 s15, v3;
	v18 =	vld.idx.msk [tilespmem:v15+s21+$0x0], $0xffff  }
0x188: {  	v60 =	vor.u32 v3, v11;
	v36 =	vmov s14;
	v19 =	vld.idx.msk [tilespmem:v50+s13+$0x0], $0xffff;
	v29 =	vmul.f32 v51, v30  }
0x189: {  	s14 =	sadd.s32 $0xFFFFFFF6, s9;
	v50 =	vand.u32 $0xFFFFFFFE, v36;
	v36 =	vld.idx.msk [tilespmem:v28+s19+$0x0], $0xffff  }
0x18a: {  	s10 =	sadd.s32 $0xFFFFFFF3, s9;
	v22 =	vmul.f32 v55, v52;
	v55 =	vmov s14;
	s14 =	sadd.s32 $0xF, s7;
	[tilespmem:v40+s21+$0x0] =	vst.idx.msk $0xffff, v29;
	v40 =	vor.u32 s31, v2;
	v48 =	vld.idx.msk [tilespmem:v58+s21+$0x0], $0xffff  }
0x18b: {  	v62 =	vmov s10;
	s10 =	sadd.s32 $0xFFFFFFF5, s9;
	v46 =	vmov s14;
	v49 =	vld.idx.msk [tilespmem:v31+s13+$0x0], $0xffff;
	v31 =	vbroadcast v50, $0x0  }
0x18c: {  	v24 =	vshll.u32 v63, $0x7;
	v51 =	vmov s10;
	v39 =	vld.idx.msk [tilespmem:v37+s21+$0x0], $0xffff;
	v22 =	vmul.f32 v22, v27  }
0x18d: {  	v52 =	vor.u32 v0, v24;
	v54 =	vand.u32 $0xFFFFFFF4, v51;
	s7 =	sadd.s32 $0xFFFFFFF8, s9;
	v42 =	vld.idx.msk [tilespmem:v60+s13+$0x0], $0xffff  }
0x18e: {  	v29 =	vand.u32 $0xFFFFFFFE, v62;
	v32 =	vbroadcast v54, $0x0;
	v57 =	vmov s7;
	[tilespmem:v45+s21+$0x0] =	vst.idx.msk $0xffff, v22;
	v22 =	vld.idx.msk [tilespmem:v38+s19+$0x0], $0xffff  }
0x18f: {  	v53 =	vor.u32 v2, v14;
	s10 =	sadd.s32 $0xFFFFFFF7, s9;
	v35 =	vand.u32 $0xFFFFFFFD, v55;
	s14 =	sadd.s32 $0xFFFFFFFA, s9;
	v29 =	vbroadcast v29, $0x0;
	v44 =	vld.idx.msk [tilespmem:v40+s21+$0x0], $0xffff  }
0x190: {  	v56 =	vmov s10;
	v35 =	vbroadcast v35, $0x0;
	v62 =	vmov s14;
	s14 =	sadd.s32 $0xFFFFFFFD, s9;
	v46 =	vld.idx.msk [tilespmem:v46+s18+$0x0], $0xffff  }
0x191: {  	v60 =	vand.u32 $0xFFFFFFFD, v62;
	v55 =	vmov s14;
	v38 =	vand.u32 $0xFFFFFFFE, v56;
	v31 =	vld.idx.msk [tilespmem:v31+s18+$0x0], $0xffff  }
0x192: {  	v62 =	vand.u32 $0xFFFFFFFC, v55;
	v47 =	vbroadcast v38, $0x0;
	v27 =	vmul.f32 v49, v48;
	v48 =	vld.idx.msk [tilespmem:v52+s13+$0x0], $0xffff  }
0x193: {  	v55 =	vbroadcast v62, $0x0;
	v25 =	vld.idx.msk [tilespmem:v57+s19+$0x0], $0xffff  }
0x194: {  	v51 =	vld.idx.msk [tilespmem:v32+s19+$0x0], $0xffff;
	v27 =	vmul.f32 v27, v43  }
0x195: {  	s10 =	sadd.s32 $0xFFFFFFF9, s9;
	s7 =	sadd.s32 $0x700, s5;
	v45 =	vor.u32 s1, v1;
	v29 =	vld.idx.msk [tilespmem:v29+s19+$0x0], $0xffff  }
0x196: {  	v49 =	vld.idx.msk [tilespmem:v53+s13+$0x0], $0xffff;
	v52 =	vor.u32 s7, v0;
	[tilespmem:v58+s21+$0x0] =	vst.idx.msk $0xffff, v27;
	v58 =	vmov s10;
	v26 =	vshll.u32 v31, $0x7  }
0x197: {  	v38 =	vld.idx.msk [tilespmem:v35+s19+$0x0], $0xffff;
	v59 =	vmul.f32 v48, v41;
	v28 =	vand.u32 $0xFFFFFFF8, v58;
	v31 =	vor.u32 v0, v26  }
0x198: {  	v32 =	vld.idx.msk [tilespmem:v47+s19+$0x0], $0xffff;
	v27 =	vor.u32 v1, v21;
	v63 =	vbroadcast v28, $0x0  }
0x199: {  	v55 =	vld.idx.msk [tilespmem:v55+s19+$0x0], $0xffff;
	v35 =	vmul.f32 v59, v51  }
0x19a: {  	v47 =	vor.u32 s6, v1;
	s10 =	sadd.s32 $0xFFFFFFFB, s9;
	v50 =	vld.idx.msk [tilespmem:v45+s21+$0x0], $0xffff;
	v28 =	vshll.u32 v46, $0x7  }
0x19b: {  	s5 =	sadd.s32 $0x780, s5;
	v61 =	vmov s10;
	v54 =	vld.idx.msk [tilespmem:v52+s21+$0x0], $0xffff;
	[tilespmem:v34+s21+$0x0] =	vst.idx.msk $0xffff, v35;
	v35 =	vor.u32 v0, v28  }
0x19c: {  	v56 =	vor.u32 s5, v0;
	v41 =	vbroadcast v60, $0x0;
	v53 =	vand.u32 $0xFFFFFFFE, v61;
	v31 =	vld.idx.msk [tilespmem:v31+s13+$0x0], $0xffff  }
0x19d: {  	s10 =	sadd.s32 $0xFFFFFFFE, s9;
	v46 =	vld.idx.msk [tilespmem:v27+s13+$0x0], $0xffff;
	v27 =	vbroadcast v53, $0x0  }
0x19e: {  	s0 =	sadd.s32 $0xFFFFFFFC, s9;
	v48 =	vld.idx.msk [tilespmem:v63+s19+$0x0], $0xffff;
	v63 =	vmov s10  }
0x19f: {  	s14 =	sadd.s32 $0xFFFFFFFF, s9;
	v57 =	vmov s0;
	v53 =	vld.idx.msk [tilespmem:v47+s21+$0x0], $0xffff;
	v34 =	vand.u32 $0xFFFFFFFD, v63  }
0x1a0: {  	v58 =	vmov s14;
	v59 =	vor.u32 v1, v24;
	v61 =	vbroadcast v34, $0x0;
	v35 =	vld.idx.msk [tilespmem:v35+s13+$0x0], $0xffff  }
0x1a1: {  	v58 =	vand.u32 $0xFFFFFFFE, v58;
	v31 =	vmul.f32 v31, v54;
	v54 =	vld.idx.msk [tilespmem:v56+s21+$0x0], $0xffff  }
0x1a2: {  	v60 =	vor.u32 s7, v1;
	v58 =	vbroadcast v58, $0x0;
	v41 =	vld.idx.msk [tilespmem:v41+s19+$0x0], $0xffff  }
0x1a3: {  	v34 =	vld.idx.msk [tilespmem:v27+s19+$0x0], $0xffff;
	v31 =	vmul.f32 v31, v48  }
0x1a4: {  	v27 =	vld.idx.msk [tilespmem:v57+s19+$0x0], $0xffff;
	v57 =	vmov s9  }
0x1a5: {  	v59 =	vld.idx.msk [tilespmem:v59+s13+$0x0], $0xffff;
	[tilespmem:v52+s21+$0x0] =	vst.idx.msk $0xffff, v31;
	v52 =	vor.u32 v1, v26  }
0x1a6: {  	v61 =	vld.idx.msk [tilespmem:v61+s19+$0x0], $0xffff;
	v31 =	vmul.f32 v35, v54;
	v54 =	vor.u32 s5, v1  }
0x1a7: {  	v63 =	vor.u32 v1, v28;
	v62 =	vld.idx.msk [tilespmem:v60+s21+$0x0], $0xffff  }
0x1a8: {  	v44 =	vmul.f32 v49, v44;
	v49 =	vor.u32 s31, v3;
	v35 =	vld.idx.msk [tilespmem:v58+s19+$0x0], $0xffff;
	v58 =	vmul.f32 v31, v55  }
0x1a9: {  	v46 =	vmul.f32 v46, v50;
	v50 =	vor.u32 s1, v2;
	v31 =	vld.idx.msk [tilespmem:v57+s19+$0x0], $0xffff  }
0x1aa: {  	v44 =	vmul.f32 v44, v33;
	[tilespmem:v56+s21+$0x0] =	vst.idx.msk $0xffff, v58;
	v56 =	vor.u32 v2, v21;
	v52 =	vld.idx.msk [tilespmem:v52+s13+$0x0], $0xffff  }
0x1ab: {  	v39 =	vmul.f32 v42, v39;
	v43 =	vmul.f32 v46, v43;
	v57 =	vor.u32 v3, v14;
	v46 =	vld.idx.msk [tilespmem:v54+s21+$0x0], $0xffff  }
0x1ac: {  	[tilespmem:v40+s21+$0x0] =	vst.idx.msk $0xffff, v44;
	v59 =	vmul.f32 v59, v53;
	v53 =	vld.idx.msk [tilespmem:v63+s13+$0x0], $0xffff;
	v63 =	vor.u32 v2, v24  }
0x1ad: {  	v30 =	vmul.f32 v39, v30;
	v44 =	vor.u32 s6, v2;
	[tilespmem:v45+s21+$0x0] =	vst.idx.msk $0xffff, v43;
	v43 =	vld.idx.msk [tilespmem:v49+s21+$0x0], $0xffff  }
0x1ae: {  	v42 =	vor.u32 s15, v4;
	v40 =	vmul.f32 v59, v51;
	v51 =	vld.idx.msk [tilespmem:v50+s21+$0x0], $0xffff  }
0x1af: {  	[tilespmem:v37+s21+$0x0] =	vst.idx.msk $0xffff, v30;
	v58 =	vor.u32 s7, v2;
	v56 =	vld.idx.msk [tilespmem:v56+s13+$0x0], $0xffff;
	v52 =	vmul.f32 v52, v62  }
0x1b0: {  	[tilespmem:v47+s21+$0x0] =	vst.idx.msk $0xffff, v40;
	v40 =	vor.u32 v2, v26;
	v39 =	vld.idx.msk [tilespmem:v57+s13+$0x0], $0xffff  }
0x1b1: {  	v62 =	vor.u32 v2, v28;
	v46 =	vmul.f32 v53, v46;
	v30 =	vld.idx.msk [tilespmem:v63+s13+$0x0], $0xffff;
	v59 =	vmul.f32 v52, v48  }
0x1b2: {  	v48 =	vld.idx.msk [tilespmem:v44+s21+$0x0], $0xffff;
	v52 =	vor.u32 s5, v2  }
0x1b3: {  	v45 =	vld.idx.msk [tilespmem:v42+s21+$0x0], $0xffff;
	v63 =	vor.u32 v4, v11;
	v46 =	vmul.f32 v46, v55;
	[tilespmem:v60+s21+$0x0] =	vst.idx.msk $0xffff, v59  }
0x1b4: {  	v53 =	vor.u32 s1, v3;
	v51 =	vmul.f32 v56, v51;
	v57 =	vld.idx.msk [tilespmem:v58+s21+$0x0], $0xffff  }
0x1b5: {  	v59 =	vor.u32 v3, v21;
	[tilespmem:v54+s21+$0x0] =	vst.idx.msk $0xffff, v46;
	v40 =	vld.idx.msk [tilespmem:v40+s13+$0x0], $0xffff  }
0x1b6: {  	v39 =	vmul.f32 v39, v43;
	v43 =	vor.u32 s31, v4;
	v37 =	vld.idx.msk [tilespmem:v62+s13+$0x0], $0xffff;
	v51 =	vmul.f32 v51, v36  }
0x1b7: {  	v54 =	vld.idx.msk [tilespmem:v52+s21+$0x0], $0xffff;
	v30 =	vmul.f32 v30, v48;
	v48 =	vor.u32 s6, v3  }
0x1b8: {  	v60 =	vor.u32 v3, v24;
	v33 =	vmul.f32 v39, v33;
	v47 =	vld.idx.msk [tilespmem:v63+s13+$0x0], $0xffff;
	[tilespmem:v50+s21+$0x0] =	vst.idx.msk $0xffff, v51  }
0x1b9: {  	v62 =	vor.u32 v4, v14;
	v30 =	vmul.f32 v30, v38;
	v51 =	vld.idx.msk [tilespmem:v53+s21+$0x0], $0xffff  }
0x1ba: {  	v46 =	vor.u32 s7, v3;
	[tilespmem:v49+s21+$0x0] =	vst.idx.msk $0xffff, v33;
	v63 =	vld.idx.msk [tilespmem:v59+s13+$0x0], $0xffff;
	v40 =	vmul.f32 v40, v57  }
0x1bb: {  	v49 =	vld.idx.msk [tilespmem:v43+s21+$0x0], $0xffff;
	v57 =	vor.u32 v3, v26;
	[tilespmem:v44+s21+$0x0] =	vst.idx.msk $0xffff, v30  }
0x1bc: {  	v44 =	vld.idx.msk [tilespmem:v48+s21+$0x0], $0xffff;
	v40 =	vmul.f32 v40, v41;
	v37 =	vmul.f32 v37, v54;
	v54 =	vor.u32 s5, v3  }
0x1bd: {  	v59 =	vor.u32 v3, v28;
	v45 =	vmul.f32 v47, v45;
	v39 =	vld.idx.msk [tilespmem:v60+s13+$0x0], $0xffff  }
0x1be: {  	v50 =	vld.idx.msk [tilespmem:v62+s13+$0x0], $0xffff;
	v60 =	vor.u32 v5, v11;
	[tilespmem:v58+s21+$0x0] =	vst.idx.msk $0xffff, v40;
	v37 =	vmul.f32 v37, v61  }
0x1bf: {  	v45 =	vmul.f32 v45, v20;
	v40 =	vor.u32 s15, v5;
	v33 =	vmul.f32 v63, v51;
	v63 =	vld.idx.msk [tilespmem:v46+s21+$0x0], $0xffff  }
0x1c0: {  	v62 =	vor.u32 v4, v21;
	v30 =	vld.idx.msk [tilespmem:v57+s13+$0x0], $0xffff;
	[tilespmem:v52+s21+$0x0] =	vst.idx.msk $0xffff, v37  }
0x1c1: {  	[tilespmem:v42+s21+$0x0] =	vst.idx.msk $0xffff, v45;
	v37 =	vor.u32 s1, v4;
	v52 =	vld.idx.msk [tilespmem:v54+s21+$0x0], $0xffff  }
0x1c2: {  	v42 =	vor.u32 s6, v4;
	v33 =	vmul.f32 v33, v36;
	v39 =	vmul.f32 v39, v44;
	v56 =	vld.idx.msk [tilespmem:v59+s13+$0x0], $0xffff  }
0x1c3: {  	v58 =	vor.u32 v4, v24;
	v49 =	vmul.f32 v50, v49;
	v59 =	vld.idx.msk [tilespmem:v60+s13+$0x0], $0xffff  }
0x1c4: {  	v50 =	vor.u32 s31, v5;
	[tilespmem:v53+s21+$0x0] =	vst.idx.msk $0xffff, v33;
	v57 =	vld.idx.msk [tilespmem:v40+s21+$0x0], $0xffff;
	v38 =	vmul.f32 v39, v38  }
0x1c5: {  	v51 =	vor.u32 s7, v4;
	v30 =	vmul.f32 v30, v63;
	v36 =	vld.idx.msk [tilespmem:v62+s13+$0x0], $0xffff  }
0x1c6: {  	v53 =	vor.u32 v4, v26;
	v63 =	vmul.f32 v49, v23;
	v60 =	vld.idx.msk [tilespmem:v37+s21+$0x0], $0xffff;
	[tilespmem:v48+s21+$0x0] =	vst.idx.msk $0xffff, v38  }
0x1c7: {  	v49 =	vor.u32 s5, v4;
	v30 =	vmul.f32 v30, v41;
	v55 =	vld.idx.msk [tilespmem:v42+s21+$0x0], $0xffff;
	v44 =	vmul.f32 v56, v52  }
0x1c8: {  	[tilespmem:v43+s21+$0x0] =	vst.idx.msk $0xffff, v63;
	v62 =	vld.idx.msk [tilespmem:v58+s13+$0x0], $0xffff;
	v63 =	vor.u32 v4, v28  }
0x1c9: {  	v56 =	vor.u32 v5, v14;
	v52 =	vld.idx.msk [tilespmem:v50+s21+$0x0], $0xffff;
	[tilespmem:v46+s21+$0x0] =	vst.idx.msk $0xffff, v30;
	v44 =	vmul.f32 v44, v61  }
0x1ca: {  	v33 =	vmul.f32 v59, v57;
	v46 =	vor.u32 s15, v6;
	v57 =	vld.idx.msk [tilespmem:v51+s21+$0x0], $0xffff  }
0x1cb: {  	v39 =	vor.u32 s1, v5;
	v58 =	vld.idx.msk [tilespmem:v53+s13+$0x0], $0xffff;
	v36 =	vmul.f32 v36, v60;
	[tilespmem:v54+s21+$0x0] =	vst.idx.msk $0xffff, v44  }
0x1cc: {  	v59 =	vor.u32 v5, v21;
	v20 =	vmul.f32 v33, v20;
	v60 =	vld.idx.msk [tilespmem:v49+s21+$0x0], $0xffff  }
0x1cd: {  	v41 =	vor.u32 s6, v5;
	v38 =	vmul.f32 v62, v55;
	v43 =	vld.idx.msk [tilespmem:v63+s13+$0x0], $0xffff;
	v36 =	vmul.f32 v36, v29  }
0x1ce: {  	v61 =	vld.idx.msk [tilespmem:v56+s13+$0x0], $0xffff;
	v62 =	vor.u32 v5, v24;
	[tilespmem:v40+s21+$0x0] =	vst.idx.msk $0xffff, v20  }
0x1cf: {  	v53 =	vor.u32 v6, v11;
	v63 =	vld.idx.msk [tilespmem:v46+s21+$0x0], $0xffff;
	v54 =	vmul.f32 v38, v32;
	[tilespmem:v37+s21+$0x0] =	vst.idx.msk $0xffff, v36  }
0x1d0: {  	v47 =	vor.u32 s7, v5;
	v44 =	vmul.f32 v58, v57;
	v55 =	vld.idx.msk [tilespmem:v39+s21+$0x0], $0xffff  }
0x1d1: {  	v56 =	vor.u32 v5, v26;
	v33 =	vld.idx.msk [tilespmem:v59+s13+$0x0], $0xffff;
	[tilespmem:v42+s21+$0x0] =	vst.idx.msk $0xffff, v54  }
0x1d2: {  	v48 =	vor.u32 s5, v5;
	v42 =	vld.idx.msk [tilespmem:v41+s21+$0x0], $0xffff;
	v44 =	vmul.f32 v44, v34;
	v43 =	vmul.f32 v43, v60  }
0x1d3: {  	v58 =	vor.u32 v5, v28;
	v59 =	vor.u32 v6, v14;
	v57 =	vld.idx.msk [tilespmem:v62+s13+$0x0], $0xffff  }
0x1d4: {  	v36 =	vld.idx.msk [tilespmem:v53+s13+$0x0], $0xffff;
	v20 =	vmul.f32 v61, v52;
	[tilespmem:v51+s21+$0x0] =	vst.idx.msk $0xffff, v44;
	v43 =	vmul.f32 v43, v35  }
0x1d5: {  	v38 =	vor.u32 s1, v6;
	v44 =	vor.u32 s31, v6;
	v51 =	vld.idx.msk [tilespmem:v47+s21+$0x0], $0xffff  }
0x1d6: {  	v20 =	vmul.f32 v20, v23;
	v37 =	vld.idx.msk [tilespmem:v56+s13+$0x0], $0xffff;
	v33 =	vmul.f32 v33, v55;
	[tilespmem:v49+s21+$0x0] =	vst.idx.msk $0xffff, v43  }
0x1d7: {  	v60 =	vor.u32 v6, v21;
	v62 =	vor.u32 v6, v24;
	v43 =	vld.idx.msk [tilespmem:v48+s21+$0x0], $0xffff  }
0x1d8: {  	[tilespmem:v50+s21+$0x0] =	vst.idx.msk $0xffff, v20;
	v30 =	vmul.f32 v57, v42;
	v40 =	vld.idx.msk [tilespmem:v58+s13+$0x0], $0xffff;
	v29 =	vmul.f32 v33, v29  }
0x1d9: {  	v63 =	vmul.f32 v36, v63;
	v23 =	vld.idx.msk [tilespmem:v59+s13+$0x0], $0xffff;
	v33 =	vor.u32 s6, v6  }
0x1da: {  	v42 =	vor.u32 s15, v7;
	v61 =	vld.idx.msk [tilespmem:v44+s21+$0x0], $0xffff;
	v30 =	vmul.f32 v30, v32;
	[tilespmem:v39+s21+$0x0] =	vst.idx.msk $0xffff, v29  }
0x1db: {  	v11 =	vor.u32 v7, v11;
	v53 =	vor.u32 s7, v6;
	v45 =	vld.idx.msk [tilespmem:v38+s21+$0x0], $0xffff  }
0x1dc: {  	v52 =	vmul.f32 v37, v51;
	v29 =	vmul.f32 v63, v10;
	[tilespmem:v41+s21+$0x0] =	vst.idx.msk $0xffff, v30;
	v20 =	vld.idx.msk [tilespmem:v60+s13+$0x0], $0xffff  }
0x1dd: {  	v54 =	vor.u32 v6, v26;
	v57 =	vor.u32 s5, v6;
	v58 =	vld.idx.msk [tilespmem:v62+s13+$0x0], $0xffff  }
0x1de: {  	v34 =	vmul.f32 v52, v34;
	v56 =	vmul.f32 v40, v43;
	[tilespmem:v46+s21+$0x0] =	vst.idx.msk $0xffff, v29;
	v55 =	vld.idx.msk [tilespmem:v33+s21+$0x0], $0xffff  }
0x1df: {  	v59 =	vor.u32 v6, v28;
	v60 =	vld.idx.msk [tilespmem:v42+s21+$0x0], $0xffff  }
0x1e0: {  	v11 =	vld.idx.msk [tilespmem:v11+s13+$0x0], $0xffff;
	[tilespmem:v47+s21+$0x0] =	vst.idx.msk $0xffff, v34;
	v35 =	vmul.f32 v56, v35  }
0x1e1: {  	v39 =	vor.u32 s31, v7;
	v23 =	vmul.f32 v23, v61;
	v61 =	vld.idx.msk [tilespmem:v53+s21+$0x0], $0xffff  }
0x1e2: {  	v14 =	vor.u32 v7, v14;
	v30 =	vld.idx.msk [tilespmem:v54+s13+$0x0], $0xffff;
	[tilespmem:v48+s21+$0x0] =	vst.idx.msk $0xffff, v35  }
0x1e3: {  	v35 =	vor.u32 s1, v7;
	v23 =	vmul.f32 v23, v12;
	v20 =	vmul.f32 v20, v45;
	v62 =	vld.idx.msk [tilespmem:v57+s21+$0x0], $0xffff  }
0x1e4: {  	v21 =	vor.u32 v7, v21;
	v63 =	vld.idx.msk [tilespmem:v59+s13+$0x0], $0xffff  }
0x1e5: {  	v29 =	vmul.f32 v58, v55;
	[tilespmem:v44+s21+$0x0] =	vst.idx.msk $0xffff, v23;
	v20 =	vmul.f32 v20, v22;
	v44 =	vor.u32 s6, v7  }
0x1e6: {  	v24 =	vor.u32 v7, v24;
	v47 =	vor.u32 s7, v7;
	v45 =	vld.idx.msk [tilespmem:v39+s21+$0x0], $0xffff  }
0x1e7: {  	v14 =	vld.idx.msk [tilespmem:v14+s13+$0x0], $0xffff;
	v29 =	vmul.f32 v29, v25;
	[tilespmem:v38+s21+$0x0] =	vst.idx.msk $0xffff, v20;
	v46 =	vmul.f32 v30, v61  }
0x1e8: {  	v26 =	vor.u32 v7, v26;
	v49 =	vor.u32 s5, v7;
	v48 =	vld.idx.msk [tilespmem:v35+s21+$0x0], $0xffff  }
0x1e9: {  	v21 =	vld.idx.msk [tilespmem:v21+s13+$0x0], $0xffff;
	[tilespmem:v33+s21+$0x0] =	vst.idx.msk $0xffff, v29;
	v20 =	vmul.f32 v46, v27;
	v32 =	vmul.f32 v63, v62  }
0x1ea: {  	v28 =	vor.u32 v7, v28;
	v50 =	vld.idx.msk [tilespmem:v44+s21+$0x0], $0xffff  }
0x1eb: {  	v51 =	vld.idx.msk [tilespmem:v24+s13+$0x0], $0xffff;
	[tilespmem:v53+s21+$0x0] =	vst.idx.msk $0xffff, v20;
	v52 =	vmul.f32 v32, v31  }
0x1ec: {  	v53 =	vld.idx.msk [tilespmem:v47+s21+$0x0], $0xffff  }
0x1ed: {  	v16 =	vmul.f32 v17, v16;
	v54 =	vld.idx.msk [tilespmem:v26+s13+$0x0], $0xffff;
	[tilespmem:v57+s21+$0x0] =	vst.idx.msk $0xffff, v52  }
0x1ee: {  	v18 =	vmul.f32 v19, v18;
	v55 =	vld.idx.msk [tilespmem:v49+s21+$0x0], $0xffff  }
0x1ef: {  	v8 =	vmul.f32 v16, v8;
	v11 =	vmul.f32 v11, v60;
	v56 =	vld.idx.msk [tilespmem:v28+s13+$0x0], $0xffff  }
0x1f0: {  	v9 =	vmul.f32 v18, v9;
	v14 =	vmul.f32 v14, v45  }
0x1f1: {  	[tilespmem:v13+s21+$0x0] =	vst.idx.msk $0xffff, v8;
	v8 =	vmul.f32 v11, v10;
	v57 =	vmul.f32 v21, v48  }
0x1f2: {  	[tilespmem:v15+s21+$0x0] =	vst.idx.msk $0xffff, v9;
	v58 =	vmul.f32 v14, v12;
	v59 =	vmul.f32 v51, v50  }
0x1f3: {  	p1 =	slt.u32 s16, $0x48;
	[tilespmem:v42+s21+$0x0] =	vst.idx.msk $0xffff, v8;
	v8 =	vmul.f32 v57, v22;
	v60 =	vmul.f32 v54, v53  }
.Ltmp1:
0x1f4: {  	[tilespmem:v39+s21+$0x0] =	vst.idx.msk $0xffff, v58;
	v61 =	vmul.f32 v59, v25;
	v62 =	vmul.f32 v56, v55;
	(pc) =	sbr.rel @p1 .LBB2_6-.Ltmp1, $4  }
0x1f5: {  	[tilespmem:v35+s21+$0x0] =	vst.idx.msk $0xffff, v8;
	v8 =	vmul.f32 v60, v27  }
0x1f6: {  	[tilespmem:v44+s21+$0x0] =	vst.idx.msk $0xffff, v61;
	v63 =	vmul.f32 v62, v31  }
0x1f7: {  	[tilespmem:v47+s21+$0x0] =	vst.idx.msk $0xffff, v8  }
0x1f8: {  	s9 =	sadd.s32 $0x20, s9;
	s5 =	smov.u32 s16;
	[tilespmem:v49+s21+$0x0] =	vst.idx.msk $0xffff, v63  }
0x1f9: {  	[spmem:s3] =	stream.indirect.scatter.add.f32 [tilespmem:s23], [sflag:$0x4], $0x80, s28, s22, $0xb8;
	[tilespmem:$0x1A100] =	vst v63  }
0x1fa: {  	s11 =	sadd.s32 $0x1, s11  }
0x1fb: {  	_ =	swait.ge [sflag:s29], $0x1800;
	p1 =	sne.s32 s11, $0x19  }
.Ltmp2:
0x1fc: {  	[sflag:s29] =	ssyncset.done $0x0;
	(pc) =	sbr.rel @p1 .LBB2_3-.Ltmp2, $4  }
0x1fd: {  	[sflag:s29] =	ssyncadd.s32 $0xFFFFE800  }
0x1fe: {  	_ =	swait.ge [sflag:s30], $0x1000  }
0x1ff: {  	s8 =	sadd.s32 $0x140, s8;
	[sflag:s30] =	ssyncset.done $0x0  }
0x200: {  	s4 =	sadd.s32 $0x50, s4;
	s12 =	sadd.s32 $0x140, s12;
	[sflag:s30] =	ssyncadd.s32 $0xFFFFF000  }
0x201: {  	s0 =	rddreg [dreg:$0x10]  }
0x202: {  	s0 =	sadd.s32 $0x1, s0  }
0x203: {  	p1 =	sne.s32 s0, $0x5  }
.Ltmp3:
0x204: {  	_ = 	snop;
	(pc) =	sbr.rel @p1 .LBB2_2-.Ltmp3, $1  }
0x205: {  	_ =	sdelay $0x3  }
0x206: {  	[bflag:$0x0] =	sbarrier.arrive $0xFFFF  }
0x207: {  	s1 =	rddreg [dreg:$0xb]  }
0x208: {  	s0 =	sshrl.u32 @!p0 s3, $0x3;
	s4 =	rddreg [dreg:$0xd]  }
0x209: {  	[hbm:s1], [sflag:s4] =	dma.local @!p0 [spmem:s0], $0x27100  }
0x20a: {  	s0 =	simm.s32 @!p0 $0x5  }
0x20b: {  	_ =	swait.ge @!p0 [sflag:s0], $0x27100  }
0x20c: {  	s5 =	rddreg [dreg:$0xf]  }
0x20d: {  	s31 =	rddreg [dreg:$0xc];
	s5 =	sadd.s32 $0x1, s5  }
0x20e: {  	p1 =	sne.s32 s5, s31  }
.Ltmp4:
0x20f: {  	_ = 	snop;
	(pc) =	sbr.rel @p1 .LBB2_1-.Ltmp4, $3  }
0x210: {  	_ =	sdelay $0x1  }
0x211: {  	[sflag:s0] =	ssyncset.done @!p0 $0x0  }
0x212: {  	[sflag:s0] =	ssyncadd.s32 @!p0 $0xFFFD8F00  }
0x213: {  	_ =	sfence.sel $0x180000  }
0x214: {  	[bflag:$0x0] =	sbarrier.arrive $0xFFFF  }
0x215: {  	_ =	strace $0x9000004A  }
0x216: {  	[bflag:$0x2] =	sbarrier.arrive $0xFFFF  }
0x217: {  	s0 =	rddreg [dreg:$0x4]  }
0x218: {  	s0 =	sadd.s32 @!p0 $0x100000, s0  }
0x219: {  	[sflag:s0] =	ssyncadd.tile.s32 @!p0 $0x1;
	_ =	shalt  }
.Lfunc_end2:
_tile_overlayer_lowered:
.L_overlay_start_2:
0x21a: {  	(tag) =	ssettag $0x2  }
0x21b: {  	s0 =	rddreg [dreg:$0x0];
	s2 =	stileid.u32  }
0x21c: {  	s1 =	rddreg [dreg:$0x1];
	p0 =	sne.s32 s2, $0x0  }
0x21d: {  	s3 =	rddreg [dreg:$0x2];
	[bflag:$0x3] =	sbarrier.arrive $0xFFFF;
	s2 =	simm.s32 @!p0 $0x1C05  }
0x21e: {  	[timem:s3], [sflag:s2] =	dma.local @!p0 [hbm:s0], s1  }
0x21f: {  	s0 =	simm.s32 @!p0 $0x5  }
0x220: {  	_ =	swait.ge @!p0 [sflag:s0], s1  }
0x221: {  	s1 =	ssub.s32 @!p0 $0x0, s1;
	[sflag:s0] =	ssyncset.done @!p0 $0x0  }
0x222: {  	[sflag:s0] =	ssyncadd.s32 @!p0 s1  }
0x223: {  	[bflag:$0x3] =	sbarrier.arrive $0xFFFF  }
0x224: {  	_ =	shalt  }

// kernel: kernel.7.cloned.1.call-start
scs
__scs_entry_jumppad:
0x0: {  	(pc) =	sbr.rel $0x88, $3  }
0x1: {  	(tag) =	ssettag $0x0;
	lr =	simm.s32 $0x1  }
0x2: {  	[smem:$0x3F96] =	sst lr;
	_ =	strace $0xD0000000  }
0x3: {  	_ = 	snop  }
0x4: {  	_ = 	snop  }
0x5: {  	_ = 	snop  }
0x6: {  	_ = 	snop  }
0x7: {  	_ = 	snop  }
__scs_overlays_trampoline_lowered:
0x8: {  	[smem:$0x3FA5] =	sst s0  }
0x9: {  	[smem:$0x3FA6] =	sst s1  }
0xa: {  	[smem:$0x3FA7] =	sst s2  }
0xb: {  	[smem:$0x3FA8] =	sst s3  }
0xc: {  	[smem:$0x3FA9] =	sst s4  }
0xd: {  	[smem:$0x3FAA] =	sst s5  }
0xe: {  	[smem:$0x3FAB] =	sst s6  }
0xf: {  	[smem:$0x3FAC] =	sst s7  }
0x10: {  	[smem:$0x3FAD] =	sst s8  }
0x11: {  	[smem:$0x3FAE] =	sst s9;
	s0 =	simm.s32 @!p0 $0x0  }
0x12: {  	s1 =	sld [smem:$0x3F94];
	s0 =	simm.s32 @p0 $0x1  }
0x13: {  	[smem:$0x3FAF] =	sst s0;
	s0 =	simm.s32 @!p1 $0x0  }
0x14: {  	s2 =	sld [smem:$0x3F93];
	s0 =	simm.s32 @p1 $0x1  }
0x15: {  	[smem:$0x3FB0] =	sst s0;
	s0 =	simm.s32 @!p2 $0x0  }
0x16: {  	s3 =	sld [smem:$0x3FDB];
	s0 =	simm.s32 @p2 $0x1  }
0x17: {  	s4 =	simm.s32 $0x1BF5;
	[smem:$0x3FB2] =	sst s0  }
0x18: {  	s0 =	sld [smem:$0x3F95];
	_ =	swait.ge [sflag:s4], $0x0  }
0x19: {  	s7 =	sld [smem:$0x3F96]  }
0x1a: {  	s8 =	sadd.s32 $0xFFFFE003, lr  }
0x1b: {  	s9 =	sadd.s32 $0xFFFFFEF7, lr;
	s5 =	simm.s32 $0xFFFFFFFF;
	p2 =	slt.u32 s8, $0xFFFFF086  }
0x1c: {  	p1 =	slt.u32 s9, $0xF7A;
	s5 =	simm.s32 @!p2 $0x0  }
0x1d: {  	s5 =	simm.s32 @p1 $0x1;
	p0 =	seq.s32 s7, s2  }
0x1e: {  	s7 =	smul.u32 @!p0 $0xF7A, s2;
	p2 =	seq.s32 @!p0 s5, $0x0  }
0x1f: {  	s9 =	smul.u32 $0xF7A, s1;
	s8 =	simm.s32 @!p0 $0x1BF5;
	p2 =	por !p2, p0  }
0x20: {  	[sflag:s8] =	ssyncset.s32 @!p0 $0xFFFFF086;
	s6 =	sadd.s32 @!p0 s3, s7;
	s7 =	simm.s32 @!p0 $0x108  }
0x21: {  	s3 =	sadd.s32 s3, s9;
	s6 =	sadd.s32 @!p0 $0x88, s6;
	s7 =	simm.s32 @p2 $0x1082  }
0x22: {  	[simem:s7], [sflag:s8] =	dma.local @!p0 [hbm:s6], $0xF7A  }
0x23: {  	s9 =	sor.u32 $0xD0000000, s2;
	s6 =	simm.s32 $0x108;
	_ =	swait.ge @!p0 [sflag:s8], $0x0  }
0x24: {  	s3 =	sadd.s32 $0x88, s3;
	s6 =	simm.s32 @!p1 $0x1082;
	[sflag:s4] =	ssyncset.s32 $0xFFFFF086  }
0x25: {  	[simem:s6], [sflag:s4] =	dma.local [hbm:s3], $0xF7A  }
0x26: {  	[smem:$0x3F96] =	sst s1;
	(tag) =	ssettag s2;
	_ =	strace s9  }
0x27: {  	s1 =	sld [smem:$0x3FA6]  }
0x28: {  	s2 =	sld [smem:$0x3FA7]  }
0x29: {  	s4 =	sld [smem:$0x3FA9]  }
0x2a: {  	p0 =	seq.s32 s5, $0x0;
	s5 =	sld [smem:$0x3FAA]  }
0x2b: {  	s6 =	sld [smem:$0x3FAB]  }
0x2c: {  	s7 =	sld [smem:$0x3FAC]  }
0x2d: {  	s3 =	simm.s32 $0x108;
	s8 =	sld [smem:$0x3FAD]  }
0x2e: {  	s3 =	simm.s32 @!p0 $0x1082;
	s9 =	sld [smem:$0x3FAE]  }
0x2f: {  	lr =	sadd.s32 s0, s3;
	s0 =	sld [smem:$0x3FA5]  }
0x30: {  	s3 =	sld [smem:$0x3FA8]  }
0x31: {  	[smem:$0x3FB1] =	sst s10  }
0x32: {  	s10 =	sld [smem:$0x3FAF];
	_ =	sdelay $0x3  }
0x33: {  	p0 =	seq.s32 s10, $0x1;
	s10 =	sld [smem:$0x3FB1];
	_ =	sdelay $0x3  }
0x34: {  	[smem:$0x3FB1] =	sst s10  }
0x35: {  	s10 =	sld [smem:$0x3FB0];
	_ =	sdelay $0x3  }
0x36: {  	p1 =	seq.s32 s10, $0x1;
	s10 =	sld [smem:$0x3FB1];
	_ =	sdelay $0x3  }
0x37: {  	[smem:$0x3FB1] =	sst s10  }
0x38: {  	s10 =	sld [smem:$0x3FB2]  }
0x39: {  	_ = 	snop;
	(pc) =	sbr.ind lr, $3  }
0x3a: {  	_ = 	snop  }
0x3b: {  	_ = 	snop  }
0x3c: {  	p2 =	seq.s32 s10, $0x1;
	s10 =	sld [smem:$0x3FB1]  }
0x3d: {  	_ =	shalt  }
0x3e: {  	_ =	shalt  }
0x3f: {  	_ =	shalt  }
0x40: {  	_ =	shalt  }
0x41: {  	_ =	shalt  }
0x42: {  	_ =	shalt  }
0x43: {  	_ =	shalt  }
0x44: {  	_ =	shalt  }
0x45: {  	_ =	shalt  }
0x46: {  	_ =	shalt  }
0x47: {  	_ =	shalt  }
0x48: {  	_ =	shalt  }
0x49: {  	_ =	shalt  }
0x4a: {  	_ =	shalt  }
0x4b: {  	_ =	shalt  }
0x4c: {  	_ =	shalt  }
0x4d: {  	_ =	shalt  }
0x4e: {  	_ =	shalt  }
0x4f: {  	_ =	shalt  }
0x50: {  	_ =	shalt  }
0x51: {  	_ =	shalt  }
0x52: {  	_ =	shalt  }
0x53: {  	_ =	shalt  }
0x54: {  	_ =	shalt  }
0x55: {  	_ =	shalt  }
0x56: {  	_ =	shalt  }
0x57: {  	_ =	shalt  }
0x58: {  	_ =	shalt  }
0x59: {  	_ =	shalt  }
0x5a: {  	_ =	shalt  }
0x5b: {  	_ =	shalt  }
0x5c: {  	_ =	shalt  }
0x5d: {  	_ =	shalt  }
0x5e: {  	_ =	shalt  }
0x5f: {  	_ =	shalt  }
0x60: {  	_ =	shalt  }
0x61: {  	_ =	shalt  }
0x62: {  	_ =	shalt  }
0x63: {  	_ =	shalt  }
0x64: {  	_ =	shalt  }
0x65: {  	_ =	shalt  }
0x66: {  	_ =	shalt  }
0x67: {  	_ =	shalt  }
0x68: {  	_ =	shalt  }
0x69: {  	_ =	shalt  }
0x6a: {  	_ =	shalt  }
0x6b: {  	_ =	shalt  }
0x6c: {  	_ =	shalt  }
0x6d: {  	_ =	shalt  }
0x6e: {  	_ =	shalt  }
0x6f: {  	_ =	shalt  }
0x70: {  	_ =	shalt  }
0x71: {  	_ =	shalt  }
0x72: {  	_ =	shalt  }
0x73: {  	_ =	shalt  }
0x74: {  	_ =	shalt  }
0x75: {  	_ =	shalt  }
0x76: {  	_ =	shalt  }
0x77: {  	_ =	shalt  }
0x78: {  	_ =	shalt  }
0x79: {  	_ =	shalt  }
0x7a: {  	_ =	shalt  }
0x7b: {  	_ =	shalt  }
0x7c: {  	_ =	shalt  }
0x7d: {  	_ =	shalt  }
0x7e: {  	_ =	shalt  }
0x7f: {  	_ =	shalt  }
0x80: {  	_ =	shalt  }
0x81: {  	_ =	shalt  }
0x82: {  	_ =	shalt  }
0x83: {  	_ =	shalt  }
0x84: {  	_ =	shalt  }
0x85: {  	_ =	shalt  }
0x86: {  	_ =	shalt  }
0x87: {  	_ =	shalt  }
.Lfunc_end0:
.L_simem_size_0:
called_computation_lowered:
.L_overlay_start_0:
0x88: {  	s2 =	sld [smem:$0x3FD9]  }
0x89: {  	s3 =	sld [smem:$0x3FFE];
	_ =	sdelay $0x1  }
0x8a: {  	s1 =	srdreg.scid  }
0x8b: {  	s0 =	sand.u32 $0x1, s1  }
0x8c: {  	s17 =	sshll.u32 s0, $0xA;
	s2 =	sadd.s32 s3, s2  }
0x8d: {  	s2 =	sadd.s32 s2, s17  }
0x8e: {  	[smem:$0x3FBD] =	sst s2  }
0x8f: {  	_ = 	snop  }
0x90: {  	s2 =	sld [smem:$0x3FC6];
	(tm) =	ssettm $0x1  }
0x91: {  	s18 =	sld [smem:$0x3FFB];
	_ =	sdelay $0x3  }
0x92: {  	_ =	strace s18  }
0x93: {  	s3 =	sld [smem:$0x3FFC];
	_ =	sdelay $0x3  }
0x94: {  	_ =	strace s3  }
0x95: {  	s3 =	sld [smem:$0x3FFD];
	_ =	sdelay $0x3  }
0x96: {  	_ =	strace s3  }
0x97: {  	_ =	strace $0x8FFFFFFF  }
0x98: {  	s19 =	sld [smem:$0x3FDB];
	_ =	sdelay $0x1  }
0x99: {  	s4 =	simm.s32 $_scs_section_size  }
0x9a: {  	s5 =	simm.s32 $_size__tile_overlayer_lowered;
	s6 =	simm.s32 $_tile_overlayer_lowered  }
0x9b: {  	s22 =	simm.s32 $0x1BFF;
	s21 =	sshll.u32 s6, $0x1;
	s3 =	sadd.s32 s4, s19  }
0x9c: {  	s7 =	simm.s32 $0x0;
	s20 =	sshll.u32 s5, $0x1;
	s5 =	sadd.s32 s21, s3  }
0x9d: {  	[timem:s7], [sflag:s22] =	dma.local [hbm:s5], s20  }
0x9e: {  	_ =	swait.ge [sflag:s22], s20  }
0x9f: {  	s4 =	ssub.s32 $0x0, s20;
	[sflag:s22] =	ssyncset.done $0x0  }
0xa0: {  	[sflag:s22] =	ssyncadd.s32 s4;
	_ =	sdelay $0x1  }
0xa1: {  	s23 =	simm.s32 $0x1B8B  }
0xa2: {  	_ =	swait.ge [sflag:s23], $0x1  }
0xa3: {  	[sflag:s23] =	ssyncset.done $0x0  }
0xa4: {  	s25 =	simm.s32 $0x1B8E;
	s24 =	sld [smem:$0x3FFE];
	[sflag:s23] =	ssyncadd.s32 $0xFFFFFFFF  }
0xa5: {  	s26 =	simm.s32 $execute0_lowered;
	[smem:$0x3FD2] =	sst s25  }
0xa6: {  	s5 =	sshll.u32 s26, $0x1;
	_ =	strace $0x80000046;
	[dreg:$0x1] =	wrdreg $0xFFFFFFFF  }
0xa7: {  	s28 =	simm.s32 $_size_execute0_lowered;
	s3 =	sadd.s32 s3, s5;
	[dreg:$0x0] =	wrdreg $0x0  }
0xa8: {  	s5 =	sshll.u32 s28, $0x1;
	[dreg:$0x2] =	wrdreg s3  }
0xa9: {  	[dreg:$0x3] =	wrdreg s5  }
0xaa: {  	[dreg:$0x4] =	wrdreg $0xC0  }
0xab: {  	_ =	task [dreg:s7], $0x5FFFF  }
0xac: {  	[dreg:$0x1] =	wrdreg $0xFFFFFFFF  }
0xad: {  	[dreg:$0x0] =	wrdreg $0x60  }
0xae: {  	[dreg:$0x2] =	wrdreg s24  }
0xaf: {  	[dreg:$0x3] =	wrdreg s2  }
0xb0: {  	[dreg:$0x4] =	wrdreg $0x9  }
0xb1: {  	_ =	task.clear_ibuf [dreg:s7], $0x5FFFF;
	_ =	strace $0x90000046  }
0xb2: {  	s29 =	simm.s32 $0x9;
	_ =	strace $0x80000048  }
0xb3: {  	_ =	swait.ge [sflag:s29], $0x1  }
0xb4: {  	[sflag:s29] =	ssyncadd.s32 $0xFFFFFFFF  }
0xb5: {  	_ =	strace $0x90000048  }
0xb6: {  	_ =	sfence  }
0xb7: {  	s30 =	sld [smem:$0x0];
	_ =	sdelay $0x2  }
0xb8: {  	s31 =	sshll.u32 s1, $0xD;
	s1 =	sshrl.u32 s1, $0x2  }
0xb9: {  	s3 =	sand.u32 $0x4000, s31;
	s1 =	sadd.s32 s1, s30  }
0xba: {  	s0 =	sor.u32 s3, s0;
	s1 =	sshll.u32 s1, $0x11  }
0xbb: {  	s0 =	sor.u32 s1, s0  }
0xbc: {  	s0 =	sadd.s32 $0x8F2B, s0  }
0xbd: {  	[sflag:s0] =	ssyncadd.remote.s32 $0x1  }
0xbe: {  	_ =	sfence.sel $0xFFFF  }
0xbf: {  	[dreg:$0x0] =	wrdreg $0xFFFFFFFF;
	(pc) =	sbr.abs _section_cstart, $3  }
0xc0: {  	[dreg:$0x1] =	wrdreg $0xFFFFFFFF  }
0xc1: {  	_ =	task.clear_ibuf [dreg:s7], $0x2FFFF;
	_ =	strace $0x9FFFFFFF  }
0xc2: {  	(tm) =	ssettm $0x7FFFFFFF  }
0xc3: {  	_ =	shalt  }
tec
execute0_lowered:
.L_overlay_start_1:
0x0: {  	(tag) =	ssettag $0x1  }
0x1: {  	s9 =	rddreg [dreg:$0x0]  }
0x2: {  	s1 =	rddreg [dreg:$0x1];
	s2 =	srdreg.scid  }
0x3: {  	s0 =	rddreg [dreg:$0x2];
	s3 =	simm.s32 $0x0;
	s14 =	simm.s32 $0x1  }
0x4: {  	s15 =	simm.s32 $0x15200;
	s16 =	simm.s32 $0x15280;
	s17 =	simm.s32 $0x800  }
0x5: {  	s18 =	simm.s32 $0x1000;
	s19 =	simm.s32 $0x1800;
	s20 =	simm.s32 $0x0  }
0x6: {  	s10 =	sand.u32 $0x1, s2;
	[smem:$0x7FF] =	sst s3;
	s2 =	stileid.u32  }
0x7: {  	s4 =	sadd.s32 $0xEA00, s9;
	s6 =	sadd.s32 $0x2000, s9;
	s5 =	sshll.u32 s10, $0x4  }
0x8: {  	v0 =	vlaneseq.u32;
	s7 =	sadd.s32 $0x4A00, s9;
	s10 =	ssub.s32 $0x2, s10;
	s11 =	sor.u32 s2, s5  }
0x9: {  	s8 =	sadd.s32 $0x18800, s9;
	v1 =	vmul.u32 $0x4, v0;
	s13 =	sshrl.u32 s10, $0x1;
	s12 =	smul.u32 $0x1388, s11  }
0xa: {  	_ =	strace $0x80000047;
	s5 =	sadd.s32 $0x4C00, s9;
	s13 =	ssub.s32 s10, s13  }
0xb: {  	v6 =	vand.u32 $0x3, v0;
	v2 =	vor.u32 $0x100, v1;
	s10 =	smul.u32 $0x2710, s11;
	s12 =	sadd.s32 s12, s9;
	s9 =	sadd.s32 $0x40E00, s9  }
0xc: {  	v3 =	vor.u32 $0x101, v1;
	v4 =	vor.u32 $0x102, v1;
	v5 =	vor.u32 $0x103, v1;
	s11 =	sadd.s32 $0x19C00, s12;
	s12 =	smax.u32 s13, $0x1;
	s13 =	simm.s32 $0x1980  }
.LBB2_1:
0xd: {  	[tilespmem:s13], [sflag:$0x1] =	stream.linear.gather [hbm4b:s6+s3], $0x13880, $0x38;
	[tilespmem:$0x1EF00] =	vst v63  }
0xe: {  	_ =	swait.ge [sflag:s14], $0x13880  }
0xf: {  	[sflag:s14] =	ssyncset.done $0x0  }
0x10: {  	[sflag:s14] =	ssyncadd.s32 $0xFFFEC780  }
0x11: {  	[tilespmem:s15], [sflag:$0x1] =	stream.linear.gather [hbm4b:s7+s3], $0x80, $0x38;
	[tilespmem:$0x1EF00] =	vst v63  }
0x12: {  	_ =	swait.ge [sflag:s14], $0x80  }
0x13: {  	[sflag:s14] =	ssyncset.done $0x0  }
0x14: {  	[sflag:s14] =	ssyncadd.s32 $0xFFFFFF80  }
0x15: {  	[tilespmem:s16], [sflag:$0x1] =	stream.linear.gather [hbm4b:s8+s3], $0x9C80, $0x38;
	[tilespmem:$0x1EF00] =	vst v63  }
0x16: {  	_ =	swait.ge [sflag:s14], $0x9C80  }
0x17: {  	[sflag:s14] =	ssyncset.done $0x0  }
0x18: {  	s21 =	simm.s32 $0x0;
	[sflag:s14] =	ssyncadd.s32 $0xFFFF6380  }
.LBB2_2:
0x19: {  	s22 =	smul.u32 $0x7D0, s21;
	_ =	sdelay $0x1  }
0x1a: {  	s22 =	sadd.s32 s10, s22  }
0x1b: {  	s24 =	sshrl.u32 s22, $0x3  }
0x1c: {  	s23 =	simm.s32 $0x0;
	s25 =	sadd.s32 s4, s24  }
0x1d: {  	[tilespmem:s23], [sflag:$0x1] =	stream.linear.gather [hbm4b:s25+s23], $0x7D0, $0x38;
	[tilespmem:$0x1EF00] =	vst v63  }
0x1e: {  	_ =	swait.ge [sflag:s14], $0x7D0  }
0x1f: {  	[sflag:s14] =	ssyncset.done $0x0  }
0x20: {  	s31 =	sadd.s32 s5, s24;
	[sflag:s14] =	ssyncadd.s32 $0xFFFFF830  }
0x21: {  	[tilespmem:s17], [sflag:$0x1] =	stream.linear.gather [hbm4b:s31+s23], $0x7D0, $0x38;
	[tilespmem:$0x1EF00] =	vst v63  }
0x22: {  	_ =	swait.ge [sflag:s14], $0x7D0  }
0x23: {  	[sflag:s14] =	ssyncset.done $0x0  }
0x24: {  	s24 =	sadd.s32 s1, s24;
	[sflag:s14] =	ssyncadd.s32 $0xFFFFF830  }
0x25: {  	[tilespmem:s18], [sflag:$0x1] =	stream.linear.gather [hbm4b:s24+s23], $0x7D0, $0x38;
	[tilespmem:$0x1EF00] =	vst v63  }
0x26: {  	_ =	swait.ge [sflag:s14], $0x7D0  }
0x27: {  	[sflag:s14] =	ssyncset.done $0x0  }
0x28: {  	[sflag:s14] =	ssyncadd.s32 $0xFFFFF830  }
.LBB2_3:
0x29: {  	s24 =	smul.u32 $0x50, s23  }
0x2a: {  	p0 =	por $0x1, $0x1;
	s26 =	simm.s32 $0x0  }
.LBB2_4:
0x2b: {  	s25 =	sadd.s32 s24, s26  }
0x2c: {  	v7 =	vor.u32 s25, v0;
	_ =	sdelay $0x4  }
0x2d: {  	v8 =	vld.idx.msk [tilespmem:v7+s3+$0x0], $0xffff  }
0x2e: {  	s31 =	sor.u32 $0x10, s26;
	v9 =	vld.idx.msk [tilespmem:v7+s17+$0x0], $0xffff  }
0x2f: {  	s28 =	sadd.s32 s24, s31;
	v7 =	vld.idx.msk [tilespmem:v7+s18+$0x0], $0xffff  }
0x30: {  	v12 =	vor.u32 s28, v0;
	_ =	sdelay $0x2  }
0x31: {  	v8 =	vshll.u32 v8, $0x3  }
0x32: {  	v9 =	vshll.u32 v9, $0x3;
	v7 =	vshll.u32 v7, $0x2  }
0x33: {  	v18 =	vld.idx.msk [tilespmem:v12+s3+$0x0], $0xffff;
	v10 =	vor.u32 $0x4, v9  }
0x34: {  	v20 =	vld.idx.msk [tilespmem:v12+s17+$0x0], $0xffff;
	v11 =	vor.u32 $0x1, v8  }
0x35: {  	v12 =	vld.idx.msk [tilespmem:v12+s18+$0x0], $0xffff;
	v14 =	vor.u32 $0x5, v9  }
0x36: {  	v16 =	vor.u32 $0x1, v7;
	v13 =	vld.idx.msk [tilespmem:v8+s13+$0x0], $0xffff  }
0x37: {  	v17 =	vor.u32 $0x2, v8;
	v15 =	vld.idx.msk [tilespmem:v7+s15+$0x0], $0xffff  }
0x38: {  	v19 =	vor.u32 $0x6, v9;
	v10 =	vld.idx.msk [tilespmem:v10+s13+$0x0], $0xffff  }
0x39: {  	v21 =	vor.u32 $0x2, v7;
	v11 =	vld.idx.msk [tilespmem:v11+s13+$0x0], $0xffff  }
0x3a: {  	v9 =	vor.u32 $0x7, v9;
	v14 =	vld.idx.msk [tilespmem:v14+s13+$0x0], $0xffff  }
0x3b: {  	v18 =	vshll.u32 v18, $0x3;
	v16 =	vld.idx.msk [tilespmem:v16+s15+$0x0], $0xffff  }
0x3c: {  	v20 =	vshll.u32 v20, $0x3;
	v12 =	vshll.u32 v12, $0x2;
	v17 =	vld.idx.msk [tilespmem:v17+s13+$0x0], $0xffff  }
0x3d: {  	v22 =	vor.u32 $0x4, v20;
	v19 =	vld.idx.msk [tilespmem:v19+s13+$0x0], $0xffff  }
0x3e: {  	v23 =	vor.u32 $0x1, v18;
	v21 =	vld.idx.msk [tilespmem:v21+s15+$0x0], $0xffff  }
0x3f: {  	v24 =	vor.u32 $0x5, v20;
	v9 =	vld.idx.msk [tilespmem:v9+s13+$0x0], $0xffff  }
0x40: {  	v26 =	vor.u32 $0x1, v12;
	v25 =	vld.idx.msk [tilespmem:v18+s13+$0x0], $0xffff  }
0x41: {  	v8 =	vor.u32 $0x3, v8;
	v63 =	vld.idx.msk [tilespmem:v12+s15+$0x0], $0xffff  }
0x42: {  	v7 =	vor.u32 $0x3, v7;
	v22 =	vld.idx.msk [tilespmem:v22+s13+$0x0], $0xffff  }
0x43: {  	v27 =	vor.u32 $0x2, v18;
	v18 =	vor.u32 $0x3, v18;
	v30 =	vld.idx.msk [tilespmem:v23+s13+$0x0], $0xffff  }
0x44: {  	v33 =	vor.u32 $0x7, v20;
	v32 =	vld.idx.msk [tilespmem:v24+s13+$0x0], $0xffff  }
0x45: {  	v34 =	vld.idx.msk [tilespmem:v26+s15+$0x0], $0xffff;
	v10 =	vadd.f32 v10, v13  }
0x46: {  	v28 =	vor.u32 $0x6, v20;
	v8 =	vld.idx.msk [tilespmem:v8+s13+$0x0], $0xffff;
	v11 =	vadd.f32 v14, v11  }
0x47: {  	v35 =	vor.u32 $0x2, v12;
	v12 =	vor.u32 $0x3, v12;
	v7 =	vld.idx.msk [tilespmem:v7+s15+$0x0], $0xffff;
	v10 =	vadd.f32 v15, v10  }
0x48: {  	v18 =	vld.idx.msk [tilespmem:v18+s13+$0x0], $0xffff;
	v11 =	vadd.f32 v16, v11  }
0x49: {  	v31 =	vadd.f32 v19, v17;
	v19 =	vld.idx.msk [tilespmem:v33+s13+$0x0], $0xffff;
	v36 =	vmul.f32 $9.999999770e-03, v10  }
0x4a: {  	v37 =	vld.idx.msk [tilespmem:v27+s13+$0x0], $0xffff;
	v38 =	vmul.f32 $9.999999770e-03, v11  }
0x4b: {  	v39 =	vld.idx.msk [tilespmem:v28+s13+$0x0], $0xffff;
	v15 =	vadd.f32 v21, v31;
	v8 =	vadd.f32 v9, v8;
	v10 =	vmax.f32 v10, v36  }
0x4c: {  	v12 =	vld.idx.msk [tilespmem:v12+s15+$0x0], $0xffff;
	v42 =	vadd.f32 v22, v25;
	v11 =	vmax.f32 v11, v38;
	v10 =	vmul.f32 $1.442695020e+00, v10  }
0x4d: {  	v41 =	vld.idx.msk [tilespmem:v35+s15+$0x0], $0xffff;
	v40 =	vmul.f32 $9.999999770e-03, v15;
	v7 =	vadd.f32 v7, v8;
	v8 =	vmul.f32 $1.442695020e+00, v11  }
0x4e: {  	v44 =	vadd.f32 v63, v42;
	v46 =	vadd.f32 v19, v18;
	(erf) = vpow2.f32 v10  }
0x4f: {  	v9 =	vmax.f32 v15, v40;
	(erf) = vpow2.f32 v8;
	v8 =	vadd.f32 v32, v30  }
0x50: {  	v45 =	vadd.f32 v39, v37;
	v9 =	vmul.f32 $1.442695020e+00, v9;
	v43 =	vmul.f32 $9.999999770e-03, v7  }
0x51: {  	v48 =	vmul.f32 $9.999999770e-03, v44;
	v12 =	vadd.f32 v12, v46;
	v8 =	vadd.f32 v34, v8  }
0x52: {  	v10 =	vadd.f32 v41, v45;
	v7 =	vmax.f32 v7, v43;
	(erf) = vpow2.f32 v9  }
0x53: {  	v7 =	vmul.f32 $1.442695020e+00, v7;
	v9 =	vmax.f32 v44, v48;
	v49 =	vmul.f32 $9.999999770e-03, v8  }
0x54: {  	v47 =	vmov s26;
	v50 =	vmul.f32 $9.999999770e-03, v10;
	v9 =	vmul.f32 $1.442695020e+00, v9  }
0x55: {  	v51 =	vmul.f32 $9.999999770e-03, v12;
	(erf) = vpow2.f32 v7;
	v8 =	vmax.f32 v8, v49  }
0x56: {  	(erf) = vpow2.f32 v9;
	v7 =	vmul.f32 $1.442695020e+00, v8;
	v8 =	vmax.f32 v10, v50  }
0x57: {  	v14 =	vshll.u32 v47, $0x2;
	v52 =	vmax.f32 v12, v51;
	v8 =	vmul.f32 $1.442695020e+00, v8  }
0x58: {  	v53 =	vor.u32 v1, v14;
	(erf) = vpow2.f32 v7;
	v7 =	vmul.f32 $1.442695020e+00, v52  }
0x59: {  	v55 =	vmov s31;
	v54 =	vor.u32 $0x1, v53;
	(erf) = vpow2.f32 v8  }
0x5a: {  	v11 =	vshll.u32 v55, $0x2;
	v8 =	vor.u32 $0x2, v53;
	(erf) = vpow2.f32 v7  }
0x5b: {  	v11 =	vor.u32 v1, v11;
	v56 =	vpop (erf)  }
0x5c: {  	v57 =	vpop (erf);
	v7 =	vor.u32 $0x3, v53  }
0x5d: {  	v58 =	vor.u32 $0x1, v11;
	[tilespmem:v53+s19+$0x0] =	vst.idx.msk $0xffff, v56;
	v59 =	vpop (erf)  }
0x5e: {  	v60 =	vor.u32 $0x2, v11;
	[tilespmem:v54+s19+$0x0] =	vst.idx.msk $0xffff, v57;
	v61 =	vpop (erf)  }
0x5f: {  	p1 =	por p0, p0;
	v62 =	vpop (erf);
	[tilespmem:v8+s19+$0x0] =	vst.idx.msk $0xffff, v59;
	v8 =	vor.u32 $0x3, v11  }
.Ltmp0:
0x60: {  	[tilespmem:v11+s19+$0x0] =	vst.idx.msk $0xffff, v62;
	(pc) =	sbr.rel @p1 .LBB2_4-.Ltmp0, $4  }
0x61: {  	[tilespmem:v7+s19+$0x0] =	vst.idx.msk $0xffff, v61;
	v7 =	vpop (erf)  }
0x62: {  	v63 =	vpop (erf);
	[tilespmem:v58+s19+$0x0] =	vst.idx.msk $0xffff, v7  }
0x63: {  	v7 =	vpop (erf);
	[tilespmem:v60+s19+$0x0] =	vst.idx.msk $0xffff, v63  }
0x64: {  	s26 =	simm.s32 $0x20;
	p0 =	por $0x0, $0x0;
	[tilespmem:v8+s19+$0x0] =	vst.idx.msk $0xffff, v7  }
0x65: {  	s25 =	sadd.s32 $0x40, s24  }
0x66: {  	v7 =	vor.u32 s25, v0;
	_ =	sdelay $0x3  }
0x67: {  	s26 =	simm.s32 $0x0  }
0x68: {  	v8 =	vld.idx.msk [tilespmem:v7+s26+$0x0], $0xffff  }
0x69: {  	v9 =	vld.idx.msk [tilespmem:v7+s17+$0x0], $0xffff  }
0x6a: {  	v7 =	vld.idx.msk [tilespmem:v7+s18+$0x0], $0xffff;
	_ =	sdelay $0x3  }
0x6b: {  	v8 =	vshll.u32 v8, $0x3  }
0x6c: {  	v9 =	vshll.u32 v9, $0x3;
	v7 =	vshll.u32 v7, $0x2  }
0x6d: {  	v10 =	vor.u32 $0x4, v9  }
0x6e: {  	v11 =	vor.u32 $0x1, v8  }
0x6f: {  	v12 =	vor.u32 $0x5, v9  }
0x70: {  	v14 =	vor.u32 $0x1, v7;
	v13 =	vld.idx.msk [tilespmem:v8+s13+$0x0], $0xffff  }
0x71: {  	v15 =	vor.u32 $0x2, v8;
	v16 =	vld.idx.msk [tilespmem:v7+s15+$0x0], $0xffff  }
0x72: {  	v17 =	vor.u32 $0x6, v9;
	v10 =	vld.idx.msk [tilespmem:v10+s13+$0x0], $0xffff  }
0x73: {  	v9 =	vor.u32 $0x7, v9;
	v11 =	vld.idx.msk [tilespmem:v11+s13+$0x0], $0xffff  }
0x74: {  	v8 =	vor.u32 $0x3, v8;
	v12 =	vld.idx.msk [tilespmem:v12+s13+$0x0], $0xffff  }
0x75: {  	v18 =	vor.u32 $0x2, v7;
	v14 =	vld.idx.msk [tilespmem:v14+s15+$0x0], $0xffff  }
0x76: {  	v7 =	vor.u32 $0x3, v7;
	v15 =	vld.idx.msk [tilespmem:v15+s13+$0x0], $0xffff  }
0x77: {  	v17 =	vld.idx.msk [tilespmem:v17+s13+$0x0], $0xffff  }
0x78: {  	v9 =	vld.idx.msk [tilespmem:v9+s13+$0x0], $0xffff  }
0x79: {  	v8 =	vld.idx.msk [tilespmem:v8+s13+$0x0], $0xffff  }
0x7a: {  	v18 =	vld.idx.msk [tilespmem:v18+s15+$0x0], $0xffff  }
0x7b: {  	v7 =	vld.idx.msk [tilespmem:v7+s15+$0x0], $0xffff;
	v10 =	vadd.f32 v10, v13  }
0x7c: {  	v11 =	vadd.f32 v12, v11  }
0x7d: {  	v12 =	vadd.f32 v17, v15;
	v10 =	vadd.f32 v16, v10  }
0x7e: {  	v11 =	vadd.f32 v14, v11;
	v8 =	vadd.f32 v9, v8  }
0x7f: {  	v12 =	vadd.f32 v18, v12;
	v9 =	vmul.f32 $9.999999770e-03, v10  }
0x80: {  	v13 =	vmul.f32 $9.999999770e-03, v11;
	v7 =	vadd.f32 v7, v8  }
0x81: {  	v8 =	vmax.f32 v10, v9;
	v9 =	vmul.f32 $9.999999770e-03, v12  }
0x82: {  	v10 =	vmax.f32 v11, v13;
	v8 =	vmul.f32 $1.442695020e+00, v8;
	v11 =	vmul.f32 $9.999999770e-03, v7  }
0x83: {  	v10 =	vmul.f32 $1.442695020e+00, v10;
	v9 =	vmax.f32 v12, v9  }
0x84: {  	(erf) = vpow2.f32 v8;
	v8 =	vmul.f32 $1.442695020e+00, v9;
	v7 =	vmax.f32 v7, v11  }
0x85: {  	(erf) = vpow2.f32 v10;
	v7 =	vmul.f32 $1.442695020e+00, v7  }
0x86: {  	(erf) = vpow2.f32 v8  }
0x87: {  	(erf) = vpow2.f32 v7  }
0x88: {  	s25 =	sadd.s32 $0x0, s24  }
0x89: {  	s26 =	sadd.s32 $0x2, s25  }
0x8a: {  	v7 =	vmov s26  }
0x8b: {  	s31 =	sadd.s32 $0x1, s25;
	v7 =	vand.u32 $0xFFFFFFFE, v7  }
0x8c: {  	v10 =	vmov s31;
	v7 =	vbroadcast v7, $0x0  }
0x8d: {  	v9 =	vpop (erf)  }
0x8e: {  	v8 =	vmov s25;
	v11 =	vpop (erf);
	[tilespmem:v2+s19+$0x0] =	vst.idx.msk $0xffff, v9;
	v9 =	vand.u32 $0xFFFFFFFD, v10  }
0x8f: {  	v8 =	vand.u32 $0xFFFFFFFC, v8;
	v10 =	vpop (erf);
	[tilespmem:v3+s19+$0x0] =	vst.idx.msk $0xffff, v11;
	v9 =	vbroadcast v9, $0x0  }
0x90: {  	v8 =	vbroadcast v8, $0x0;
	[tilespmem:v4+s19+$0x0] =	vst.idx.msk $0xffff, v10;
	v11 =	vpop (erf)  }
0x91: {  	s25 =	sadd.s32 $0x3, s25;
	s26 =	simm.s32 $0xC;
	[tilespmem:v5+s19+$0x0] =	vst.idx.msk $0xffff, v11  }
0x92: {  	s31 =	simm.s32 $0x8;
	v10 =	vmov s25;
	v11 =	vld.idx.msk [tilespmem:v7+s17+$0x0], $0xffff;
	v7 =	vor.u32 s26, v6;
	s26 =	sadd.s32 $0x4, s24  }
0x93: {  	s28 =	simm.s32 $0x0;
	v12 =	vor.u32 s31, v6;
	v13 =	vmov s26  }
0x94: {  	s29 =	simm.s32 $0x4;
	v14 =	vor.u32 s28, v6;
	s31 =	sadd.s32 $0x2, s26;
	v13 =	vand.u32 $0xFFFFFFFC, v13  }
0x95: {  	v15 =	vmov s31;
	v16 =	vld.idx.msk [tilespmem:v9+s17+$0x0], $0xffff;
	v9 =	vor.u32 s29, v6;
	v13 =	vbroadcast v13, $0x0  }
0x96: {  	v8 =	vld.idx.msk [tilespmem:v8+s17+$0x0], $0xffff;
	s31 =	sadd.s32 $0x1, s26;
	v15 =	vand.u32 $0xFFFFFFFE, v15  }
0x97: {  	v18 =	vld.idx.msk [tilespmem:v10+s17+$0x0], $0xffff;
	v10 =	vmov s31;
	v15 =	vbroadcast v15, $0x0  }
0x98: {  	v19 =	vld.idx.msk [tilespmem:v12+s19+$0x0], $0xffff;
	v10 =	vand.u32 $0xFFFFFFFD, v10;
	v11 =	vshll.u32 v11, $0x2  }
0x99: {  	v20 =	vbroadcast v10, $0x0;
	v10 =	vld.idx.msk [tilespmem:v14+s19+$0x0], $0xffff;
	v21 =	vor.u32 v6, v11  }
0x9a: {  	s26 =	sadd.s32 $0x3, s26;
	v14 =	vld.idx.msk [tilespmem:v9+s19+$0x0], $0xffff  }
0x9b: {  	v22 =	vmov s26;
	v9 =	vld.idx.msk [tilespmem:v13+s17+$0x0], $0xffff;
	v13 =	vshll.u32 v16, $0x2  }
0x9c: {  	v7 =	vld.idx.msk [tilespmem:v7+s19+$0x0], $0xffff;
	v8 =	vshll.u32 v8, $0x2;
	v17 =	vor.u32 v6, v13  }
0x9d: {  	s25 =	simm.s32 $0x1C;
	v12 =	vor.u32 v6, v8;
	v11 =	vld.idx.msk [tilespmem:v15+s17+$0x0], $0xffff  }
0x9e: {  	s30 =	simm.s32 $0x18;
	s31 =	simm.s32 $0x10;
	[tilespmem:v21+s16+$0x0] =	vst.idx.add.f32.msk $0xf, v19;
	v19 =	vor.u32 s25, v6  }
0x9f: {  	s28 =	sadd.s32 $0x8, s24;
	s29 =	simm.s32 $0x14;
	v8 =	vshll.u32 v18, $0x2;
	v18 =	vor.u32 s31, v6;
	v15 =	vld.idx.msk [tilespmem:v20+s17+$0x0], $0xffff;
	v20 =	vor.u32 s30, v6  }
0xa0: {  	s26 =	simm.s32 $0xC;
	v8 =	vor.u32 v6, v8;
	v16 =	vor.u32 s29, v6;
	s29 =	sadd.s32 $0x1, s28;
	v13 =	vld.idx.msk [tilespmem:v22+s17+$0x0], $0xffff;
	v21 =	vmov s28;
	s30 =	sadd.s32 $0x2, s28  }
.LBB2_6:
0xa1: {  	p0 =	slt.u32 s26, $0x4C;
	v21 =	vand.u32 $0xFFFFFFFC, v21;
	v22 =	vmov s29;
	v23 =	vmov s30;
	s28 =	sadd.s32 $0x3, s28;
	[tilespmem:v17+s16+$0x0] =	vst.idx.add.f32.msk $0xf, v14  }
0xa2: {  	v21 =	vbroadcast v21, $0x0;
	v14 =	vand.u32 $0xFFFFFFFD, v22;
	v17 =	vand.u32 $0xFFFFFFFE, v23;
	[tilespmem:v12+s16+$0x0] =	vst.idx.add.f32.msk $0xf, v10  }
0xa3: {  	v24 =	vmov s28;
	v22 =	vbroadcast v14, $0x0;
	v23 =	vbroadcast v17, $0x0;
	v19 =	vld.idx.msk [tilespmem:v19+s19+$0x0], $0xffff  }
0xa4: {  	v9 =	vshll.u32 v9, $0x2;
	v11 =	vshll.u32 v11, $0x2;
	v20 =	vld.idx.msk [tilespmem:v20+s19+$0x0], $0xffff  }
0xa5: {  	v12 =	vor.u32 v6, v9;
	v9 =	vshll.u32 v15, $0x2;
	v15 =	vor.u32 v6, v11;
	v10 =	vld.idx.msk [tilespmem:v18+s19+$0x0], $0xffff  }
0xa6: {  	v17 =	vor.u32 v6, v9;
	v9 =	vshll.u32 v13, $0x2;
	v14 =	vld.idx.msk [tilespmem:v16+s19+$0x0], $0xffff  }
0xa7: {  	[tilespmem:v8+s16+$0x0] =	vst.idx.add.f32.msk $0xf, v7;
	v8 =	vor.u32 v6, v9  }
.Ltmp1:
0xa8: {  	v9 =	vld.idx.msk [tilespmem:v21+s17+$0x0], $0xffff;
	(pc) =	sbr.rel @p0 .LBB2_6-.Ltmp1, $4  }
0xa9: {  	s25 =	sadd.s32 $0x10, s25;
	v7 =	vmov v19;
	v11 =	vld.idx.msk [tilespmem:v23+s17+$0x0], $0xffff  }
0xaa: {  	s29 =	sadd.s32 $0xFFFFFFF4, s25;
	s30 =	sadd.s32 $0xFFFFFFF8, s25;
	s31 =	sadd.s32 $0xFFFFFFFC, s25;
	v19 =	vor.u32 s25, v6;
	[tilespmem:v15+s16+$0x0] =	vst.idx.add.f32.msk $0xf, v20  }
0xab: {  	s28 =	sadd.s32 s24, s26;
	v18 =	vor.u32 s29, v6;
	v16 =	vor.u32 s30, v6;
	v20 =	vor.u32 s31, v6;
	v15 =	vld.idx.msk [tilespmem:v22+s17+$0x0], $0xffff  }
0xac: {  	s26 =	sadd.s32 $0x4, s26;
	s29 =	sadd.s32 $0x1, s28;
	s30 =	sadd.s32 $0x2, s28;
	v21 =	vmov s28;
	v13 =	vld.idx.msk [tilespmem:v24+s17+$0x0], $0xffff  }
0xad: {  	_ =	sdelay $0x3  }
0xae: {  	[tilespmem:v17+s16+$0x0] =	vst.idx.add.f32.msk $0xf, v14  }
0xaf: {  	v21 =	vand.u32 $0xFFFFFFFC, v21;
	v22 =	vmov s30;
	[tilespmem:v12+s16+$0x0] =	vst.idx.add.f32.msk $0xf, v10;
	s26 =	sadd.s32 $0x3, s28  }
0xb0: {  	v46 =	vmov s29;
	[tilespmem:v8+s16+$0x0] =	vst.idx.add.f32.msk $0xf, v7;
	v7 =	vshll.u32 v9, $0x2;
	v53 =	vmov s26  }
0xb1: {  	v18 =	vld.idx.msk [tilespmem:v18+s19+$0x0], $0xffff;
	v47 =	vbroadcast v21, $0x0;
	v48 =	vand.u32 $0xFFFFFFFE, v22;
	v7 =	vor.u32 v6, v7  }
0xb2: {  	v51 =	vld.idx.msk [tilespmem:v19+s19+$0x0], $0xffff;
	v49 =	vand.u32 $0xFFFFFFFD, v46;
	v50 =	vbroadcast v48, $0x0  }
0xb3: {  	v52 =	vld.idx.msk [tilespmem:v20+s19+$0x0], $0xffff;
	v10 =	vbroadcast v49, $0x0  }
0xb4: {  	v16 =	vld.idx.msk [tilespmem:v16+s19+$0x0], $0xffff;
	s25 =	sadd.s32 $0x10, s25  }
0xb5: {  	v59 =	vor.u32 s25, v6;
	v15 =	vshll.u32 v15, $0x2;
	v58 =	vld.idx.msk [tilespmem:v53+s17+$0x0], $0xffff  }
0xb6: {  	v11 =	vshll.u32 v11, $0x2;
	v8 =	vor.u32 v6, v15;
	[tilespmem:v7+s16+$0x0] =	vst.idx.add.f32.msk $0xf, v18  }
0xb7: {  	s31 =	sadd.s32 $0xFFFFFFF4, s25;
	v11 =	vor.u32 v6, v11;
	v54 =	vld.idx.msk [tilespmem:v47+s17+$0x0], $0xffff  }
0xb8: {  	s29 =	sadd.s32 $0xFFFFFFFC, s25;
	v57 =	vor.u32 s31, v6;
	v12 =	vld.idx.msk [tilespmem:v50+s17+$0x0], $0xffff  }
0xb9: {  	s30 =	sadd.s32 $0xFFFFFFF8, s25;
	v55 =	vor.u32 s29, v6;
	v10 =	vld.idx.msk [tilespmem:v10+s17+$0x0], $0xffff  }
0xba: {  	v56 =	vor.u32 s30, v6;
	v13 =	vshll.u32 v13, $0x2;
	v63 =	vld.idx.msk [tilespmem:v59+s19+$0x0], $0xffff  }
0xbb: {  	[tilespmem:v8+s16+$0x0] =	vst.idx.add.f32.msk $0xf, v16;
	v8 =	vor.u32 v6, v13;
	v62 =	vshll.u32 v58, $0x2  }
0xbc: {  	[tilespmem:v11+s16+$0x0] =	vst.idx.add.f32.msk $0xf, v52;
	v9 =	vshll.u32 v54, $0x2;
	v15 =	vor.u32 v6, v62  }
0xbd: {  	v61 =	vld.idx.msk [tilespmem:v57+s19+$0x0], $0xffff;
	v7 =	vshll.u32 v12, $0x2;
	v9 =	vor.u32 v6, v9  }
0xbe: {  	v60 =	vld.idx.msk [tilespmem:v55+s19+$0x0], $0xffff;
	v10 =	vshll.u32 v10, $0x2;
	v7 =	vor.u32 v6, v7  }
0xbf: {  	v11 =	vld.idx.msk [tilespmem:v56+s19+$0x0], $0xffff;
	v10 =	vor.u32 v6, v10  }
0xc0: {  	[tilespmem:v8+s16+$0x0] =	vst.idx.add.f32.msk $0xf, v51  }
0xc1: {  	[tilespmem:v15+s16+$0x0] =	vst.idx.add.f32.msk $0xf, v63  }
0xc2: {  	s24 =	sadd.s32 s22, s24;
	s23 =	sadd.s32 $0x1, s23;
	[tilespmem:v9+s16+$0x0] =	vst.idx.add.f32.msk $0xf, v61  }
0xc3: {  	s24 =	sshrl.u32 s24, $0x1;
	p0 =	sne.s32 s23, $0x19;
	[tilespmem:v7+s16+$0x0] =	vst.idx.add.f32.msk $0xf, v60  }
.Ltmp2:
0xc4: {  	s24 =	sadd.s32 s9, s24;
	[tilespmem:v10+s16+$0x0] =	vst.idx.add.f32.msk $0xf, v11;
	(pc) =	sbr.rel @p0 .LBB2_3-.Ltmp2, $4  }
0xc5: {  	[hbm4b:s24+s3] =	stream.linear.scatter [tilespmem:s19], [sflag:$0x1], $0x140, $0x38;
	[tilespmem:$0x1EF00] =	vst v63  }
0xc6: {  	_ =	swait.ge [sflag:s14], $0x140  }
0xc7: {  	[sflag:s14] =	ssyncset.done $0x0  }
0xc8: {  	[sflag:s14] =	ssyncadd.s32 $0xFFFFFEC0  }
0xc9: {  	s21 =	sadd.s32 $0x1, s21  }
0xca: {  	p0 =	sne.s32 s21, $0x5  }
.Ltmp3:
0xcb: {  	_ = 	snop;
	(pc) =	sbr.rel @p0 .LBB2_2-.Ltmp3, $1  }
0xcc: {  	_ =	sdelay $0x3  }
0xcd: {  	s20 =	sadd.s32 $0x1, s20  }
0xce: {  	p0 =	sne.s32 s20, s12  }
.Ltmp4:
0xcf: {  	_ = 	snop;
	(pc) =	sbr.rel @p0 .LBB2_1-.Ltmp4, $4  }
0xd0: {  	[hbm4b:s11+s3] =	stream.linear.scatter [tilespmem:s16], [sflag:$0x1], $0x9C40, $0x38;
	[tilespmem:$0x1EF00] =	vst v63  }
0xd1: {  	_ =	swait.ge [sflag:s14], $0x9C40  }
0xd2: {  	[sflag:s14] =	ssyncset.done $0x0  }
0xd3: {  	[sflag:s14] =	ssyncadd.s32 $0xFFFF63C0  }
0xd4: {  	_ =	sfence.sel $0x180000  }
0xd5: {  	[bflag:$0x0] =	sbarrier.arrive $0xFFFF  }
0xd6: {  	p0 =	sne.s32 s2, $0x0;
	_ =	strace $0x90000047  }
0xd7: {  	s0 =	sadd.s32 @!p0 $0x100000, s0;
	[bflag:$0x2] =	sbarrier.arrive $0xFFFF  }
0xd8: {  	[sflag:s0] =	ssyncadd.tile.s32 @!p0 $0x1;
	_ =	shalt  }
.Lfunc_end2:
_tile_overlayer_lowered:
.L_overlay_start_2:
0xd9: {  	(tag) =	ssettag $0x2  }
0xda: {  	s0 =	rddreg [dreg:$0x0];
	s2 =	stileid.u32  }
0xdb: {  	s1 =	rddreg [dreg:$0x1];
	p0 =	sne.s32 s2, $0x0  }
0xdc: {  	s3 =	rddreg [dreg:$0x2];
	[bflag:$0x3] =	sbarrier.arrive $0xFFFF;
	s2 =	simm.s32 @!p0 $0x1C01  }
0xdd: {  	[timem:s3], [sflag:s2] =	dma.local @!p0 [hbm:s0], s1  }
0xde: {  	s0 =	simm.s32 @!p0 $0x1  }
0xdf: {  	_ =	swait.ge @!p0 [sflag:s0], s1  }
0xe0: {  	s1 =	ssub.s32 @!p0 $0x0, s1;
	[sflag:s0] =	ssyncset.done @!p0 $0x0  }
0xe1: {  	[sflag:s0] =	ssyncadd.s32 @!p0 s1  }
0xe2: {  	[bflag:$0x3] =	sbarrier.arrive $0xFFFF  }
0xe3: {  	_ =	shalt  }

</sc_bundles>
